<compile_context>
chip_gen: v7x
topology: tpu7x:2x2x1
jax: 0.10.2.dev20260603
libtpu: 0.0.44.dev20260713+nightly
codegen_flags: <defaults>
</compile_context>

<pallas_src>
import functools

import jax
import jax.numpy as jnp
from jax import lax
from jax.experimental import pallas as pl
from jax.experimental.pallas import tpu as pltpu
from jax.experimental.pallas import tpu_sc as plsc

B, C, H, W = 8, 768, 32, 32
HW = H * W
NPIX = B * HW
NREF = 4
LANES = 16
NC, NS = 2, 16
NW = NC * NS
PPW = NPIX // NW
GROUP = 8
GPW = PPW // GROUP
SCALE = 1.0 / float(C) ** 0.5
NT = (((1,), (1,)), ((), ()))


def _tc1_body(x_ref, wq_ref, wk_ref, wo_ref, bq_ref, bk_ref, bo_ref,
              s_ref, gidx_ref):
    b = pl.program_id(0)
    xt = x_ref[0]
    q = lax.dot_general(xt, wq_ref[...], NT,
                        preferred_element_type=jnp.float32) + bq_ref[...]
    k = lax.dot_general(xt.astype(jnp.bfloat16),
                        wk_ref[...].astype(jnp.bfloat16), NT,
                        preferred_element_type=jnp.float32) + bk_ref[...]
    s = lax.dot_general(q.astype(jnp.bfloat16), k.astype(jnp.bfloat16),
                        NT, preferred_element_type=jnp.float32)
    for c in range(HW // 128):
        s_ref[c] = s[:, c * 128:(c + 1) * 128]
    off = lax.dot_general(wo_ref[...], q, NT,
                          preferred_element_type=jnp.float32) + bo_ref[...]
    p = lax.broadcasted_iota(jnp.int32, (1, HW), 1)
    ypix = (p // W).astype(jnp.float32)
    xpix = (p % W).astype(jnp.float32)
    for r in range(NREF):
        rx = jnp.floor(jnp.clip(xpix + off[2 * r:2 * r + 1, :], 0.0, W - 1.0))
        ry = jnp.floor(jnp.clip(ypix + off[2 * r + 1:2 * r + 2, :], 0.0, H - 1.0))
        gidx_ref[r:r + 1, :] = (b * HW + ry.astype(jnp.int32) * W
                                + rx.astype(jnp.int32))


_tc1_call = pl.pallas_call(
    _tc1_body,
    grid=(B,),
    in_specs=[
        pl.BlockSpec((1, HW, C), lambda i: (i, 0, 0)),
        pl.BlockSpec((C, C), lambda i: (0, 0)),
        pl.BlockSpec((C, C), lambda i: (0, 0)),
        pl.BlockSpec((2 * NREF, C), lambda i: (0, 0)),
        pl.BlockSpec((1, C), lambda i: (0, 0)),
        pl.BlockSpec((1, C), lambda i: (0, 0)),
        pl.BlockSpec((2 * NREF, 1), lambda i: (0, 0)),
    ],
    out_specs=[
        pl.BlockSpec((HW // 128, HW, 128), lambda i: (0, i, 0)),
        pl.BlockSpec((NREF, HW), lambda i: (0, i)),
    ],
    out_shape=[
        jax.ShapeDtypeStruct((HW // 128, NPIX, 128), jnp.float32),
        jax.ShapeDtypeStruct((NREF, NPIX), jnp.int32),
    ],
)


def _lane_perm(vec, perm):
    return lax.gather(
        vec, perm[:, None],
        lax.GatherDimensionNumbers(offset_dims=(), collapsed_slice_dims=(0,),
                                   start_index_map=(0,)),
        slice_sizes=(1,), mode=lax.GatherScatterMode.PROMISE_IN_BOUNDS)


def _lane_splat(vec, lane):
    return _lane_perm(vec, jnp.broadcast_to(lane, (LANES,)))


def _sc_body(s2, gidxt, attz, idx_all, sidx_v, s_v, att_all, sem_in):
    wid = lax.axis_index("s") * NC + lax.axis_index("c")
    g0 = wid * GPW
    pltpu.sync_copy(gidxt.at[:, pl.ds(wid * PPW, PPW)], idx_all)

    lane_iota = lax.iota(jnp.int32, LANES)

    def issue(grp, g, b):
        base = grp * GROUP
        coff = pl.multiple_of((g >> 1) * LANES, LANES)
        perm = (lane_iota & (GROUP - 1)) + (g & 1) * GROUP
        prow = jnp.broadcast_to(base, (LANES,)) + (lane_iota & (GROUP - 1))
        lo = lane_iota < GROUP
        for half in range(2):
            ca = _lane_perm(idx_all[2 * half, pl.ds(coff, LANES)], perm)
            cb = _lane_perm(idx_all[2 * half + 1, pl.ds(coff, LANES)], perm)
            li = jnp.where(lo, ca, cb) & (HW - 1)
            sidx_v[b, pl.ds(half * LANES, LANES)] = (
                ((li >> 7) << 13) + prow)
        pltpu.async_copy(s2.at[sidx_v.at[b]], s_v.at[b], sem_in)

    def wait_in(b):
        pltpu.make_async_copy(s2.at[sidx_v.at[b]], s_v.at[b], sem_in).wait()

    issue(g0, 0, 0)

    def pair(gp, _):
        acc = [jnp.zeros((LANES,), jnp.float32) for _ in range(NREF)]
        coff = pl.multiple_of(gp * LANES, LANES)
        cv = [idx_all[r, pl.ds(coff, LANES)] for r in range(NREF)]
        for b in range(2):
            g = gp * 2 + b
            grp = g0 + g
            wait_in(b)

            @pl.when(g + 1 < GPW)
            def _():
                issue(grp + 1, g + 1, 1 - b)

            for p in range(GROUP):
                lane = b * GROUP + p
                for r in range(NREF):
                    li = cv[r][lane] & (HW - 1)
                    j = (r >> 1) * LANES + (r & 1) * GROUP + p
                    start = pl.multiple_of(((li >> 4) & 7) * LANES, LANES)
                    cvec = s_v[b, j, pl.ds(start, LANES)]
                    zv = _lane_splat(cvec, li & (LANES - 1))
                    acc[r] = jnp.where(lane_iota == lane, zv, acc[r])
        aoff = pl.multiple_of(gp * LANES, LANES)
        for r in range(NREF):
            att_all[r, pl.ds(aoff, LANES)] = acc[r]
        return 0

    lax.fori_loop(0, GPW // 2, pair, 0)
    pltpu.sync_copy(att_all, attz.at[:, pl.ds(wid * PPW, PPW)])


@functools.cache
def _sc_call():
    return pl.kernel(
        _sc_body,
        out_type=jax.ShapeDtypeStruct((NREF, NPIX), jnp.float32),
        mesh=plsc.VectorSubcoreMesh(core_axis_name="c", subcore_axis_name="s"),
        scratch_types=[
            pltpu.VMEM((NREF, PPW), jnp.int32),
            pltpu.VMEM((2, GROUP * NREF), jnp.int32),
            pltpu.VMEM((2, GROUP * NREF, 128), jnp.float32),
            pltpu.VMEM((NREF, PPW), jnp.float32),
            pltpu.SemaphoreType.DMA,
        ],
    )


def _tc2_body(x_ref, wv_ref, bv_ref, gidx_ref, attz_ref, out_ref):
    vp = lax.dot_general(x_ref[0].astype(jnp.bfloat16),
                         wv_ref[...].astype(jnp.bfloat16), NT,
                         preferred_element_type=jnp.float32) + bv_ref[...]
    att = 1.0 / (1.0 + jnp.exp(-attz_ref[...] * SCALE))
    lidx = gidx_ref[...] & (HW - 1)
    iota_i = lax.broadcasted_iota(jnp.int32, (HW, 1), 0)
    terms = [jnp.where(iota_i == lidx[r:r + 1, :],
                       att[r:r + 1, :], 0.0).astype(jnp.bfloat16)
             for r in range(NREF)]
    pmat_t = (terms[0] + terms[1]) + (terms[2] + terms[3])
    out_ref[0] = lax.dot_general(pmat_t,
                                 vp.astype(jnp.bfloat16),
                                 (((0,), (0,)), ((), ())),
                                 preferred_element_type=jnp.float32)


_tc2_call = pl.pallas_call(
    _tc2_body,
    grid=(B,),
    in_specs=[
        pl.BlockSpec((1, HW, C), lambda i: (i, 0, 0)),
        pl.BlockSpec((C, C), lambda i: (0, 0)),
        pl.BlockSpec((1, C), lambda i: (0, 0)),
        pl.BlockSpec((NREF, HW), lambda i: (0, i)),
        pl.BlockSpec((NREF, HW), lambda i: (0, i)),
    ],
    out_specs=pl.BlockSpec((1, HW, C), lambda i: (i, 0, 0)),
    out_shape=jax.ShapeDtypeStruct((B, HW, C), jnp.float32),
)


def kernel(x, Wq, bq, Wk, bk, Wv, bv, Wo, bo):
    x_pm = x.transpose(0, 2, 3, 1).reshape(B, HW, C)
    s2, gidxt = _tc1_call(x_pm, Wq, Wk, Wo, bq[None, :], bk[None, :],
                          bo[:, None])
    attz = _sc_call()(s2.reshape((HW // 128) * NPIX, 128), gidxt)
    out_pm = _tc2_call(x_pm, Wv, bv[None, :], gidxt, attz)
    return out_pm.reshape(B, H, W, C).transpose(0, 3, 1, 2)

# --- scband reference (transcript-rebuilt; emitter-appended) ---
"""Pipeline reference for scband-deformable-attention-1039382086382 (READ-ONLY COPY).

The authoritative reference and input builder live on the scoring server;
editing this copy changes nothing except your own understanding.
"""

import jax, jax.numpy as jnp
import numpy as np


def _conv1x1(x, Wt, bt):
    # x: [B, Cin, H, W], Wt: [Cout, Cin], bt: [Cout]
    return jnp.einsum('oi,bihw->bohw', Wt, x) + bt[None, :, None, None]


def setup_inputs(seed: int = 0):
    key = jax.random.key(seed)
    ks = jax.random.split(key, 9)
    B, C, H, W = 8, 768, 32, 32
    n_ref = 4
    x = jax.random.normal(ks[0], (B, C, H, W), dtype=jnp.float32)
    Wq = jax.random.normal(ks[1], (C, C), dtype=jnp.float32) * 0.02
    bq = jnp.zeros((C,), jnp.float32)
    Wk = jax.random.normal(ks[2], (C, C), dtype=jnp.float32) * 0.02
    bk = jnp.zeros((C,), jnp.float32)
    Wv = jax.random.normal(ks[3], (C, C), dtype=jnp.float32) * 0.02
    bv = jnp.zeros((C,), jnp.float32)
    Wo = jax.random.normal(ks[4], (2 * n_ref, C), dtype=jnp.float32) * 0.05
    bo = jnp.zeros((2 * n_ref,), jnp.float32)
    return {"x": x, "Wq": Wq, "bq": bq, "Wk": Wk, "bk": bk,
            "Wv": Wv, "bv": bv, "Wo": Wo, "bo": bo}


def reference(x, Wq, bq, Wk, bk, Wv, bv, Wo, bo):
    B, C, H, W = x.shape
    n_ref = Wo.shape[0] // 2
    Q = _conv1x1(x, Wq, bq)
    K = _conv1x1(x, Wk, bk)
    V = _conv1x1(x, Wv, bv)
    offsets = _conv1x1(Q, Wo, bo).reshape(B, n_ref, 2, H, W)
    xs = jnp.arange(W, dtype=jnp.float32)[None, None, None, :]
    ys = jnp.arange(H, dtype=jnp.float32)[None, None, :, None]
    # torch: ref = int(min(max(coord + off, 0), dim-1)); int() on non-negative == floor
    ref_x = jnp.floor(jnp.clip(xs + offsets[:, :, 0], 0.0, W - 1)).astype(jnp.int32)
    ref_y = jnp.floor(jnp.clip(ys + offsets[:, :, 1], 0.0, H - 1)).astype(jnp.int32)
    flat = (ref_y * W + ref_x).reshape(B, n_ref, 1, H * W)
    idx = jnp.broadcast_to(flat, (B, n_ref, C, H * W))
    Kf = jnp.broadcast_to(K.reshape(B, 1, C, H * W), (B, n_ref, C, H * W))
    Vf = jnp.broadcast_to(V.reshape(B, 1, C, H * W), (B, n_ref, C, H * W))
    K_ref = jnp.take_along_axis(Kf, idx, axis=3).reshape(B, n_ref, C, H, W)
    V_ref = jnp.take_along_axis(Vf, idx, axis=3).reshape(B, n_ref, C, H, W)
    attn = jax.nn.sigmoid(jnp.sum(Q[:, None] * K_ref, axis=2) / jnp.sqrt(jnp.float32(C)))
    out = jnp.sum(attn[:, :, None] * V_ref, axis=1)
    return out

if __name__ == "__main__":
    import jax
    _d = setup_inputs()
    print(jax.jit(kernel)(*tuple(_d.values())))

</pallas_src>

<mosaic_0001>
#map = affine_map<(d0, d1) -> (0, 0)>
module attributes {stable_mosaic.version = 14 : i64} {
  func.func @_sc_body(%arg0: i32, %arg1: i32, %arg2: memref<65536x128xf32, #tpu.memory_space<hbm>>, %arg3: memref<4x8192xi32, #tpu.memory_space<hbm>>, %arg4: memref<4x8192xf32, #tpu.memory_space<hbm>>, %arg5: memref<4x256xi32, #tpu.memory_space<vmem>>, %arg6: memref<2x32xi32, #tpu.memory_space<vmem>>, %arg7: memref<2x32x128xf32, #tpu.memory_space<vmem>>, %arg8: memref<4x256xf32, #tpu.memory_space<vmem>>, %arg9: memref<!tpu.dma_semaphore, #tpu.memory_space<semaphore_mem>>) attributes {dimension_semantics = [#tpu.dimension_semantics<core_parallel>, #tpu.dimension_semantics<subcore_parallel>], iteration_bounds = array<i64: 2, 16>, scalar_prefetch = 0 : i64, scratch_operands = 5 : i64, tpu.core_type = #tpu.core_type<sc_vector_subcore>, window_params = [{transform_indices = #map}, {transform_indices = #map}, {transform_indices = #map}]} {
    %mul3A = arith.constant 2 : i32
    %mul3A_0 = arith.muli %arg1, %mul3A : i32
    %add3A = arith.addi %mul3A_0, %arg0 : i32
    %mul3A_1 = arith.constant 32 : i32
    %mul3A_2 = arith.muli %add3A, %mul3A_1 : i32
    %mul3A_3 = arith.constant 256 : i32
    %mul3A_4 = arith.muli %add3A, %mul3A_3 : i32
    "tpu.region"() ({
      %run_scoped3A = tpu.sem_alloc : memref<!tpu.dma_semaphore, #tpu.memory_space<semaphore_mem>>
      %dma_start3A_98 = arith.constant 0 : i32
      %dma_start3A_99 = tpu.memref_slice %arg3[%dma_start3A_98, %mul3A_4] : memref<4x8192xi32, #tpu.memory_space<hbm>> -> memref<4x256xi32, #tpu.memory_space<hbm>>
      %dma_start3A_100 = arith.constant 0 : i32
      %dma_start3A_101 = tpu.memref_slice %arg3[%dma_start3A_100, %mul3A_4] : memref<4x8192xi32, #tpu.memory_space<hbm>> -> memref<4x256xi32, #tpu.memory_space<hbm>>
      tpu.enqueue_dma source(%dma_start3A_101 : memref<4x256xi32, #tpu.memory_space<hbm>>) target(%arg5 : memref<4x256xi32, #tpu.memory_space<vmem>>) target_semaphore(%run_scoped3A : memref<!tpu.dma_semaphore, #tpu.memory_space<semaphore_mem>>)
      %dma_wait3A = arith.constant 0 : i32
      %dma_wait3A_102 = tpu.memref_slice %arg3[%dma_wait3A, %mul3A_4] : memref<4x8192xi32, #tpu.memory_space<hbm>> -> memref<4x256xi32, #tpu.memory_space<hbm>>
      %dma_wait3A_103 = arith.constant 0 : i32
      %dma_wait3A_104 = tpu.memref_slice %arg3[%dma_wait3A_103, %mul3A_4] : memref<4x8192xi32, #tpu.memory_space<hbm>> -> memref<4x256xi32, #tpu.memory_space<hbm>>
      tpu.wait_dma2 semaphore(%run_scoped3A : memref<!tpu.dma_semaphore, #tpu.memory_space<semaphore_mem>>) src(%dma_wait3A_104 : memref<4x256xi32, #tpu.memory_space<hbm>>) dst(%arg5 : memref<4x256xi32, #tpu.memory_space<vmem>>)
      tpu.yield
    }) : () -> ()
    %iota3A = tpu.iota {dimensions = array<i32: 0>} : vector<16xi32>
    %mul3A_5 = arith.constant 8 : i32
    %mul3A_6 = arith.muli %mul3A_2, %mul3A_5 : i32
    %multiple_of3A = arith.constant 0 : i32
    %multiple_of3A_7 = tpu.assume_multiple %multiple_of3A, 16 : i32
    %and3A = arith.constant 7 : i32
    %and3A_8 = vector.broadcast %and3A : i32 to vector<16xi32>
    %and3A_9 = arith.andi %iota3A, %and3A_8 : vector<16xi32>
    %add3A_10 = arith.constant 0 : i32
    %add3A_11 = vector.broadcast %add3A_10 : i32 to vector<16xi32>
    %add3A_12 = arith.addi %and3A_9, %add3A_11 : vector<16xi32>
    %broadcast_in_dim3A = vector.broadcast %mul3A_6 : i32 to vector<16xi32>
    %and3A_13 = arith.constant 7 : i32
    %and3A_14 = vector.broadcast %and3A_13 : i32 to vector<16xi32>
    %and3A_15 = arith.andi %iota3A, %and3A_14 : vector<16xi32>
    %add3A_16 = arith.addi %broadcast_in_dim3A, %and3A_15 : vector<16xi32>
    %lt3A = arith.constant 8 : i32
    %lt3A_17 = vector.broadcast %lt3A : i32 to vector<16xi32>
    %lt3A_18 = arith.cmpi slt, %iota3A, %lt3A_17 : vector<16xi32>
    %get3A = arith.constant 0 : i32
    %get3A_19 = arith.index_cast %get3A : i32 to index
    %get3A_20 = arith.index_cast %multiple_of3A_7 : i32 to index
    %get3A_21 = tpu.vector_load %arg5[%get3A_19, %get3A_20] {strides = array<i32>} : memref<4x256xi32, #tpu.memory_space<vmem>>, vector<1x16xi32>,
    %get3A_22 = vector.shape_cast %get3A_21 : vector<1x16xi32> to vector<16xi32>
    %broadcast_in_dim3A_23 = vector.shape_cast %add3A_12 : vector<16xi32> to vector<16x1xi32>
    %gather3A = vector.shape_cast %broadcast_in_dim3A_23 : vector<16x1xi32> to vector<16xi32>
    %gather3A_24 = tpu.dynamic_gather %get3A_22[%gather3A] in [0] : vector<16xi32>, vector<16xi32> -> vector<16xi32>
    %get3A_25 = arith.constant 1 : i32
    %get3A_26 = arith.index_cast %get3A_25 : i32 to index
    %get3A_27 = arith.index_cast %multiple_of3A_7 : i32 to index
    %get3A_28 = tpu.vector_load %arg5[%get3A_26, %get3A_27] {strides = array<i32>} : memref<4x256xi32, #tpu.memory_space<vmem>>, vector<1x16xi32>,
    %get3A_29 = vector.shape_cast %get3A_28 : vector<1x16xi32> to vector<16xi32>
    %broadcast_in_dim3A_30 = vector.shape_cast %add3A_12 : vector<16xi32> to vector<16x1xi32>
    %gather3A_31 = vector.shape_cast %broadcast_in_dim3A_30 : vector<16x1xi32> to vector<16xi32>
    %gather3A_32 = tpu.dynamic_gather %get3A_29[%gather3A_31] in [0] : vector<16xi32>, vector<16xi32> -> vector<16xi32>
    %select_n3A = arith.select %lt3A_18, %gather3A_24, %gather3A_32 : vector<16xi1>, vector<16xi32>
    %and3A_33 = arith.constant 1023 : i32
    %and3A_34 = vector.broadcast %and3A_33 : i32 to vector<16xi32>
    %and3A_35 = arith.andi %select_n3A, %and3A_34 : vector<16xi32>
    %shift_right_arithmetic3A = arith.constant 7 : i32
    %shift_right_arithmetic3A_36 = vector.broadcast %shift_right_arithmetic3A : i32 to vector<16xi32>
    %shift_right_arithmetic3A_37 = arith.shrsi %and3A_35, %shift_right_arithmetic3A_36 : vector<16xi32>
    %shift_left3A = arith.constant 13 : i32
    %shift_left3A_38 = vector.broadcast %shift_left3A : i32 to vector<16xi32>
    %shift_left3A_39 = arith.shli %shift_right_arithmetic3A_37, %shift_left3A_38 : vector<16xi32>
    %add3A_40 = arith.addi %shift_left3A_39, %add3A_16 : vector<16xi32>
    %swap3A = arith.constant 0 : i32
    %swap3A_41 = arith.index_cast %swap3A : i32 to index
    %swap3A_42 = arith.constant 0 : index
    %swap3A_43 = tpu.vector_load %arg6[%swap3A_41, %swap3A_42] {strides = array<i32>} : memref<2x32xi32, #tpu.memory_space<vmem>>, vector<1x16xi32>,
    %swap3A_44 = vector.shape_cast %swap3A_43 : vector<1x16xi32> to vector<16xi32>
    %swap3A_45 = vector.shape_cast %add3A_40 : vector<16xi32> to vector<1x16xi32>
    tpu.vector_store %arg6[%swap3A_41, %swap3A_42], %swap3A_45 {strides = array<i32>} : memref<2x32xi32, #tpu.memory_space<vmem>>, vector<1x16xi32>,
    %get3A_46 = arith.constant 2 : i32
    %get3A_47 = arith.index_cast %get3A_46 : i32 to index
    %get3A_48 = arith.index_cast %multiple_of3A_7 : i32 to index
    %get3A_49 = tpu.vector_load %arg5[%get3A_47, %get3A_48] {strides = array<i32>} : memref<4x256xi32, #tpu.memory_space<vmem>>, vector<1x16xi32>,
    %get3A_50 = vector.shape_cast %get3A_49 : vector<1x16xi32> to vector<16xi32>
    %broadcast_in_dim3A_51 = vector.shape_cast %add3A_12 : vector<16xi32> to vector<16x1xi32>
    %gather3A_52 = vector.shape_cast %broadcast_in_dim3A_51 : vector<16x1xi32> to vector<16xi32>
    %gather3A_53 = tpu.dynamic_gather %get3A_50[%gather3A_52] in [0] : vector<16xi32>, vector<16xi32> -> vector<16xi32>
    %get3A_54 = arith.constant 3 : i32
    %get3A_55 = arith.index_cast %get3A_54 : i32 to index
    %get3A_56 = arith.index_cast %multiple_of3A_7 : i32 to index
    %get3A_57 = tpu.vector_load %arg5[%get3A_55, %get3A_56] {strides = array<i32>} : memref<4x256xi32, #tpu.memory_space<vmem>>, vector<1x16xi32>,
    %get3A_58 = vector.shape_cast %get3A_57 : vector<1x16xi32> to vector<16xi32>
    %broadcast_in_dim3A_59 = vector.shape_cast %add3A_12 : vector<16xi32> to vector<16x1xi32>
    %gather3A_60 = vector.shape_cast %broadcast_in_dim3A_59 : vector<16x1xi32> to vector<16xi32>
    %gather3A_61 = tpu.dynamic_gather %get3A_58[%gather3A_60] in [0] : vector<16xi32>, vector<16xi32> -> vector<16xi32>
    %select_n3A_62 = arith.select %lt3A_18, %gather3A_53, %gather3A_61 : vector<16xi1>, vector<16xi32>
    %and3A_63 = arith.constant 1023 : i32
    %and3A_64 = vector.broadcast %and3A_63 : i32 to vector<16xi32>
    %and3A_65 = arith.andi %select_n3A_62, %and3A_64 : vector<16xi32>
    %shift_right_arithmetic3A_66 = arith.constant 7 : i32
    %shift_right_arithmetic3A_67 = vector.broadcast %shift_right_arithmetic3A_66 : i32 to vector<16xi32>
    %shift_right_arithmetic3A_68 = arith.shrsi %and3A_65, %shift_right_arithmetic3A_67 : vector<16xi32>
    %shift_left3A_69 = arith.constant 13 : i32
    %shift_left3A_70 = vector.broadcast %shift_left3A_69 : i32 to vector<16xi32>
    %shift_left3A_71 = arith.shli %shift_right_arithmetic3A_68, %shift_left3A_70 : vector<16xi32>
    %add3A_72 = arith.addi %shift_left3A_71, %add3A_16 : vector<16xi32>
    %swap3A_73 = arith.constant 0 : i32
    %swap3A_74 = arith.index_cast %swap3A_73 : i32 to index
    %swap3A_75 = arith.constant 16 : index
    %swap3A_76 = tpu.vector_load %arg6[%swap3A_74, %swap3A_75] {strides = array<i32>} : memref<2x32xi32, #tpu.memory_space<vmem>>, vector<1x16xi32>,
    %swap3A_77 = vector.shape_cast %swap3A_76 : vector<1x16xi32> to vector<16xi32>
    %swap3A_78 = vector.shape_cast %add3A_72 : vector<16xi32> to vector<1x16xi32>
    tpu.vector_store %arg6[%swap3A_74, %swap3A_75], %swap3A_78 {strides = array<i32>} : memref<2x32xi32, #tpu.memory_space<vmem>>, vector<1x16xi32>,
    %dma_start3A = arith.constant 0 : i32
    %dma_start3A_79 = arith.constant 0 : i32
    %dma_start3A_80 = arith.constant 0 : i32
    %dma_start3A_81 = arith.constant 0 : i32
    %dma_start3A_82 = tpu.memref_slice %arg7[%dma_start3A_79, %dma_start3A_80, %dma_start3A_81] : memref<2x32x128xf32, #tpu.memory_space<vmem>> -> memref<1x32x128xf32, #tpu.memory_space<vmem>>
    %dma_start3A_83 = tpu.memref_squeeze %dma_start3A_82 : memref<1x32x128xf32, #tpu.memory_space<vmem>> -> memref<32x128xf32, #tpu.memory_space<vmem>>
    %dma_start3A_84 = arith.constant 0 : i32
    %dma_start3A_85 = tpu.memref_slice %arg6[%dma_start3A, %dma_start3A_84] : memref<2x32xi32, #tpu.memory_space<vmem>> -> memref<1x32xi32, #tpu.memory_space<vmem>>
    %dma_start3A_86 = tpu.memref_squeeze %dma_start3A_85 : memref<1x32xi32, #tpu.memory_space<vmem>> -> memref<32xi32, #tpu.memory_space<vmem>>
    %dma_start3A_87 = arith.constant 0 : i32
    %dma_start3A_88 = arith.constant 0 : i32
    %dma_start3A_89 = tpu.memref_slice %arg2[%dma_start3A_87, %dma_start3A_88] : memref<65536x128xf32, #tpu.memory_space<hbm>> -> memref<65536x128xf32, #tpu.memory_space<hbm>>
    tpu.enqueue_indirect_dma source(%dma_start3A_89 : memref<65536x128xf32, #tpu.memory_space<hbm>>) target(%dma_start3A_83 : memref<32x128xf32, #tpu.memory_space<vmem>>) offsets(%dma_start3A_86 : memref<32xi32, #tpu.memory_space<vmem>>) semaphore(%arg9 : memref<!tpu.dma_semaphore, #tpu.memory_space<semaphore_mem>>)
    %scan3A = arith.constant 0 : i32
    %scan3A_90 = arith.constant 0 : i32
    %scan3A_91 = arith.constant 16 : i32
    %scan3A_92 = arith.addi %scan3A_90, %scan3A_91 : i32
    %scan3A_93 = arith.constant 1 : i32
    %scan3A_94 = scf.for %scan3A_98 = %scan3A_90 to %scan3A_92 step %scan3A_93 iter_args(%scan3A_99 = %scan3A) -> (i32)  : i32 {
      %broadcast_in_dim3A_100 = arith.constant 0.000000e+00 : f32
      %broadcast_in_dim3A_101 = vector.broadcast %broadcast_in_dim3A_100 : f32 to vector<16xf32>
      %broadcast_in_dim3A_102 = arith.constant 0.000000e+00 : f32
      %broadcast_in_dim3A_103 = vector.broadcast %broadcast_in_dim3A_102 : f32 to vector<16xf32>
      %broadcast_in_dim3A_104 = arith.constant 0.000000e+00 : f32
      %broadcast_in_dim3A_105 = vector.broadcast %broadcast_in_dim3A_104 : f32 to vector<16xf32>
      %broadcast_in_dim3A_106 = arith.constant 0.000000e+00 : f32
      %broadcast_in_dim3A_107 = vector.broadcast %broadcast_in_dim3A_106 : f32 to vector<16xf32>
      %mul3A_108 = arith.constant 16 : i32
      %mul3A_109 = arith.muli %scan3A_98, %mul3A_108 : i32
      %multiple_of3A_110 = tpu.assume_multiple %mul3A_109, 16 : i32
      %get3A_111 = arith.constant 0 : i32
      %get3A_112 = arith.index_cast %get3A_111 : i32 to index
      %get3A_113 = arith.index_cast %multiple_of3A_110 : i32 to index
      %get3A_114 = tpu.vector_load %arg5[%get3A_112, %get3A_113] {strides = array<i32>} : memref<4x256xi32, #tpu.memory_space<vmem>>, vector<1x16xi32>,
      %get3A_115 = vector.shape_cast %get3A_114 : vector<1x16xi32> to vector<16xi32>
      %get3A_116 = arith.constant 1 : i32
      %get3A_117 = arith.index_cast %get3A_116 : i32 to index
      %get3A_118 = arith.index_cast %multiple_of3A_110 : i32 to index
      %get3A_119 = tpu.vector_load %arg5[%get3A_117, %get3A_118] {strides = array<i32>} : memref<4x256xi32, #tpu.memory_space<vmem>>, vector<1x16xi32>,
      %get3A_120 = vector.shape_cast %get3A_119 : vector<1x16xi32> to vector<16xi32>
      %get3A_121 = arith.constant 2 : i32
      %get3A_122 = arith.index_cast %get3A_121 : i32 to index
      %get3A_123 = arith.index_cast %multiple_of3A_110 : i32 to index
      %get3A_124 = tpu.vector_load %arg5[%get3A_122, %get3A_123] {strides = array<i32>} : memref<4x256xi32, #tpu.memory_space<vmem>>, vector<1x16xi32>,
      %get3A_125 = vector.shape_cast %get3A_124 : vector<1x16xi32> to vector<16xi32>
      %get3A_126 = arith.constant 3 : i32
      %get3A_127 = arith.index_cast %get3A_126 : i32 to index
      %get3A_128 = arith.index_cast %multiple_of3A_110 : i32 to index
      %get3A_129 = tpu.vector_load %arg5[%get3A_127, %get3A_128] {strides = array<i32>} : memref<4x256xi32, #tpu.memory_space<vmem>>, vector<1x16xi32>,
      %get3A_130 = vector.shape_cast %get3A_129 : vector<1x16xi32> to vector<16xi32>
      %mul3A_131 = arith.constant 2 : i32
      %mul3A_132 = arith.muli %scan3A_98, %mul3A_131 : i32
      %add3A_133 = arith.constant 0 : i32
      %add3A_134 = arith.addi %mul3A_132, %add3A_133 : i32
      %add3A_135 = arith.addi %mul3A_2, %add3A_134 : i32
      %dma_wait3A = arith.constant 0 : i32
      %dma_wait3A_136 = arith.constant 0 : i32
      %dma_wait3A_137 = arith.constant 0 : i32
      %dma_wait3A_138 = arith.constant 0 : i32
      %dma_wait3A_139 = tpu.memref_slice %arg7[%dma_wait3A_136, %dma_wait3A_137, %dma_wait3A_138] : memref<2x32x128xf32, #tpu.memory_space<vmem>> -> memref<1x32x128xf32, #tpu.memory_space<vmem>>
      %dma_wait3A_140 = tpu.memref_squeeze %dma_wait3A_139 : memref<1x32x128xf32, #tpu.memory_space<vmem>> -> memref<32x128xf32, #tpu.memory_space<vmem>>
      %dma_wait3A_141 = arith.constant 0 : i32
      %dma_wait3A_142 = tpu.memref_slice %arg6[%dma_wait3A, %dma_wait3A_141] : memref<2x32xi32, #tpu.memory_space<vmem>> -> memref<1x32xi32, #tpu.memory_space<vmem>>
      %dma_wait3A_143 = tpu.memref_squeeze %dma_wait3A_142 : memref<1x32xi32, #tpu.memory_space<vmem>> -> memref<32xi32, #tpu.memory_space<vmem>>
      %dma_wait3A_144 = arith.constant 0 : i32
      %dma_wait3A_145 = arith.constant 0 : i32
      %dma_wait3A_146 = tpu.memref_slice %arg2[%dma_wait3A_144, %dma_wait3A_145] : memref<65536x128xf32, #tpu.memory_space<hbm>> -> memref<65536x128xf32, #tpu.memory_space<hbm>>
      tpu.wait_indirect_dma semaphore(%arg9 : memref<!tpu.dma_semaphore, #tpu.memory_space<semaphore_mem>>) src(%dma_wait3A_146 : memref<65536x128xf32, #tpu.memory_space<hbm>>) dst(%dma_wait3A_140 : memref<32x128xf32, #tpu.memory_space<vmem>>)
      %add3A_147 = arith.constant 1 : i32
      %add3A_148 = arith.addi %add3A_134, %add3A_147 : i32
      %lt3A_149 = arith.constant 32 : i32
      %lt3A_150 = arith.cmpi slt, %add3A_148, %lt3A_149 : i32
      %convert_element_type3A = arith.extui %lt3A_150 : i1 to i32
      %cond3A = arith.constant 0 : i32
      %cond3A_151 = arith.cmpi ne, %convert_element_type3A, %cond3A : i32
      scf.if %cond3A_151 {
        %add3A_1993 = arith.constant 1 : i32
        %add3A_1994 = arith.addi %add3A_135, %add3A_1993 : i32
        %add3A_1995 = arith.constant 1 : i32
        %add3A_1996 = arith.addi %add3A_134, %add3A_1995 : i32
        %mul3A_1997 = arith.constant 8 : i32
        %mul3A_1998 = arith.muli %add3A_1994, %mul3A_1997 : i32
        %shift_right_arithmetic3A_1999 = arith.constant 1 : i32
        %shift_right_arithmetic3A_2000 = arith.shrsi %add3A_1996, %shift_right_arithmetic3A_1999 : i32
        %mul3A_2001 = arith.constant 16 : i32
        %mul3A_2002 = arith.muli %shift_right_arithmetic3A_2000, %mul3A_2001 : i32
        %multiple_of3A_2003 = tpu.assume_multiple %mul3A_2002, 16 : i32
        %and3A_2004 = arith.constant 7 : i32
        %and3A_2005 = vector.broadcast %and3A_2004 : i32 to vector<16xi32>
        %and3A_2006 = arith.andi %iota3A, %and3A_2005 : vector<16xi32>
        %and3A_2007 = arith.constant 1 : i32
        %and3A_2008 = arith.andi %add3A_1996, %and3A_2007 : i32
        %mul3A_2009 = arith.constant 8 : i32
        %mul3A_2010 = arith.muli %and3A_2008, %mul3A_2009 : i32
        %add3A_2011 = vector.broadcast %mul3A_2010 : i32 to vector<16xi32>
        %add3A_2012 = arith.addi %and3A_2006, %add3A_2011 : vector<16xi32>
        %broadcast_in_dim3A_2013 = vector.broadcast %mul3A_1998 : i32 to vector<16xi32>
        %and3A_2014 = arith.constant 7 : i32
        %and3A_2015 = vector.broadcast %and3A_2014 : i32 to vector<16xi32>
        %and3A_2016 = arith.andi %iota3A, %and3A_2015 : vector<16xi32>
        %add3A_2017 = arith.addi %broadcast_in_dim3A_2013, %and3A_2016 : vector<16xi32>
        %lt3A_2018 = arith.constant 8 : i32
        %lt3A_2019 = vector.broadcast %lt3A_2018 : i32 to vector<16xi32>
        %lt3A_2020 = arith.cmpi slt, %iota3A, %lt3A_2019 : vector<16xi32>
        %get3A_2021 = arith.constant 0 : i32
        %get3A_2022 = arith.index_cast %get3A_2021 : i32 to index
        %get3A_2023 = arith.index_cast %multiple_of3A_2003 : i32 to index
        %get3A_2024 = tpu.vector_load %arg5[%get3A_2022, %get3A_2023] {strides = array<i32>} : memref<4x256xi32, #tpu.memory_space<vmem>>, vector<1x16xi32>,
        %get3A_2025 = vector.shape_cast %get3A_2024 : vector<1x16xi32> to vector<16xi32>
        %broadcast_in_dim3A_2026 = vector.shape_cast %add3A_2012 : vector<16xi32> to vector<16x1xi32>
        %gather3A_2027 = vector.shape_cast %broadcast_in_dim3A_2026 : vector<16x1xi32> to vector<16xi32>
        %gather3A_2028 = tpu.dynamic_gather %get3A_2025[%gather3A_2027] in [0] : vector<16xi32>, vector<16xi32> -> vector<16xi32>
        %get3A_2029 = arith.constant 1 : i32
        %get3A_2030 = arith.index_cast %get3A_2029 : i32 to index
        %get3A_2031 = arith.index_cast %multiple_of3A_2003 : i32 to index
        %get3A_2032 = tpu.vector_load %arg5[%get3A_2030, %get3A_2031] {strides = array<i32>} : memref<4x256xi32, #tpu.memory_space<vmem>>, vector<1x16xi32>,
        %get3A_2033 = vector.shape_cast %get3A_2032 : vector<1x16xi32> to vector<16xi32>
        %broadcast_in_dim3A_2034 = vector.shape_cast %add3A_2012 : vector<16xi32> to vector<16x1xi32>
        %gather3A_2035 = vector.shape_cast %broadcast_in_dim3A_2034 : vector<16x1xi32> to vector<16xi32>
        %gather3A_2036 = tpu.dynamic_gather %get3A_2033[%gather3A_2035] in [0] : vector<16xi32>, vector<16xi32> -> vector<16xi32>
        %select_n3A_2037 = arith.select %lt3A_2020, %gather3A_2028, %gather3A_2036 : vector<16xi1>, vector<16xi32>
        %and3A_2038 = arith.constant 1023 : i32
        %and3A_2039 = vector.broadcast %and3A_2038 : i32 to vector<16xi32>
        %and3A_2040 = arith.andi %select_n3A_2037, %and3A_2039 : vector<16xi32>
        %shift_right_arithmetic3A_2041 = arith.constant 7 : i32
        %shift_right_arithmetic3A_2042 = vector.broadcast %shift_right_arithmetic3A_2041 : i32 to vector<16xi32>
        %shift_right_arithmetic3A_2043 = arith.shrsi %and3A_2040, %shift_right_arithmetic3A_2042 : vector<16xi32>
        %shift_left3A_2044 = arith.constant 13 : i32
        %shift_left3A_2045 = vector.broadcast %shift_left3A_2044 : i32 to vector<16xi32>
        %shift_left3A_2046 = arith.shli %shift_right_arithmetic3A_2043, %shift_left3A_2045 : vector<16xi32>
        %add3A_2047 = arith.addi %shift_left3A_2046, %add3A_2017 : vector<16xi32>
        %swap3A_2048 = arith.constant 1 : i32
        %swap3A_2049 = arith.index_cast %swap3A_2048 : i32 to index
        %swap3A_2050 = arith.constant 0 : index
        %swap3A_2051 = tpu.vector_load %arg6[%swap3A_2049, %swap3A_2050] {strides = array<i32>} : memref<2x32xi32, #tpu.memory_space<vmem>>, vector<1x16xi32>,
        %swap3A_2052 = vector.shape_cast %swap3A_2051 : vector<1x16xi32> to vector<16xi32>
        %swap3A_2053 = vector.shape_cast %add3A_2047 : vector<16xi32> to vector<1x16xi32>
        tpu.vector_store %arg6[%swap3A_2049, %swap3A_2050], %swap3A_2053 {strides = array<i32>} : memref<2x32xi32, #tpu.memory_space<vmem>>, vector<1x16xi32>,
        %get3A_2054 = arith.constant 2 : i32
        %get3A_2055 = arith.index_cast %get3A_2054 : i32 to index
        %get3A_2056 = arith.index_cast %multiple_of3A_2003 : i32 to index
        %get3A_2057 = tpu.vector_load %arg5[%get3A_2055, %get3A_2056] {strides = array<i32>} : memref<4x256xi32, #tpu.memory_space<vmem>>, vector<1x16xi32>,
        %get3A_2058 = vector.shape_cast %get3A_2057 : vector<1x16xi32> to vector<16xi32>
        %broadcast_in_dim3A_2059 = vector.shape_cast %add3A_2012 : vector<16xi32> to vector<16x1xi32>
        %gather3A_2060 = vector.shape_cast %broadcast_in_dim3A_2059 : vector<16x1xi32> to vector<16xi32>
        %gather3A_2061 = tpu.dynamic_gather %get3A_2058[%gather3A_2060] in [0] : vector<16xi32>, vector<16xi32> -> vector<16xi32>
        %get3A_2062 = arith.constant 3 : i32
        %get3A_2063 = arith.index_cast %get3A_2062 : i32 to index
        %get3A_2064 = arith.index_cast %multiple_of3A_2003 : i32 to index
        %get3A_2065 = tpu.vector_load %arg5[%get3A_2063, %get3A_2064] {strides = array<i32>} : memref<4x256xi32, #tpu.memory_space<vmem>>, vector<1x16xi32>,
        %get3A_2066 = vector.shape_cast %get3A_2065 : vector<1x16xi32> to vector<16xi32>
        %broadcast_in_dim3A_2067 = vector.shape_cast %add3A_2012 : vector<16xi32> to vector<16x1xi32>
        %gather3A_2068 = vector.shape_cast %broadcast_in_dim3A_2067 : vector<16x1xi32> to vector<16xi32>
        %gather3A_2069 = tpu.dynamic_gather %get3A_2066[%gather3A_2068] in [0] : vector<16xi32>, vector<16xi32> -> vector<16xi32>
        %select_n3A_2070 = arith.select %lt3A_2020, %gather3A_2061, %gather3A_2069 : vector<16xi1>, vector<16xi32>
        %and3A_2071 = arith.constant 1023 : i32
        %and3A_2072 = vector.broadcast %and3A_2071 : i32 to vector<16xi32>
        %and3A_2073 = arith.andi %select_n3A_2070, %and3A_2072 : vector<16xi32>
        %shift_right_arithmetic3A_2074 = arith.constant 7 : i32
        %shift_right_arithmetic3A_2075 = vector.broadcast %shift_right_arithmetic3A_2074 : i32 to vector<16xi32>
        %shift_right_arithmetic3A_2076 = arith.shrsi %and3A_2073, %shift_right_arithmetic3A_2075 : vector<16xi32>
        %shift_left3A_2077 = arith.constant 13 : i32
        %shift_left3A_2078 = vector.broadcast %shift_left3A_2077 : i32 to vector<16xi32>
        %shift_left3A_2079 = arith.shli %shift_right_arithmetic3A_2076, %shift_left3A_2078 : vector<16xi32>
        %add3A_2080 = arith.addi %shift_left3A_2079, %add3A_2017 : vector<16xi32>
        %swap3A_2081 = arith.constant 1 : i32
        %swap3A_2082 = arith.index_cast %swap3A_2081 : i32 to index
        %swap3A_2083 = arith.constant 16 : index
        %swap3A_2084 = tpu.vector_load %arg6[%swap3A_2082, %swap3A_2083] {strides = array<i32>} : memref<2x32xi32, #tpu.memory_space<vmem>>, vector<1x16xi32>,
        %swap3A_2085 = vector.shape_cast %swap3A_2084 : vector<1x16xi32> to vector<16xi32>
        %swap3A_2086 = vector.shape_cast %add3A_2080 : vector<16xi32> to vector<1x16xi32>
        tpu.vector_store %arg6[%swap3A_2082, %swap3A_2083], %swap3A_2086 {strides = array<i32>} : memref<2x32xi32, #tpu.memory_space<vmem>>, vector<1x16xi32>,
        %dma_start3A_2087 = arith.constant 1 : i32
        %dma_start3A_2088 = arith.constant 1 : i32
        %dma_start3A_2089 = arith.constant 0 : i32
        %dma_start3A_2090 = arith.constant 0 : i32
        %dma_start3A_2091 = tpu.memref_slice %arg7[%dma_start3A_2088, %dma_start3A_2089, %dma_start3A_2090] : memref<2x32x128xf32, #tpu.memory_space<vmem>> -> memref<1x32x128xf32, #tpu.memory_space<vmem>>
        %dma_start3A_2092 = tpu.memref_squeeze %dma_start3A_2091 : memref<1x32x128xf32, #tpu.memory_space<vmem>> -> memref<32x128xf32, #tpu.memory_space<vmem>>
        %dma_start3A_2093 = arith.constant 0 : i32
        %dma_start3A_2094 = tpu.memref_slice %arg6[%dma_start3A_2087, %dma_start3A_2093] : memref<2x32xi32, #tpu.memory_space<vmem>> -> memref<1x32xi32, #tpu.memory_space<vmem>>
        %dma_start3A_2095 = tpu.memref_squeeze %dma_start3A_2094 : memref<1x32xi32, #tpu.memory_space<vmem>> -> memref<32xi32, #tpu.memory_space<vmem>>
        %dma_start3A_2096 = arith.constant 0 : i32
        %dma_start3A_2097 = arith.constant 0 : i32
        %dma_start3A_2098 = tpu.memref_slice %arg2[%dma_start3A_2096, %dma_start3A_2097] : memref<65536x128xf32, #tpu.memory_space<hbm>> -> memref<65536x128xf32, #tpu.memory_space<hbm>>
        tpu.enqueue_indirect_dma source(%dma_start3A_2098 : memref<65536x128xf32, #tpu.memory_space<hbm>>) target(%dma_start3A_2092 : memref<32x128xf32, #tpu.memory_space<vmem>>) offsets(%dma_start3A_2095 : memref<32xi32, #tpu.memory_space<vmem>>) semaphore(%arg9 : memref<!tpu.dma_semaphore, #tpu.memory_space<semaphore_mem>>)
      } else {
      }
      %slice3A = vector.extract_strided_slice %get3A_115 {offsets = [0], sizes = [1], strides = [1]} : vector<16xi32> to vector<1xi32>
      %squeeze3A = vector.extract %slice3A[0] : i32 from vector<1xi32>
      %and3A_152 = arith.constant 1023 : i32
      %and3A_153 = arith.andi %squeeze3A, %and3A_152 : i32
      %shift_right_arithmetic3A_154 = arith.constant 4 : i32
      %shift_right_arithmetic3A_155 = arith.shrsi %and3A_153, %shift_right_arithmetic3A_154 : i32
      %and3A_156 = arith.constant 7 : i32
      %and3A_157 = arith.andi %shift_right_arithmetic3A_155, %and3A_156 : i32
      %mul3A_158 = arith.constant 16 : i32
      %mul3A_159 = arith.muli %and3A_157, %mul3A_158 : i32
      %multiple_of3A_160 = tpu.assume_multiple %mul3A_159, 16 : i32
      %get3A_161 = arith.constant 0 : i32
      %get3A_162 = arith.constant 0 : i32
      %get3A_163 = arith.index_cast %get3A_161 : i32 to index
      %get3A_164 = arith.index_cast %get3A_162 : i32 to index
      %get3A_165 = arith.index_cast %multiple_of3A_160 : i32 to index
      %get3A_166 = tpu.vector_load %arg7[%get3A_163, %get3A_164, %get3A_165] {strides = array<i32>} : memref<2x32x128xf32, #tpu.memory_space<vmem>>, vector<1x1x16xf32>,
      %get3A_167 = vector.shape_cast %get3A_166 : vector<1x1x16xf32> to vector<16xf32>
      %and3A_168 = arith.constant 15 : i32
      %and3A_169 = arith.andi %and3A_153, %and3A_168 : i32
      %broadcast_in_dim3A_170 = vector.broadcast %and3A_169 : i32 to vector<16xi32>
      %broadcast_in_dim3A_171 = vector.shape_cast %broadcast_in_dim3A_170 : vector<16xi32> to vector<16x1xi32>
      %gather3A_172 = vector.shape_cast %broadcast_in_dim3A_171 : vector<16x1xi32> to vector<16xi32>
      %gather3A_173 = tpu.dynamic_gather %get3A_167[%gather3A_172] in [0] : vector<16xf32>, vector<16xi32> -> vector<16xf32>
      %eq3A = arith.constant 0 : i32
      %eq3A_174 = vector.broadcast %eq3A : i32 to vector<16xi32>
      %eq3A_175 = arith.cmpi eq, %iota3A, %eq3A_174 : vector<16xi32>
      %select_n3A_176 = arith.select %eq3A_175, %gather3A_173, %broadcast_in_dim3A_101 : vector<16xi1>, vector<16xf32>
      %slice3A_177 = vector.extract_strided_slice %get3A_120 {offsets = [0], sizes = [1], strides = [1]} : vector<16xi32> to vector<1xi32>
      %squeeze3A_178 = vector.extract %slice3A_177[0] : i32 from vector<1xi32>
      %and3A_179 = arith.constant 1023 : i32
      %and3A_180 = arith.andi %squeeze3A_178, %and3A_179 : i32
      %shift_right_arithmetic3A_181 = arith.constant 4 : i32
      %shift_right_arithmetic3A_182 = arith.shrsi %and3A_180, %shift_right_arithmetic3A_181 : i32
      %and3A_183 = arith.constant 7 : i32
      %and3A_184 = arith.andi %shift_right_arithmetic3A_182, %and3A_183 : i32
      %mul3A_185 = arith.constant 16 : i32
      %mul3A_186 = arith.muli %and3A_184, %mul3A_185 : i32
      %multiple_of3A_187 = tpu.assume_multiple %mul3A_186, 16 : i32
      %get3A_188 = arith.constant 0 : i32
      %get3A_189 = arith.constant 8 : i32
      %get3A_190 = arith.index_cast %get3A_188 : i32 to index
      %get3A_191 = arith.index_cast %get3A_189 : i32 to index
      %get3A_192 = arith.index_cast %multiple_of3A_187 : i32 to index
      %get3A_193 = tpu.vector_load %arg7[%get3A_190, %get3A_191, %get3A_192] {strides = array<i32>} : memref<2x32x128xf32, #tpu.memory_space<vmem>>, vector<1x1x16xf32>,
      %get3A_194 = vector.shape_cast %get3A_193 : vector<1x1x16xf32> to vector<16xf32>
      %and3A_195 = arith.constant 15 : i32
      %and3A_196 = arith.andi %and3A_180, %and3A_195 : i32
      %broadcast_in_dim3A_197 = vector.broadcast %and3A_196 : i32 to vector<16xi32>
      %broadcast_in_dim3A_198 = vector.shape_cast %broadcast_in_dim3A_197 : vector<16xi32> to vector<16x1xi32>
      %gather3A_199 = vector.shape_cast %broadcast_in_dim3A_198 : vector<16x1xi32> to vector<16xi32>
      %gather3A_200 = tpu.dynamic_gather %get3A_194[%gather3A_199] in [0] : vector<16xf32>, vector<16xi32> -> vector<16xf32>
      %eq3A_201 = arith.constant 0 : i32
      %eq3A_202 = vector.broadcast %eq3A_201 : i32 to vector<16xi32>
      %eq3A_203 = arith.cmpi eq, %iota3A, %eq3A_202 : vector<16xi32>
      %select_n3A_204 = arith.select %eq3A_203, %gather3A_200, %broadcast_in_dim3A_103 : vector<16xi1>, vector<16xf32>
      %slice3A_205 = vector.extract_strided_slice %get3A_125 {offsets = [0], sizes = [1], strides = [1]} : vector<16xi32> to vector<1xi32>
      %squeeze3A_206 = vector.extract %slice3A_205[0] : i32 from vector<1xi32>
      %and3A_207 = arith.constant 1023 : i32
      %and3A_208 = arith.andi %squeeze3A_206, %and3A_207 : i32
      %shift_right_arithmetic3A_209 = arith.constant 4 : i32
      %shift_right_arithmetic3A_210 = arith.shrsi %and3A_208, %shift_right_arithmetic3A_209 : i32
      %and3A_211 = arith.constant 7 : i32
      %and3A_212 = arith.andi %shift_right_arithmetic3A_210, %and3A_211 : i32
      %mul3A_213 = arith.constant 16 : i32
      %mul3A_214 = arith.muli %and3A_212, %mul3A_213 : i32
      %multiple_of3A_215 = tpu.assume_multiple %mul3A_214, 16 : i32
      %get3A_216 = arith.constant 0 : i32
      %get3A_217 = arith.constant 16 : i32
      %get3A_218 = arith.index_cast %get3A_216 : i32 to index
      %get3A_219 = arith.index_cast %get3A_217 : i32 to index
      %get3A_220 = arith.index_cast %multiple_of3A_215 : i32 to index
      %get3A_221 = tpu.vector_load %arg7[%get3A_218, %get3A_219, %get3A_220] {strides = array<i32>} : memref<2x32x128xf32, #tpu.memory_space<vmem>>, vector<1x1x16xf32>,
      %get3A_222 = vector.shape_cast %get3A_221 : vector<1x1x16xf32> to vector<16xf32>
      %and3A_223 = arith.constant 15 : i32
      %and3A_224 = arith.andi %and3A_208, %and3A_223 : i32
      %broadcast_in_dim3A_225 = vector.broadcast %and3A_224 : i32 to vector<16xi32>
      %broadcast_in_dim3A_226 = vector.shape_cast %broadcast_in_dim3A_225 : vector<16xi32> to vector<16x1xi32>
      %gather3A_227 = vector.shape_cast %broadcast_in_dim3A_226 : vector<16x1xi32> to vector<16xi32>
      %gather3A_228 = tpu.dynamic_gather %get3A_222[%gather3A_227] in [0] : vector<16xf32>, vector<16xi32> -> vector<16xf32>
      %eq3A_229 = arith.constant 0 : i32
      %eq3A_230 = vector.broadcast %eq3A_229 : i32 to vector<16xi32>
      %eq3A_231 = arith.cmpi eq, %iota3A, %eq3A_230 : vector<16xi32>
      %select_n3A_232 = arith.select %eq3A_231, %gather3A_228, %broadcast_in_dim3A_105 : vector<16xi1>, vector<16xf32>
      %slice3A_233 = vector.extract_strided_slice %get3A_130 {offsets = [0], sizes = [1], strides = [1]} : vector<16xi32> to vector<1xi32>
      %squeeze3A_234 = vector.extract %slice3A_233[0] : i32 from vector<1xi32>
      %and3A_235 = arith.constant 1023 : i32
      %and3A_236 = arith.andi %squeeze3A_234, %and3A_235 : i32
      %shift_right_arithmetic3A_237 = arith.constant 4 : i32
      %shift_right_arithmetic3A_238 = arith.shrsi %and3A_236, %shift_right_arithmetic3A_237 : i32
      %and3A_239 = arith.constant 7 : i32
      %and3A_240 = arith.andi %shift_right_arithmetic3A_238, %and3A_239 : i32
      %mul3A_241 = arith.constant 16 : i32
      %mul3A_242 = arith.muli %and3A_240, %mul3A_241 : i32
      %multiple_of3A_243 = tpu.assume_multiple %mul3A_242, 16 : i32
      %get3A_244 = arith.constant 0 : i32
      %get3A_245 = arith.constant 24 : i32
      %get3A_246 = arith.index_cast %get3A_244 : i32 to index
      %get3A_247 = arith.index_cast %get3A_245 : i32 to index
      %get3A_248 = arith.index_cast %multiple_of3A_243 : i32 to index
      %get3A_249 = tpu.vector_load %arg7[%get3A_246, %get3A_247, %get3A_248] {strides = array<i32>} : memref<2x32x128xf32, #tpu.memory_space<vmem>>, vector<1x1x16xf32>,
      %get3A_250 = vector.shape_cast %get3A_249 : vector<1x1x16xf32> to vector<16xf32>
      %and3A_251 = arith.constant 15 : i32
      %and3A_252 = arith.andi %and3A_236, %and3A_251 : i32
      %broadcast_in_dim3A_253 = vector.broadcast %and3A_252 : i32 to vector<16xi32>
      %broadcast_in_dim3A_254 = vector.shape_cast %broadcast_in_dim3A_253 : vector<16xi32> to vector<16x1xi32>
      %gather3A_255 = vector.shape_cast %broadcast_in_dim3A_254 : vector<16x1xi32> to vector<16xi32>
      %gather3A_256 = tpu.dynamic_gather %get3A_250[%gather3A_255] in [0] : vector<16xf32>, vector<16xi32> -> vector<16xf32>
      %eq3A_257 = arith.constant 0 : i32
      %eq3A_258 = vector.broadcast %eq3A_257 : i32 to vector<16xi32>
      %eq3A_259 = arith.cmpi eq, %iota3A, %eq3A_258 : vector<16xi32>
      %select_n3A_260 = arith.select %eq3A_259, %gather3A_256, %broadcast_in_dim3A_107 : vector<16xi1>, vector<16xf32>
      %slice3A_261 = vector.extract_strided_slice %get3A_115 {offsets = [1], sizes = [1], strides = [1]} : vector<16xi32> to vector<1xi32>
      %squeeze3A_262 = vector.extract %slice3A_261[0] : i32 from vector<1xi32>
      %and3A_263 = arith.constant 1023 : i32
      %and3A_264 = arith.andi %squeeze3A_262, %and3A_263 : i32
      %shift_right_arithmetic3A_265 = arith.constant 4 : i32
      %shift_right_arithmetic3A_266 = arith.shrsi %and3A_264, %shift_right_arithmetic3A_265 : i32
      %and3A_267 = arith.constant 7 : i32
      %and3A_268 = arith.andi %shift_right_arithmetic3A_266, %and3A_267 : i32
      %mul3A_269 = arith.constant 16 : i32
      %mul3A_270 = arith.muli %and3A_268, %mul3A_269 : i32
      %multiple_of3A_271 = tpu.assume_multiple %mul3A_270, 16 : i32
      %get3A_272 = arith.constant 0 : i32
      %get3A_273 = arith.constant 1 : i32
      %get3A_274 = arith.index_cast %get3A_272 : i32 to index
      %get3A_275 = arith.index_cast %get3A_273 : i32 to index
      %get3A_276 = arith.index_cast %multiple_of3A_271 : i32 to index
      %get3A_277 = tpu.vector_load %arg7[%get3A_274, %get3A_275, %get3A_276] {strides = array<i32>} : memref<2x32x128xf32, #tpu.memory_space<vmem>>, vector<1x1x16xf32>,
      %get3A_278 = vector.shape_cast %get3A_277 : vector<1x1x16xf32> to vector<16xf32>
      %and3A_279 = arith.constant 15 : i32
      %and3A_280 = arith.andi %and3A_264, %and3A_279 : i32
      %broadcast_in_dim3A_281 = vector.broadcast %and3A_280 : i32 to vector<16xi32>
      %broadcast_in_dim3A_282 = vector.shape_cast %broadcast_in_dim3A_281 : vector<16xi32> to vector<16x1xi32>
      %gather3A_283 = vector.shape_cast %broadcast_in_dim3A_282 : vector<16x1xi32> to vector<16xi32>
      %gather3A_284 = tpu.dynamic_gather %get3A_278[%gather3A_283] in [0] : vector<16xf32>, vector<16xi32> -> vector<16xf32>
      %eq3A_285 = arith.constant 1 : i32
      %eq3A_286 = vector.broadcast %eq3A_285 : i32 to vector<16xi32>
      %eq3A_287 = arith.cmpi eq, %iota3A, %eq3A_286 : vector<16xi32>
      %select_n3A_288 = arith.select %eq3A_287, %gather3A_284, %select_n3A_176 : vector<16xi1>, vector<16xf32>
      %slice3A_289 = vector.extract_strided_slice %get3A_120 {offsets = [1], sizes = [1], strides = [1]} : vector<16xi32> to vector<1xi32>
      %squeeze3A_290 = vector.extract %slice3A_289[0] : i32 from vector<1xi32>
      %and3A_291 = arith.constant 1023 : i32
      %and3A_292 = arith.andi %squeeze3A_290, %and3A_291 : i32
      %shift_right_arithmetic3A_293 = arith.constant 4 : i32
      %shift_right_arithmetic3A_294 = arith.shrsi %and3A_292, %shift_right_arithmetic3A_293 : i32
      %and3A_295 = arith.constant 7 : i32
      %and3A_296 = arith.andi %shift_right_arithmetic3A_294, %and3A_295 : i32
      %mul3A_297 = arith.constant 16 : i32
      %mul3A_298 = arith.muli %and3A_296, %mul3A_297 : i32
      %multiple_of3A_299 = tpu.assume_multiple %mul3A_298, 16 : i32
      %get3A_300 = arith.constant 0 : i32
      %get3A_301 = arith.constant 9 : i32
      %get3A_302 = arith.index_cast %get3A_300 : i32 to index
      %get3A_303 = arith.index_cast %get3A_301 : i32 to index
      %get3A_304 = arith.index_cast %multiple_of3A_299 : i32 to index
      %get3A_305 = tpu.vector_load %arg7[%get3A_302, %get3A_303, %get3A_304] {strides = array<i32>} : memref<2x32x128xf32, #tpu.memory_space<vmem>>, vector<1x1x16xf32>,
      %get3A_306 = vector.shape_cast %get3A_305 : vector<1x1x16xf32> to vector<16xf32>
      %and3A_307 = arith.constant 15 : i32
      %and3A_308 = arith.andi %and3A_292, %and3A_307 : i32
      %broadcast_in_dim3A_309 = vector.broadcast %and3A_308 : i32 to vector<16xi32>
      %broadcast_in_dim3A_310 = vector.shape_cast %broadcast_in_dim3A_309 : vector<16xi32> to vector<16x1xi32>
      %gather3A_311 = vector.shape_cast %broadcast_in_dim3A_310 : vector<16x1xi32> to vector<16xi32>
      %gather3A_312 = tpu.dynamic_gather %get3A_306[%gather3A_311] in [0] : vector<16xf32>, vector<16xi32> -> vector<16xf32>
      %eq3A_313 = arith.constant 1 : i32
      %eq3A_314 = vector.broadcast %eq3A_313 : i32 to vector<16xi32>
      %eq3A_315 = arith.cmpi eq, %iota3A, %eq3A_314 : vector<16xi32>
      %select_n3A_316 = arith.select %eq3A_315, %gather3A_312, %select_n3A_204 : vector<16xi1>, vector<16xf32>
      %slice3A_317 = vector.extract_strided_slice %get3A_125 {offsets = [1], sizes = [1], strides = [1]} : vector<16xi32> to vector<1xi32>
      %squeeze3A_318 = vector.extract %slice3A_317[0] : i32 from vector<1xi32>
      %and3A_319 = arith.constant 1023 : i32
      %and3A_320 = arith.andi %squeeze3A_318, %and3A_319 : i32
      %shift_right_arithmetic3A_321 = arith.constant 4 : i32
      %shift_right_arithmetic3A_322 = arith.shrsi %and3A_320, %shift_right_arithmetic3A_321 : i32
      %and3A_323 = arith.constant 7 : i32
      %and3A_324 = arith.andi %shift_right_arithmetic3A_322, %and3A_323 : i32
      %mul3A_325 = arith.constant 16 : i32
      %mul3A_326 = arith.muli %and3A_324, %mul3A_325 : i32
      %multiple_of3A_327 = tpu.assume_multiple %mul3A_326, 16 : i32
      %get3A_328 = arith.constant 0 : i32
      %get3A_329 = arith.constant 17 : i32
      %get3A_330 = arith.index_cast %get3A_328 : i32 to index
      %get3A_331 = arith.index_cast %get3A_329 : i32 to index
      %get3A_332 = arith.index_cast %multiple_of3A_327 : i32 to index
      %get3A_333 = tpu.vector_load %arg7[%get3A_330, %get3A_331, %get3A_332] {strides = array<i32>} : memref<2x32x128xf32, #tpu.memory_space<vmem>>, vector<1x1x16xf32>,
      %get3A_334 = vector.shape_cast %get3A_333 : vector<1x1x16xf32> to vector<16xf32>
      %and3A_335 = arith.constant 15 : i32
      %and3A_336 = arith.andi %and3A_320, %and3A_335 : i32
      %broadcast_in_dim3A_337 = vector.broadcast %and3A_336 : i32 to vector<16xi32>
      %broadcast_in_dim3A_338 = vector.shape_cast %broadcast_in_dim3A_337 : vector<16xi32> to vector<16x1xi32>
      %gather3A_339 = vector.shape_cast %broadcast_in_dim3A_338 : vector<16x1xi32> to vector<16xi32>
      %gather3A_340 = tpu.dynamic_gather %get3A_334[%gather3A_339] in [0] : vector<16xf32>, vector<16xi32> -> vector<16xf32>
      %eq3A_341 = arith.constant 1 : i32
      %eq3A_342 = vector.broadcast %eq3A_341 : i32 to vector<16xi32>
      %eq3A_343 = arith.cmpi eq, %iota3A, %eq3A_342 : vector<16xi32>
      %select_n3A_344 = arith.select %eq3A_343, %gather3A_340, %select_n3A_232 : vector<16xi1>, vector<16xf32>
      %slice3A_345 = vector.extract_strided_slice %get3A_130 {offsets = [1], sizes = [1], strides = [1]} : vector<16xi32> to vector<1xi32>
      %squeeze3A_346 = vector.extract %slice3A_345[0] : i32 from vector<1xi32>
      %and3A_347 = arith.constant 1023 : i32
      %and3A_348 = arith.andi %squeeze3A_346, %and3A_347 : i32
      %shift_right_arithmetic3A_349 = arith.constant 4 : i32
      %shift_right_arithmetic3A_350 = arith.shrsi %and3A_348, %shift_right_arithmetic3A_349 : i32
      %and3A_351 = arith.constant 7 : i32
      %and3A_352 = arith.andi %shift_right_arithmetic3A_350, %and3A_351 : i32
      %mul3A_353 = arith.constant 16 : i32
      %mul3A_354 = arith.muli %and3A_352, %mul3A_353 : i32
      %multiple_of3A_355 = tpu.assume_multiple %mul3A_354, 16 : i32
      %get3A_356 = arith.constant 0 : i32
      %get3A_357 = arith.constant 25 : i32
      %get3A_358 = arith.index_cast %get3A_356 : i32 to index
      %get3A_359 = arith.index_cast %get3A_357 : i32 to index
      %get3A_360 = arith.index_cast %multiple_of3A_355 : i32 to index
      %get3A_361 = tpu.vector_load %arg7[%get3A_358, %get3A_359, %get3A_360] {strides = array<i32>} : memref<2x32x128xf32, #tpu.memory_space<vmem>>, vector<1x1x16xf32>,
      %get3A_362 = vector.shape_cast %get3A_361 : vector<1x1x16xf32> to vector<16xf32>
      %and3A_363 = arith.constant 15 : i32
      %and3A_364 = arith.andi %and3A_348, %and3A_363 : i32
      %broadcast_in_dim3A_365 = vector.broadcast %and3A_364 : i32 to vector<16xi32>
      %broadcast_in_dim3A_366 = vector.shape_cast %broadcast_in_dim3A_365 : vector<16xi32> to vector<16x1xi32>
      %gather3A_367 = vector.shape_cast %broadcast_in_dim3A_366 : vector<16x1xi32> to vector<16xi32>
      %gather3A_368 = tpu.dynamic_gather %get3A_362[%gather3A_367] in [0] : vector<16xf32>, vector<16xi32> -> vector<16xf32>
      %eq3A_369 = arith.constant 1 : i32
      %eq3A_370 = vector.broadcast %eq3A_369 : i32 to vector<16xi32>
      %eq3A_371 = arith.cmpi eq, %iota3A, %eq3A_370 : vector<16xi32>
      %select_n3A_372 = arith.select %eq3A_371, %gather3A_368, %select_n3A_260 : vector<16xi1>, vector<16xf32>
      %slice3A_373 = vector.extract_strided_slice %get3A_115 {offsets = [2], sizes = [1], strides = [1]} : vector<16xi32> to vector<1xi32>
      %squeeze3A_374 = vector.extract %slice3A_373[0] : i32 from vector<1xi32>
      %and3A_375 = arith.constant 1023 : i32
      %and3A_376 = arith.andi %squeeze3A_374, %and3A_375 : i32
      %shift_right_arithmetic3A_377 = arith.constant 4 : i32
      %shift_right_arithmetic3A_378 = arith.shrsi %and3A_376, %shift_right_arithmetic3A_377 : i32
      %and3A_379 = arith.constant 7 : i32
      %and3A_380 = arith.andi %shift_right_arithmetic3A_378, %and3A_379 : i32
      %mul3A_381 = arith.constant 16 : i32
      %mul3A_382 = arith.muli %and3A_380, %mul3A_381 : i32
      %multiple_of3A_383 = tpu.assume_multiple %mul3A_382, 16 : i32
      %get3A_384 = arith.constant 0 : i32
      %get3A_385 = arith.constant 2 : i32
      %get3A_386 = arith.index_cast %get3A_384 : i32 to index
      %get3A_387 = arith.index_cast %get3A_385 : i32 to index
      %get3A_388 = arith.index_cast %multiple_of3A_383 : i32 to index
      %get3A_389 = tpu.vector_load %arg7[%get3A_386, %get3A_387, %get3A_388] {strides = array<i32>} : memref<2x32x128xf32, #tpu.memory_space<vmem>>, vector<1x1x16xf32>,
      %get3A_390 = vector.shape_cast %get3A_389 : vector<1x1x16xf32> to vector<16xf32>
      %and3A_391 = arith.constant 15 : i32
      %and3A_392 = arith.andi %and3A_376, %and3A_391 : i32
      %broadcast_in_dim3A_393 = vector.broadcast %and3A_392 : i32 to vector<16xi32>
      %broadcast_in_dim3A_394 = vector.shape_cast %broadcast_in_dim3A_393 : vector<16xi32> to vector<16x1xi32>
      %gather3A_395 = vector.shape_cast %broadcast_in_dim3A_394 : vector<16x1xi32> to vector<16xi32>
      %gather3A_396 = tpu.dynamic_gather %get3A_390[%gather3A_395] in [0] : vector<16xf32>, vector<16xi32> -> vector<16xf32>
      %eq3A_397 = arith.constant 2 : i32
      %eq3A_398 = vector.broadcast %eq3A_397 : i32 to vector<16xi32>
      %eq3A_399 = arith.cmpi eq, %iota3A, %eq3A_398 : vector<16xi32>
      %select_n3A_400 = arith.select %eq3A_399, %gather3A_396, %select_n3A_288 : vector<16xi1>, vector<16xf32>
      %slice3A_401 = vector.extract_strided_slice %get3A_120 {offsets = [2], sizes = [1], strides = [1]} : vector<16xi32> to vector<1xi32>
      %squeeze3A_402 = vector.extract %slice3A_401[0] : i32 from vector<1xi32>
      %and3A_403 = arith.constant 1023 : i32
      %and3A_404 = arith.andi %squeeze3A_402, %and3A_403 : i32
      %shift_right_arithmetic3A_405 = arith.constant 4 : i32
      %shift_right_arithmetic3A_406 = arith.shrsi %and3A_404, %shift_right_arithmetic3A_405 : i32
      %and3A_407 = arith.constant 7 : i32
      %and3A_408 = arith.andi %shift_right_arithmetic3A_406, %and3A_407 : i32
      %mul3A_409 = arith.constant 16 : i32
      %mul3A_410 = arith.muli %and3A_408, %mul3A_409 : i32
      %multiple_of3A_411 = tpu.assume_multiple %mul3A_410, 16 : i32
      %get3A_412 = arith.constant 0 : i32
      %get3A_413 = arith.constant 10 : i32
      %get3A_414 = arith.index_cast %get3A_412 : i32 to index
      %get3A_415 = arith.index_cast %get3A_413 : i32 to index
      %get3A_416 = arith.index_cast %multiple_of3A_411 : i32 to index
      %get3A_417 = tpu.vector_load %arg7[%get3A_414, %get3A_415, %get3A_416] {strides = array<i32>} : memref<2x32x128xf32, #tpu.memory_space<vmem>>, vector<1x1x16xf32>,
      %get3A_418 = vector.shape_cast %get3A_417 : vector<1x1x16xf32> to vector<16xf32>
      %and3A_419 = arith.constant 15 : i32
      %and3A_420 = arith.andi %and3A_404, %and3A_419 : i32
      %broadcast_in_dim3A_421 = vector.broadcast %and3A_420 : i32 to vector<16xi32>
      %broadcast_in_dim3A_422 = vector.shape_cast %broadcast_in_dim3A_421 : vector<16xi32> to vector<16x1xi32>
      %gather3A_423 = vector.shape_cast %broadcast_in_dim3A_422 : vector<16x1xi32> to vector<16xi32>
      %gather3A_424 = tpu.dynamic_gather %get3A_418[%gather3A_423] in [0] : vector<16xf32>, vector<16xi32> -> vector<16xf32>
      %eq3A_425 = arith.constant 2 : i32
      %eq3A_426 = vector.broadcast %eq3A_425 : i32 to vector<16xi32>
      %eq3A_427 = arith.cmpi eq, %iota3A, %eq3A_426 : vector<16xi32>
      %select_n3A_428 = arith.select %eq3A_427, %gather3A_424, %select_n3A_316 : vector<16xi1>, vector<16xf32>
      %slice3A_429 = vector.extract_strided_slice %get3A_125 {offsets = [2], sizes = [1], strides = [1]} : vector<16xi32> to vector<1xi32>
      %squeeze3A_430 = vector.extract %slice3A_429[0] : i32 from vector<1xi32>
      %and3A_431 = arith.constant 1023 : i32
      %and3A_432 = arith.andi %squeeze3A_430, %and3A_431 : i32
      %shift_right_arithmetic3A_433 = arith.constant 4 : i32
      %shift_right_arithmetic3A_434 = arith.shrsi %and3A_432, %shift_right_arithmetic3A_433 : i32
      %and3A_435 = arith.constant 7 : i32
      %and3A_436 = arith.andi %shift_right_arithmetic3A_434, %and3A_435 : i32
      %mul3A_437 = arith.constant 16 : i32
      %mul3A_438 = arith.muli %and3A_436, %mul3A_437 : i32
      %multiple_of3A_439 = tpu.assume_multiple %mul3A_438, 16 : i32
      %get3A_440 = arith.constant 0 : i32
      %get3A_441 = arith.constant 18 : i32
      %get3A_442 = arith.index_cast %get3A_440 : i32 to index
      %get3A_443 = arith.index_cast %get3A_441 : i32 to index
      %get3A_444 = arith.index_cast %multiple_of3A_439 : i32 to index
      %get3A_445 = tpu.vector_load %arg7[%get3A_442, %get3A_443, %get3A_444] {strides = array<i32>} : memref<2x32x128xf32, #tpu.memory_space<vmem>>, vector<1x1x16xf32>,
      %get3A_446 = vector.shape_cast %get3A_445 : vector<1x1x16xf32> to vector<16xf32>
      %and3A_447 = arith.constant 15 : i32
      %and3A_448 = arith.andi %and3A_432, %and3A_447 : i32
      %broadcast_in_dim3A_449 = vector.broadcast %and3A_448 : i32 to vector<16xi32>
      %broadcast_in_dim3A_450 = vector.shape_cast %broadcast_in_dim3A_449 : vector<16xi32> to vector<16x1xi32>
      %gather3A_451 = vector.shape_cast %broadcast_in_dim3A_450 : vector<16x1xi32> to vector<16xi32>
      %gather3A_452 = tpu.dynamic_gather %get3A_446[%gather3A_451] in [0] : vector<16xf32>, vector<16xi32> -> vector<16xf32>
      %eq3A_453 = arith.constant 2 : i32
      %eq3A_454 = vector.broadcast %eq3A_453 : i32 to vector<16xi32>
      %eq3A_455 = arith.cmpi eq, %iota3A, %eq3A_454 : vector<16xi32>
      %select_n3A_456 = arith.select %eq3A_455, %gather3A_452, %select_n3A_344 : vector<16xi1>, vector<16xf32>
      %slice3A_457 = vector.extract_strided_slice %get3A_130 {offsets = [2], sizes = [1], strides = [1]} : vector<16xi32> to vector<1xi32>
      %squeeze3A_458 = vector.extract %slice3A_457[0] : i32 from vector<1xi32>
      %and3A_459 = arith.constant 1023 : i32
      %and3A_460 = arith.andi %squeeze3A_458, %and3A_459 : i32
      %shift_right_arithmetic3A_461 = arith.constant 4 : i32
      %shift_right_arithmetic3A_462 = arith.shrsi %and3A_460, %shift_right_arithmetic3A_461 : i32
      %and3A_463 = arith.constant 7 : i32
      %and3A_464 = arith.andi %shift_right_arithmetic3A_462, %and3A_463 : i32
      %mul3A_465 = arith.constant 16 : i32
      %mul3A_466 = arith.muli %and3A_464, %mul3A_465 : i32
      %multiple_of3A_467 = tpu.assume_multiple %mul3A_466, 16 : i32
      %get3A_468 = arith.constant 0 : i32
      %get3A_469 = arith.constant 26 : i32
      %get3A_470 = arith.index_cast %get3A_468 : i32 to index
      %get3A_471 = arith.index_cast %get3A_469 : i32 to index
      %get3A_472 = arith.index_cast %multiple_of3A_467 : i32 to index
      %get3A_473 = tpu.vector_load %arg7[%get3A_470, %get3A_471, %get3A_472] {strides = array<i32>} : memref<2x32x128xf32, #tpu.memory_space<vmem>>, vector<1x1x16xf32>,
      %get3A_474 = vector.shape_cast %get3A_473 : vector<1x1x16xf32> to vector<16xf32>
      %and3A_475 = arith.constant 15 : i32
      %and3A_476 = arith.andi %and3A_460, %and3A_475 : i32
      %broadcast_in_dim3A_477 = vector.broadcast %and3A_476 : i32 to vector<16xi32>
      %broadcast_in_dim3A_478 = vector.shape_cast %broadcast_in_dim3A_477 : vector<16xi32> to vector<16x1xi32>
      %gather3A_479 = vector.shape_cast %broadcast_in_dim3A_478 : vector<16x1xi32> to vector<16xi32>
      %gather3A_480 = tpu.dynamic_gather %get3A_474[%gather3A_479] in [0] : vector<16xf32>, vector<16xi32> -> vector<16xf32>
      %eq3A_481 = arith.constant 2 : i32
      %eq3A_482 = vector.broadcast %eq3A_481 : i32 to vector<16xi32>
      %eq3A_483 = arith.cmpi eq, %iota3A, %eq3A_482 : vector<16xi32>
      %select_n3A_484 = arith.select %eq3A_483, %gather3A_480, %select_n3A_372 : vector<16xi1>, vector<16xf32>
      %slice3A_485 = vector.extract_strided_slice %get3A_115 {offsets = [3], sizes = [1], strides = [1]} : vector<16xi32> to vector<1xi32>
      %squeeze3A_486 = vector.extract %slice3A_485[0] : i32 from vector<1xi32>
      %and3A_487 = arith.constant 1023 : i32
      %and3A_488 = arith.andi %squeeze3A_486, %and3A_487 : i32
      %shift_right_arithmetic3A_489 = arith.constant 4 : i32
      %shift_right_arithmetic3A_490 = arith.shrsi %and3A_488, %shift_right_arithmetic3A_489 : i32
      %and3A_491 = arith.constant 7 : i32
      %and3A_492 = arith.andi %shift_right_arithmetic3A_490, %and3A_491 : i32
      %mul3A_493 = arith.constant 16 : i32
      %mul3A_494 = arith.muli %and3A_492, %mul3A_493 : i32
      %multiple_of3A_495 = tpu.assume_multiple %mul3A_494, 16 : i32
      %get3A_496 = arith.constant 0 : i32
      %get3A_497 = arith.constant 3 : i32
      %get3A_498 = arith.index_cast %get3A_496 : i32 to index
      %get3A_499 = arith.index_cast %get3A_497 : i32 to index
      %get3A_500 = arith.index_cast %multiple_of3A_495 : i32 to index
      %get3A_501 = tpu.vector_load %arg7[%get3A_498, %get3A_499, %get3A_500] {strides = array<i32>} : memref<2x32x128xf32, #tpu.memory_space<vmem>>, vector<1x1x16xf32>,
      %get3A_502 = vector.shape_cast %get3A_501 : vector<1x1x16xf32> to vector<16xf32>
      %and3A_503 = arith.constant 15 : i32
      %and3A_504 = arith.andi %and3A_488, %and3A_503 : i32
      %broadcast_in_dim3A_505 = vector.broadcast %and3A_504 : i32 to vector<16xi32>
      %broadcast_in_dim3A_506 = vector.shape_cast %broadcast_in_dim3A_505 : vector<16xi32> to vector<16x1xi32>
      %gather3A_507 = vector.shape_cast %broadcast_in_dim3A_506 : vector<16x1xi32> to vector<16xi32>
      %gather3A_508 = tpu.dynamic_gather %get3A_502[%gather3A_507] in [0] : vector<16xf32>, vector<16xi32> -> vector<16xf32>
      %eq3A_509 = arith.constant 3 : i32
      %eq3A_510 = vector.broadcast %eq3A_509 : i32 to vector<16xi32>
      %eq3A_511 = arith.cmpi eq, %iota3A, %eq3A_510 : vector<16xi32>
      %select_n3A_512 = arith.select %eq3A_511, %gather3A_508, %select_n3A_400 : vector<16xi1>, vector<16xf32>
      %slice3A_513 = vector.extract_strided_slice %get3A_120 {offsets = [3], sizes = [1], strides = [1]} : vector<16xi32> to vector<1xi32>
      %squeeze3A_514 = vector.extract %slice3A_513[0] : i32 from vector<1xi32>
      %and3A_515 = arith.constant 1023 : i32
      %and3A_516 = arith.andi %squeeze3A_514, %and3A_515 : i32
      %shift_right_arithmetic3A_517 = arith.constant 4 : i32
      %shift_right_arithmetic3A_518 = arith.shrsi %and3A_516, %shift_right_arithmetic3A_517 : i32
      %and3A_519 = arith.constant 7 : i32
      %and3A_520 = arith.andi %shift_right_arithmetic3A_518, %and3A_519 : i32
      %mul3A_521 = arith.constant 16 : i32
      %mul3A_522 = arith.muli %and3A_520, %mul3A_521 : i32
      %multiple_of3A_523 = tpu.assume_multiple %mul3A_522, 16 : i32
      %get3A_524 = arith.constant 0 : i32
      %get3A_525 = arith.constant 11 : i32
      %get3A_526 = arith.index_cast %get3A_524 : i32 to index
      %get3A_527 = arith.index_cast %get3A_525 : i32 to index
      %get3A_528 = arith.index_cast %multiple_of3A_523 : i32 to index
      %get3A_529 = tpu.vector_load %arg7[%get3A_526, %get3A_527, %get3A_528] {strides = array<i32>} : memref<2x32x128xf32, #tpu.memory_space<vmem>>, vector<1x1x16xf32>,
      %get3A_530 = vector.shape_cast %get3A_529 : vector<1x1x16xf32> to vector<16xf32>
      %and3A_531 = arith.constant 15 : i32
      %and3A_532 = arith.andi %and3A_516, %and3A_531 : i32
      %broadcast_in_dim3A_533 = vector.broadcast %and3A_532 : i32 to vector<16xi32>
      %broadcast_in_dim3A_534 = vector.shape_cast %broadcast_in_dim3A_533 : vector<16xi32> to vector<16x1xi32>
      %gather3A_535 = vector.shape_cast %broadcast_in_dim3A_534 : vector<16x1xi32> to vector<16xi32>
      %gather3A_536 = tpu.dynamic_gather %get3A_530[%gather3A_535] in [0] : vector<16xf32>, vector<16xi32> -> vector<16xf32>
      %eq3A_537 = arith.constant 3 : i32
      %eq3A_538 = vector.broadcast %eq3A_537 : i32 to vector<16xi32>
      %eq3A_539 = arith.cmpi eq, %iota3A, %eq3A_538 : vector<16xi32>
      %select_n3A_540 = arith.select %eq3A_539, %gather3A_536, %select_n3A_428 : vector<16xi1>, vector<16xf32>
      %slice3A_541 = vector.extract_strided_slice %get3A_125 {offsets = [3], sizes = [1], strides = [1]} : vector<16xi32> to vector<1xi32>
      %squeeze3A_542 = vector.extract %slice3A_541[0] : i32 from vector<1xi32>
      %and3A_543 = arith.constant 1023 : i32
      %and3A_544 = arith.andi %squeeze3A_542, %and3A_543 : i32
      %shift_right_arithmetic3A_545 = arith.constant 4 : i32
      %shift_right_arithmetic3A_546 = arith.shrsi %and3A_544, %shift_right_arithmetic3A_545 : i32
      %and3A_547 = arith.constant 7 : i32
      %and3A_548 = arith.andi %shift_right_arithmetic3A_546, %and3A_547 : i32
      %mul3A_549 = arith.constant 16 : i32
      %mul3A_550 = arith.muli %and3A_548, %mul3A_549 : i32
      %multiple_of3A_551 = tpu.assume_multiple %mul3A_550, 16 : i32
      %get3A_552 = arith.constant 0 : i32
      %get3A_553 = arith.constant 19 : i32
      %get3A_554 = arith.index_cast %get3A_552 : i32 to index
      %get3A_555 = arith.index_cast %get3A_553 : i32 to index
      %get3A_556 = arith.index_cast %multiple_of3A_551 : i32 to index
      %get3A_557 = tpu.vector_load %arg7[%get3A_554, %get3A_555, %get3A_556] {strides = array<i32>} : memref<2x32x128xf32, #tpu.memory_space<vmem>>, vector<1x1x16xf32>,
      %get3A_558 = vector.shape_cast %get3A_557 : vector<1x1x16xf32> to vector<16xf32>
      %and3A_559 = arith.constant 15 : i32
      %and3A_560 = arith.andi %and3A_544, %and3A_559 : i32
      %broadcast_in_dim3A_561 = vector.broadcast %and3A_560 : i32 to vector<16xi32>
      %broadcast_in_dim3A_562 = vector.shape_cast %broadcast_in_dim3A_561 : vector<16xi32> to vector<16x1xi32>
      %gather3A_563 = vector.shape_cast %broadcast_in_dim3A_562 : vector<16x1xi32> to vector<16xi32>
      %gather3A_564 = tpu.dynamic_gather %get3A_558[%gather3A_563] in [0] : vector<16xf32>, vector<16xi32> -> vector<16xf32>
      %eq3A_565 = arith.constant 3 : i32
      %eq3A_566 = vector.broadcast %eq3A_565 : i32 to vector<16xi32>
      %eq3A_567 = arith.cmpi eq, %iota3A, %eq3A_566 : vector<16xi32>
      %select_n3A_568 = arith.select %eq3A_567, %gather3A_564, %select_n3A_456 : vector<16xi1>, vector<16xf32>
      %slice3A_569 = vector.extract_strided_slice %get3A_130 {offsets = [3], sizes = [1], strides = [1]} : vector<16xi32> to vector<1xi32>
      %squeeze3A_570 = vector.extract %slice3A_569[0] : i32 from vector<1xi32>
      %and3A_571 = arith.constant 1023 : i32
      %and3A_572 = arith.andi %squeeze3A_570, %and3A_571 : i32
      %shift_right_arithmetic3A_573 = arith.constant 4 : i32
      %shift_right_arithmetic3A_574 = arith.shrsi %and3A_572, %shift_right_arithmetic3A_573 : i32
      %and3A_575 = arith.constant 7 : i32
      %and3A_576 = arith.andi %shift_right_arithmetic3A_574, %and3A_575 : i32
      %mul3A_577 = arith.constant 16 : i32
      %mul3A_578 = arith.muli %and3A_576, %mul3A_577 : i32
      %multiple_of3A_579 = tpu.assume_multiple %mul3A_578, 16 : i32
      %get3A_580 = arith.constant 0 : i32
      %get3A_581 = arith.constant 27 : i32
      %get3A_582 = arith.index_cast %get3A_580 : i32 to index
      %get3A_583 = arith.index_cast %get3A_581 : i32 to index
      %get3A_584 = arith.index_cast %multiple_of3A_579 : i32 to index
      %get3A_585 = tpu.vector_load %arg7[%get3A_582, %get3A_583, %get3A_584] {strides = array<i32>} : memref<2x32x128xf32, #tpu.memory_space<vmem>>, vector<1x1x16xf32>,
      %get3A_586 = vector.shape_cast %get3A_585 : vector<1x1x16xf32> to vector<16xf32>
      %and3A_587 = arith.constant 15 : i32
      %and3A_588 = arith.andi %and3A_572, %and3A_587 : i32
      %broadcast_in_dim3A_589 = vector.broadcast %and3A_588 : i32 to vector<16xi32>
      %broadcast_in_dim3A_590 = vector.shape_cast %broadcast_in_dim3A_589 : vector<16xi32> to vector<16x1xi32>
      %gather3A_591 = vector.shape_cast %broadcast_in_dim3A_590 : vector<16x1xi32> to vector<16xi32>
      %gather3A_592 = tpu.dynamic_gather %get3A_586[%gather3A_591] in [0] : vector<16xf32>, vector<16xi32> -> vector<16xf32>
      %eq3A_593 = arith.constant 3 : i32
      %eq3A_594 = vector.broadcast %eq3A_593 : i32 to vector<16xi32>
      %eq3A_595 = arith.cmpi eq, %iota3A, %eq3A_594 : vector<16xi32>
      %select_n3A_596 = arith.select %eq3A_595, %gather3A_592, %select_n3A_484 : vector<16xi1>, vector<16xf32>
      %slice3A_597 = vector.extract_strided_slice %get3A_115 {offsets = [4], sizes = [1], strides = [1]} : vector<16xi32> to vector<1xi32>
      %squeeze3A_598 = vector.extract %slice3A_597[0] : i32 from vector<1xi32>
      %and3A_599 = arith.constant 1023 : i32
      %and3A_600 = arith.andi %squeeze3A_598, %and3A_599 : i32
      %shift_right_arithmetic3A_601 = arith.constant 4 : i32
      %shift_right_arithmetic3A_602 = arith.shrsi %and3A_600, %shift_right_arithmetic3A_601 : i32
      %and3A_603 = arith.constant 7 : i32
      %and3A_604 = arith.andi %shift_right_arithmetic3A_602, %and3A_603 : i32
      %mul3A_605 = arith.constant 16 : i32
      %mul3A_606 = arith.muli %and3A_604, %mul3A_605 : i32
      %multiple_of3A_607 = tpu.assume_multiple %mul3A_606, 16 : i32
      %get3A_608 = arith.constant 0 : i32
      %get3A_609 = arith.constant 4 : i32
      %get3A_610 = arith.index_cast %get3A_608 : i32 to index
      %get3A_611 = arith.index_cast %get3A_609 : i32 to index
      %get3A_612 = arith.index_cast %multiple_of3A_607 : i32 to index
      %get3A_613 = tpu.vector_load %arg7[%get3A_610, %get3A_611, %get3A_612] {strides = array<i32>} : memref<2x32x128xf32, #tpu.memory_space<vmem>>, vector<1x1x16xf32>,
      %get3A_614 = vector.shape_cast %get3A_613 : vector<1x1x16xf32> to vector<16xf32>
      %and3A_615 = arith.constant 15 : i32
      %and3A_616 = arith.andi %and3A_600, %and3A_615 : i32
      %broadcast_in_dim3A_617 = vector.broadcast %and3A_616 : i32 to vector<16xi32>
      %broadcast_in_dim3A_618 = vector.shape_cast %broadcast_in_dim3A_617 : vector<16xi32> to vector<16x1xi32>
      %gather3A_619 = vector.shape_cast %broadcast_in_dim3A_618 : vector<16x1xi32> to vector<16xi32>
      %gather3A_620 = tpu.dynamic_gather %get3A_614[%gather3A_619] in [0] : vector<16xf32>, vector<16xi32> -> vector<16xf32>
      %eq3A_621 = arith.constant 4 : i32
      %eq3A_622 = vector.broadcast %eq3A_621 : i32 to vector<16xi32>
      %eq3A_623 = arith.cmpi eq, %iota3A, %eq3A_622 : vector<16xi32>
      %select_n3A_624 = arith.select %eq3A_623, %gather3A_620, %select_n3A_512 : vector<16xi1>, vector<16xf32>
      %slice3A_625 = vector.extract_strided_slice %get3A_120 {offsets = [4], sizes = [1], strides = [1]} : vector<16xi32> to vector<1xi32>
      %squeeze3A_626 = vector.extract %slice3A_625[0] : i32 from vector<1xi32>
      %and3A_627 = arith.constant 1023 : i32
      %and3A_628 = arith.andi %squeeze3A_626, %and3A_627 : i32
      %shift_right_arithmetic3A_629 = arith.constant 4 : i32
      %shift_right_arithmetic3A_630 = arith.shrsi %and3A_628, %shift_right_arithmetic3A_629 : i32
      %and3A_631 = arith.constant 7 : i32
      %and3A_632 = arith.andi %shift_right_arithmetic3A_630, %and3A_631 : i32
      %mul3A_633 = arith.constant 16 : i32
      %mul3A_634 = arith.muli %and3A_632, %mul3A_633 : i32
      %multiple_of3A_635 = tpu.assume_multiple %mul3A_634, 16 : i32
      %get3A_636 = arith.constant 0 : i32
      %get3A_637 = arith.constant 12 : i32
      %get3A_638 = arith.index_cast %get3A_636 : i32 to index
      %get3A_639 = arith.index_cast %get3A_637 : i32 to index
      %get3A_640 = arith.index_cast %multiple_of3A_635 : i32 to index
      %get3A_641 = tpu.vector_load %arg7[%get3A_638, %get3A_639, %get3A_640] {strides = array<i32>} : memref<2x32x128xf32, #tpu.memory_space<vmem>>, vector<1x1x16xf32>,
      %get3A_642 = vector.shape_cast %get3A_641 : vector<1x1x16xf32> to vector<16xf32>
      %and3A_643 = arith.constant 15 : i32
      %and3A_644 = arith.andi %and3A_628, %and3A_643 : i32
      %broadcast_in_dim3A_645 = vector.broadcast %and3A_644 : i32 to vector<16xi32>
      %broadcast_in_dim3A_646 = vector.shape_cast %broadcast_in_dim3A_645 : vector<16xi32> to vector<16x1xi32>
      %gather3A_647 = vector.shape_cast %broadcast_in_dim3A_646 : vector<16x1xi32> to vector<16xi32>
      %gather3A_648 = tpu.dynamic_gather %get3A_642[%gather3A_647] in [0] : vector<16xf32>, vector<16xi32> -> vector<16xf32>
      %eq3A_649 = arith.constant 4 : i32
      %eq3A_650 = vector.broadcast %eq3A_649 : i32 to vector<16xi32>
      %eq3A_651 = arith.cmpi eq, %iota3A, %eq3A_650 : vector<16xi32>
      %select_n3A_652 = arith.select %eq3A_651, %gather3A_648, %select_n3A_540 : vector<16xi1>, vector<16xf32>
      %slice3A_653 = vector.extract_strided_slice %get3A_125 {offsets = [4], sizes = [1], strides = [1]} : vector<16xi32> to vector<1xi32>
      %squeeze3A_654 = vector.extract %slice3A_653[0] : i32 from vector<1xi32>
      %and3A_655 = arith.constant 1023 : i32
      %and3A_656 = arith.andi %squeeze3A_654, %and3A_655 : i32
      %shift_right_arithmetic3A_657 = arith.constant 4 : i32
      %shift_right_arithmetic3A_658 = arith.shrsi %and3A_656, %shift_right_arithmetic3A_657 : i32
      %and3A_659 = arith.constant 7 : i32
      %and3A_660 = arith.andi %shift_right_arithmetic3A_658, %and3A_659 : i32
      %mul3A_661 = arith.constant 16 : i32
      %mul3A_662 = arith.muli %and3A_660, %mul3A_661 : i32
      %multiple_of3A_663 = tpu.assume_multiple %mul3A_662, 16 : i32
      %get3A_664 = arith.constant 0 : i32
      %get3A_665 = arith.constant 20 : i32
      %get3A_666 = arith.index_cast %get3A_664 : i32 to index
      %get3A_667 = arith.index_cast %get3A_665 : i32 to index
      %get3A_668 = arith.index_cast %multiple_of3A_663 : i32 to index
      %get3A_669 = tpu.vector_load %arg7[%get3A_666, %get3A_667, %get3A_668] {strides = array<i32>} : memref<2x32x128xf32, #tpu.memory_space<vmem>>, vector<1x1x16xf32>,
      %get3A_670 = vector.shape_cast %get3A_669 : vector<1x1x16xf32> to vector<16xf32>
      %and3A_671 = arith.constant 15 : i32
      %and3A_672 = arith.andi %and3A_656, %and3A_671 : i32
      %broadcast_in_dim3A_673 = vector.broadcast %and3A_672 : i32 to vector<16xi32>
      %broadcast_in_dim3A_674 = vector.shape_cast %broadcast_in_dim3A_673 : vector<16xi32> to vector<16x1xi32>
      %gather3A_675 = vector.shape_cast %broadcast_in_dim3A_674 : vector<16x1xi32> to vector<16xi32>
      %gather3A_676 = tpu.dynamic_gather %get3A_670[%gather3A_675] in [0] : vector<16xf32>, vector<16xi32> -> vector<16xf32>
      %eq3A_677 = arith.constant 4 : i32
      %eq3A_678 = vector.broadcast %eq3A_677 : i32 to vector<16xi32>
      %eq3A_679 = arith.cmpi eq, %iota3A, %eq3A_678 : vector<16xi32>
      %select_n3A_680 = arith.select %eq3A_679, %gather3A_676, %select_n3A_568 : vector<16xi1>, vector<16xf32>
      %slice3A_681 = vector.extract_strided_slice %get3A_130 {offsets = [4], sizes = [1], strides = [1]} : vector<16xi32> to vector<1xi32>
      %squeeze3A_682 = vector.extract %slice3A_681[0] : i32 from vector<1xi32>
      %and3A_683 = arith.constant 1023 : i32
      %and3A_684 = arith.andi %squeeze3A_682, %and3A_683 : i32
      %shift_right_arithmetic3A_685 = arith.constant 4 : i32
      %shift_right_arithmetic3A_686 = arith.shrsi %and3A_684, %shift_right_arithmetic3A_685 : i32
      %and3A_687 = arith.constant 7 : i32
      %and3A_688 = arith.andi %shift_right_arithmetic3A_686, %and3A_687 : i32
      %mul3A_689 = arith.constant 16 : i32
      %mul3A_690 = arith.muli %and3A_688, %mul3A_689 : i32
      %multiple_of3A_691 = tpu.assume_multiple %mul3A_690, 16 : i32
      %get3A_692 = arith.constant 0 : i32
      %get3A_693 = arith.constant 28 : i32
      %get3A_694 = arith.index_cast %get3A_692 : i32 to index
      %get3A_695 = arith.index_cast %get3A_693 : i32 to index
      %get3A_696 = arith.index_cast %multiple_of3A_691 : i32 to index
      %get3A_697 = tpu.vector_load %arg7[%get3A_694, %get3A_695, %get3A_696] {strides = array<i32>} : memref<2x32x128xf32, #tpu.memory_space<vmem>>, vector<1x1x16xf32>,
      %get3A_698 = vector.shape_cast %get3A_697 : vector<1x1x16xf32> to vector<16xf32>
      %and3A_699 = arith.constant 15 : i32
      %and3A_700 = arith.andi %and3A_684, %and3A_699 : i32
      %broadcast_in_dim3A_701 = vector.broadcast %and3A_700 : i32 to vector<16xi32>
      %broadcast_in_dim3A_702 = vector.shape_cast %broadcast_in_dim3A_701 : vector<16xi32> to vector<16x1xi32>
      %gather3A_703 = vector.shape_cast %broadcast_in_dim3A_702 : vector<16x1xi32> to vector<16xi32>
      %gather3A_704 = tpu.dynamic_gather %get3A_698[%gather3A_703] in [0] : vector<16xf32>, vector<16xi32> -> vector<16xf32>
      %eq3A_705 = arith.constant 4 : i32
      %eq3A_706 = vector.broadcast %eq3A_705 : i32 to vector<16xi32>
      %eq3A_707 = arith.cmpi eq, %iota3A, %eq3A_706 : vector<16xi32>
      %select_n3A_708 = arith.select %eq3A_707, %gather3A_704, %select_n3A_596 : vector<16xi1>, vector<16xf32>
      %slice3A_709 = vector.extract_strided_slice %get3A_115 {offsets = [5], sizes = [1], strides = [1]} : vector<16xi32> to vector<1xi32>
      %squeeze3A_710 = vector.extract %slice3A_709[0] : i32 from vector<1xi32>
      %and3A_711 = arith.constant 1023 : i32
      %and3A_712 = arith.andi %squeeze3A_710, %and3A_711 : i32
      %shift_right_arithmetic3A_713 = arith.constant 4 : i32
      %shift_right_arithmetic3A_714 = arith.shrsi %and3A_712, %shift_right_arithmetic3A_713 : i32
      %and3A_715 = arith.constant 7 : i32
      %and3A_716 = arith.andi %shift_right_arithmetic3A_714, %and3A_715 : i32
      %mul3A_717 = arith.constant 16 : i32
      %mul3A_718 = arith.muli %and3A_716, %mul3A_717 : i32
      %multiple_of3A_719 = tpu.assume_multiple %mul3A_718, 16 : i32
      %get3A_720 = arith.constant 0 : i32
      %get3A_721 = arith.constant 5 : i32
      %get3A_722 = arith.index_cast %get3A_720 : i32 to index
      %get3A_723 = arith.index_cast %get3A_721 : i32 to index
      %get3A_724 = arith.index_cast %multiple_of3A_719 : i32 to index
      %get3A_725 = tpu.vector_load %arg7[%get3A_722, %get3A_723, %get3A_724] {strides = array<i32>} : memref<2x32x128xf32, #tpu.memory_space<vmem>>, vector<1x1x16xf32>,
      %get3A_726 = vector.shape_cast %get3A_725 : vector<1x1x16xf32> to vector<16xf32>
      %and3A_727 = arith.constant 15 : i32
      %and3A_728 = arith.andi %and3A_712, %and3A_727 : i32
      %broadcast_in_dim3A_729 = vector.broadcast %and3A_728 : i32 to vector<16xi32>
      %broadcast_in_dim3A_730 = vector.shape_cast %broadcast_in_dim3A_729 : vector<16xi32> to vector<16x1xi32>
      %gather3A_731 = vector.shape_cast %broadcast_in_dim3A_730 : vector<16x1xi32> to vector<16xi32>
      %gather3A_732 = tpu.dynamic_gather %get3A_726[%gather3A_731] in [0] : vector<16xf32>, vector<16xi32> -> vector<16xf32>
      %eq3A_733 = arith.constant 5 : i32
      %eq3A_734 = vector.broadcast %eq3A_733 : i32 to vector<16xi32>
      %eq3A_735 = arith.cmpi eq, %iota3A, %eq3A_734 : vector<16xi32>
      %select_n3A_736 = arith.select %eq3A_735, %gather3A_732, %select_n3A_624 : vector<16xi1>, vector<16xf32>
      %slice3A_737 = vector.extract_strided_slice %get3A_120 {offsets = [5], sizes = [1], strides = [1]} : vector<16xi32> to vector<1xi32>
      %squeeze3A_738 = vector.extract %slice3A_737[0] : i32 from vector<1xi32>
      %and3A_739 = arith.constant 1023 : i32
      %and3A_740 = arith.andi %squeeze3A_738, %and3A_739 : i32
      %shift_right_arithmetic3A_741 = arith.constant 4 : i32
      %shift_right_arithmetic3A_742 = arith.shrsi %and3A_740, %shift_right_arithmetic3A_741 : i32
      %and3A_743 = arith.constant 7 : i32
      %and3A_744 = arith.andi %shift_right_arithmetic3A_742, %and3A_743 : i32
      %mul3A_745 = arith.constant 16 : i32
      %mul3A_746 = arith.muli %and3A_744, %mul3A_745 : i32
      %multiple_of3A_747 = tpu.assume_multiple %mul3A_746, 16 : i32
      %get3A_748 = arith.constant 0 : i32
      %get3A_749 = arith.constant 13 : i32
      %get3A_750 = arith.index_cast %get3A_748 : i32 to index
      %get3A_751 = arith.index_cast %get3A_749 : i32 to index
      %get3A_752 = arith.index_cast %multiple_of3A_747 : i32 to index
      %get3A_753 = tpu.vector_load %arg7[%get3A_750, %get3A_751, %get3A_752] {strides = array<i32>} : memref<2x32x128xf32, #tpu.memory_space<vmem>>, vector<1x1x16xf32>,
      %get3A_754 = vector.shape_cast %get3A_753 : vector<1x1x16xf32> to vector<16xf32>
      %and3A_755 = arith.constant 15 : i32
      %and3A_756 = arith.andi %and3A_740, %and3A_755 : i32
      %broadcast_in_dim3A_757 = vector.broadcast %and3A_756 : i32 to vector<16xi32>
      %broadcast_in_dim3A_758 = vector.shape_cast %broadcast_in_dim3A_757 : vector<16xi32> to vector<16x1xi32>
      %gather3A_759 = vector.shape_cast %broadcast_in_dim3A_758 : vector<16x1xi32> to vector<16xi32>
      %gather3A_760 = tpu.dynamic_gather %get3A_754[%gather3A_759] in [0] : vector<16xf32>, vector<16xi32> -> vector<16xf32>
      %eq3A_761 = arith.constant 5 : i32
      %eq3A_762 = vector.broadcast %eq3A_761 : i32 to vector<16xi32>
      %eq3A_763 = arith.cmpi eq, %iota3A, %eq3A_762 : vector<16xi32>
      %select_n3A_764 = arith.select %eq3A_763, %gather3A_760, %select_n3A_652 : vector<16xi1>, vector<16xf32>
      %slice3A_765 = vector.extract_strided_slice %get3A_125 {offsets = [5], sizes = [1], strides = [1]} : vector<16xi32> to vector<1xi32>
      %squeeze3A_766 = vector.extract %slice3A_765[0] : i32 from vector<1xi32>
      %and3A_767 = arith.constant 1023 : i32
      %and3A_768 = arith.andi %squeeze3A_766, %and3A_767 : i32
      %shift_right_arithmetic3A_769 = arith.constant 4 : i32
      %shift_right_arithmetic3A_770 = arith.shrsi %and3A_768, %shift_right_arithmetic3A_769 : i32
      %and3A_771 = arith.constant 7 : i32
      %and3A_772 = arith.andi %shift_right_arithmetic3A_770, %and3A_771 : i32
      %mul3A_773 = arith.constant 16 : i32
      %mul3A_774 = arith.muli %and3A_772, %mul3A_773 : i32
      %multiple_of3A_775 = tpu.assume_multiple %mul3A_774, 16 : i32
      %get3A_776 = arith.constant 0 : i32
      %get3A_777 = arith.constant 21 : i32
      %get3A_778 = arith.index_cast %get3A_776 : i32 to index
      %get3A_779 = arith.index_cast %get3A_777 : i32 to index
      %get3A_780 = arith.index_cast %multiple_of3A_775 : i32 to index
      %get3A_781 = tpu.vector_load %arg7[%get3A_778, %get3A_779, %get3A_780] {strides = array<i32>} : memref<2x32x128xf32, #tpu.memory_space<vmem>>, vector<1x1x16xf32>,
      %get3A_782 = vector.shape_cast %get3A_781 : vector<1x1x16xf32> to vector<16xf32>
      %and3A_783 = arith.constant 15 : i32
      %and3A_784 = arith.andi %and3A_768, %and3A_783 : i32
      %broadcast_in_dim3A_785 = vector.broadcast %and3A_784 : i32 to vector<16xi32>
      %broadcast_in_dim3A_786 = vector.shape_cast %broadcast_in_dim3A_785 : vector<16xi32> to vector<16x1xi32>
      %gather3A_787 = vector.shape_cast %broadcast_in_dim3A_786 : vector<16x1xi32> to vector<16xi32>
      %gather3A_788 = tpu.dynamic_gather %get3A_782[%gather3A_787] in [0] : vector<16xf32>, vector<16xi32> -> vector<16xf32>
      %eq3A_789 = arith.constant 5 : i32
      %eq3A_790 = vector.broadcast %eq3A_789 : i32 to vector<16xi32>
      %eq3A_791 = arith.cmpi eq, %iota3A, %eq3A_790 : vector<16xi32>
      %select_n3A_792 = arith.select %eq3A_791, %gather3A_788, %select_n3A_680 : vector<16xi1>, vector<16xf32>
      %slice3A_793 = vector.extract_strided_slice %get3A_130 {offsets = [5], sizes = [1], strides = [1]} : vector<16xi32> to vector<1xi32>
      %squeeze3A_794 = vector.extract %slice3A_793[0] : i32 from vector<1xi32>
      %and3A_795 = arith.constant 1023 : i32
      %and3A_796 = arith.andi %squeeze3A_794, %and3A_795 : i32
      %shift_right_arithmetic3A_797 = arith.constant 4 : i32
      %shift_right_arithmetic3A_798 = arith.shrsi %and3A_796, %shift_right_arithmetic3A_797 : i32
      %and3A_799 = arith.constant 7 : i32
      %and3A_800 = arith.andi %shift_right_arithmetic3A_798, %and3A_799 : i32
      %mul3A_801 = arith.constant 16 : i32
      %mul3A_802 = arith.muli %and3A_800, %mul3A_801 : i32
      %multiple_of3A_803 = tpu.assume_multiple %mul3A_802, 16 : i32
      %get3A_804 = arith.constant 0 : i32
      %get3A_805 = arith.constant 29 : i32
      %get3A_806 = arith.index_cast %get3A_804 : i32 to index
      %get3A_807 = arith.index_cast %get3A_805 : i32 to index
      %get3A_808 = arith.index_cast %multiple_of3A_803 : i32 to index
      %get3A_809 = tpu.vector_load %arg7[%get3A_806, %get3A_807, %get3A_808] {strides = array<i32>} : memref<2x32x128xf32, #tpu.memory_space<vmem>>, vector<1x1x16xf32>,
      %get3A_810 = vector.shape_cast %get3A_809 : vector<1x1x16xf32> to vector<16xf32>
      %and3A_811 = arith.constant 15 : i32
      %and3A_812 = arith.andi %and3A_796, %and3A_811 : i32
      %broadcast_in_dim3A_813 = vector.broadcast %and3A_812 : i32 to vector<16xi32>
      %broadcast_in_dim3A_814 = vector.shape_cast %broadcast_in_dim3A_813 : vector<16xi32> to vector<16x1xi32>
      %gather3A_815 = vector.shape_cast %broadcast_in_dim3A_814 : vector<16x1xi32> to vector<16xi32>
      %gather3A_816 = tpu.dynamic_gather %get3A_810[%gather3A_815] in [0] : vector<16xf32>, vector<16xi32> -> vector<16xf32>
      %eq3A_817 = arith.constant 5 : i32
      %eq3A_818 = vector.broadcast %eq3A_817 : i32 to vector<16xi32>
      %eq3A_819 = arith.cmpi eq, %iota3A, %eq3A_818 : vector<16xi32>
      %select_n3A_820 = arith.select %eq3A_819, %gather3A_816, %select_n3A_708 : vector<16xi1>, vector<16xf32>
      %slice3A_821 = vector.extract_strided_slice %get3A_115 {offsets = [6], sizes = [1], strides = [1]} : vector<16xi32> to vector<1xi32>
      %squeeze3A_822 = vector.extract %slice3A_821[0] : i32 from vector<1xi32>
      %and3A_823 = arith.constant 1023 : i32
      %and3A_824 = arith.andi %squeeze3A_822, %and3A_823 : i32
      %shift_right_arithmetic3A_825 = arith.constant 4 : i32
      %shift_right_arithmetic3A_826 = arith.shrsi %and3A_824, %shift_right_arithmetic3A_825 : i32
      %and3A_827 = arith.constant 7 : i32
      %and3A_828 = arith.andi %shift_right_arithmetic3A_826, %and3A_827 : i32
      %mul3A_829 = arith.constant 16 : i32
      %mul3A_830 = arith.muli %and3A_828, %mul3A_829 : i32
      %multiple_of3A_831 = tpu.assume_multiple %mul3A_830, 16 : i32
      %get3A_832 = arith.constant 0 : i32
      %get3A_833 = arith.constant 6 : i32
      %get3A_834 = arith.index_cast %get3A_832 : i32 to index
      %get3A_835 = arith.index_cast %get3A_833 : i32 to index
      %get3A_836 = arith.index_cast %multiple_of3A_831 : i32 to index
      %get3A_837 = tpu.vector_load %arg7[%get3A_834, %get3A_835, %get3A_836] {strides = array<i32>} : memref<2x32x128xf32, #tpu.memory_space<vmem>>, vector<1x1x16xf32>,
      %get3A_838 = vector.shape_cast %get3A_837 : vector<1x1x16xf32> to vector<16xf32>
      %and3A_839 = arith.constant 15 : i32
      %and3A_840 = arith.andi %and3A_824, %and3A_839 : i32
      %broadcast_in_dim3A_841 = vector.broadcast %and3A_840 : i32 to vector<16xi32>
      %broadcast_in_dim3A_842 = vector.shape_cast %broadcast_in_dim3A_841 : vector<16xi32> to vector<16x1xi32>
      %gather3A_843 = vector.shape_cast %broadcast_in_dim3A_842 : vector<16x1xi32> to vector<16xi32>
      %gather3A_844 = tpu.dynamic_gather %get3A_838[%gather3A_843] in [0] : vector<16xf32>, vector<16xi32> -> vector<16xf32>
      %eq3A_845 = arith.constant 6 : i32
      %eq3A_846 = vector.broadcast %eq3A_845 : i32 to vector<16xi32>
      %eq3A_847 = arith.cmpi eq, %iota3A, %eq3A_846 : vector<16xi32>
      %select_n3A_848 = arith.select %eq3A_847, %gather3A_844, %select_n3A_736 : vector<16xi1>, vector<16xf32>
      %slice3A_849 = vector.extract_strided_slice %get3A_120 {offsets = [6], sizes = [1], strides = [1]} : vector<16xi32> to vector<1xi32>
      %squeeze3A_850 = vector.extract %slice3A_849[0] : i32 from vector<1xi32>
      %and3A_851 = arith.constant 1023 : i32
      %and3A_852 = arith.andi %squeeze3A_850, %and3A_851 : i32
      %shift_right_arithmetic3A_853 = arith.constant 4 : i32
      %shift_right_arithmetic3A_854 = arith.shrsi %and3A_852, %shift_right_arithmetic3A_853 : i32
      %and3A_855 = arith.constant 7 : i32
      %and3A_856 = arith.andi %shift_right_arithmetic3A_854, %and3A_855 : i32
      %mul3A_857 = arith.constant 16 : i32
      %mul3A_858 = arith.muli %and3A_856, %mul3A_857 : i32
      %multiple_of3A_859 = tpu.assume_multiple %mul3A_858, 16 : i32
      %get3A_860 = arith.constant 0 : i32
      %get3A_861 = arith.constant 14 : i32
      %get3A_862 = arith.index_cast %get3A_860 : i32 to index
      %get3A_863 = arith.index_cast %get3A_861 : i32 to index
      %get3A_864 = arith.index_cast %multiple_of3A_859 : i32 to index
      %get3A_865 = tpu.vector_load %arg7[%get3A_862, %get3A_863, %get3A_864] {strides = array<i32>} : memref<2x32x128xf32, #tpu.memory_space<vmem>>, vector<1x1x16xf32>,
      %get3A_866 = vector.shape_cast %get3A_865 : vector<1x1x16xf32> to vector<16xf32>
      %and3A_867 = arith.constant 15 : i32
      %and3A_868 = arith.andi %and3A_852, %and3A_867 : i32
      %broadcast_in_dim3A_869 = vector.broadcast %and3A_868 : i32 to vector<16xi32>
      %broadcast_in_dim3A_870 = vector.shape_cast %broadcast_in_dim3A_869 : vector<16xi32> to vector<16x1xi32>
      %gather3A_871 = vector.shape_cast %broadcast_in_dim3A_870 : vector<16x1xi32> to vector<16xi32>
      %gather3A_872 = tpu.dynamic_gather %get3A_866[%gather3A_871] in [0] : vector<16xf32>, vector<16xi32> -> vector<16xf32>
      %eq3A_873 = arith.constant 6 : i32
      %eq3A_874 = vector.broadcast %eq3A_873 : i32 to vector<16xi32>
      %eq3A_875 = arith.cmpi eq, %iota3A, %eq3A_874 : vector<16xi32>
      %select_n3A_876 = arith.select %eq3A_875, %gather3A_872, %select_n3A_764 : vector<16xi1>, vector<16xf32>
      %slice3A_877 = vector.extract_strided_slice %get3A_125 {offsets = [6], sizes = [1], strides = [1]} : vector<16xi32> to vector<1xi32>
      %squeeze3A_878 = vector.extract %slice3A_877[0] : i32 from vector<1xi32>
      %and3A_879 = arith.constant 1023 : i32
      %and3A_880 = arith.andi %squeeze3A_878, %and3A_879 : i32
      %shift_right_arithmetic3A_881 = arith.constant 4 : i32
      %shift_right_arithmetic3A_882 = arith.shrsi %and3A_880, %shift_right_arithmetic3A_881 : i32
      %and3A_883 = arith.constant 7 : i32
      %and3A_884 = arith.andi %shift_right_arithmetic3A_882, %and3A_883 : i32
      %mul3A_885 = arith.constant 16 : i32
      %mul3A_886 = arith.muli %and3A_884, %mul3A_885 : i32
      %multiple_of3A_887 = tpu.assume_multiple %mul3A_886, 16 : i32
      %get3A_888 = arith.constant 0 : i32
      %get3A_889 = arith.constant 22 : i32
      %get3A_890 = arith.index_cast %get3A_888 : i32 to index
      %get3A_891 = arith.index_cast %get3A_889 : i32 to index
      %get3A_892 = arith.index_cast %multiple_of3A_887 : i32 to index
      %get3A_893 = tpu.vector_load %arg7[%get3A_890, %get3A_891, %get3A_892] {strides = array<i32>} : memref<2x32x128xf32, #tpu.memory_space<vmem>>, vector<1x1x16xf32>,
      %get3A_894 = vector.shape_cast %get3A_893 : vector<1x1x16xf32> to vector<16xf32>
      %and3A_895 = arith.constant 15 : i32
      %and3A_896 = arith.andi %and3A_880, %and3A_895 : i32
      %broadcast_in_dim3A_897 = vector.broadcast %and3A_896 : i32 to vector<16xi32>
      %broadcast_in_dim3A_898 = vector.shape_cast %broadcast_in_dim3A_897 : vector<16xi32> to vector<16x1xi32>
      %gather3A_899 = vector.shape_cast %broadcast_in_dim3A_898 : vector<16x1xi32> to vector<16xi32>
      %gather3A_900 = tpu.dynamic_gather %get3A_894[%gather3A_899] in [0] : vector<16xf32>, vector<16xi32> -> vector<16xf32>
      %eq3A_901 = arith.constant 6 : i32
      %eq3A_902 = vector.broadcast %eq3A_901 : i32 to vector<16xi32>
      %eq3A_903 = arith.cmpi eq, %iota3A, %eq3A_902 : vector<16xi32>
      %select_n3A_904 = arith.select %eq3A_903, %gather3A_900, %select_n3A_792 : vector<16xi1>, vector<16xf32>
      %slice3A_905 = vector.extract_strided_slice %get3A_130 {offsets = [6], sizes = [1], strides = [1]} : vector<16xi32> to vector<1xi32>
      %squeeze3A_906 = vector.extract %slice3A_905[0] : i32 from vector<1xi32>
      %and3A_907 = arith.constant 1023 : i32
      %and3A_908 = arith.andi %squeeze3A_906, %and3A_907 : i32
      %shift_right_arithmetic3A_909 = arith.constant 4 : i32
      %shift_right_arithmetic3A_910 = arith.shrsi %and3A_908, %shift_right_arithmetic3A_909 : i32
      %and3A_911 = arith.constant 7 : i32
      %and3A_912 = arith.andi %shift_right_arithmetic3A_910, %and3A_911 : i32
      %mul3A_913 = arith.constant 16 : i32
      %mul3A_914 = arith.muli %and3A_912, %mul3A_913 : i32
      %multiple_of3A_915 = tpu.assume_multiple %mul3A_914, 16 : i32
      %get3A_916 = arith.constant 0 : i32
      %get3A_917 = arith.constant 30 : i32
      %get3A_918 = arith.index_cast %get3A_916 : i32 to index
      %get3A_919 = arith.index_cast %get3A_917 : i32 to index
      %get3A_920 = arith.index_cast %multiple_of3A_915 : i32 to index
      %get3A_921 = tpu.vector_load %arg7[%get3A_918, %get3A_919, %get3A_920] {strides = array<i32>} : memref<2x32x128xf32, #tpu.memory_space<vmem>>, vector<1x1x16xf32>,
      %get3A_922 = vector.shape_cast %get3A_921 : vector<1x1x16xf32> to vector<16xf32>
      %and3A_923 = arith.constant 15 : i32
      %and3A_924 = arith.andi %and3A_908, %and3A_923 : i32
      %broadcast_in_dim3A_925 = vector.broadcast %and3A_924 : i32 to vector<16xi32>
      %broadcast_in_dim3A_926 = vector.shape_cast %broadcast_in_dim3A_925 : vector<16xi32> to vector<16x1xi32>
      %gather3A_927 = vector.shape_cast %broadcast_in_dim3A_926 : vector<16x1xi32> to vector<16xi32>
      %gather3A_928 = tpu.dynamic_gather %get3A_922[%gather3A_927] in [0] : vector<16xf32>, vector<16xi32> -> vector<16xf32>
      %eq3A_929 = arith.constant 6 : i32
      %eq3A_930 = vector.broadcast %eq3A_929 : i32 to vector<16xi32>
      %eq3A_931 = arith.cmpi eq, %iota3A, %eq3A_930 : vector<16xi32>
      %select_n3A_932 = arith.select %eq3A_931, %gather3A_928, %select_n3A_820 : vector<16xi1>, vector<16xf32>
      %slice3A_933 = vector.extract_strided_slice %get3A_115 {offsets = [7], sizes = [1], strides = [1]} : vector<16xi32> to vector<1xi32>
      %squeeze3A_934 = vector.extract %slice3A_933[0] : i32 from vector<1xi32>
      %and3A_935 = arith.constant 1023 : i32
      %and3A_936 = arith.andi %squeeze3A_934, %and3A_935 : i32
      %shift_right_arithmetic3A_937 = arith.constant 4 : i32
      %shift_right_arithmetic3A_938 = arith.shrsi %and3A_936, %shift_right_arithmetic3A_937 : i32
      %and3A_939 = arith.constant 7 : i32
      %and3A_940 = arith.andi %shift_right_arithmetic3A_938, %and3A_939 : i32
      %mul3A_941 = arith.constant 16 : i32
      %mul3A_942 = arith.muli %and3A_940, %mul3A_941 : i32
      %multiple_of3A_943 = tpu.assume_multiple %mul3A_942, 16 : i32
      %get3A_944 = arith.constant 0 : i32
      %get3A_945 = arith.constant 7 : i32
      %get3A_946 = arith.index_cast %get3A_944 : i32 to index
      %get3A_947 = arith.index_cast %get3A_945 : i32 to index
      %get3A_948 = arith.index_cast %multiple_of3A_943 : i32 to index
      %get3A_949 = tpu.vector_load %arg7[%get3A_946, %get3A_947, %get3A_948] {strides = array<i32>} : memref<2x32x128xf32, #tpu.memory_space<vmem>>, vector<1x1x16xf32>,
      %get3A_950 = vector.shape_cast %get3A_949 : vector<1x1x16xf32> to vector<16xf32>
      %and3A_951 = arith.constant 15 : i32
      %and3A_952 = arith.andi %and3A_936, %and3A_951 : i32
      %broadcast_in_dim3A_953 = vector.broadcast %and3A_952 : i32 to vector<16xi32>
      %broadcast_in_dim3A_954 = vector.shape_cast %broadcast_in_dim3A_953 : vector<16xi32> to vector<16x1xi32>
      %gather3A_955 = vector.shape_cast %broadcast_in_dim3A_954 : vector<16x1xi32> to vector<16xi32>
      %gather3A_956 = tpu.dynamic_gather %get3A_950[%gather3A_955] in [0] : vector<16xf32>, vector<16xi32> -> vector<16xf32>
      %eq3A_957 = arith.constant 7 : i32
      %eq3A_958 = vector.broadcast %eq3A_957 : i32 to vector<16xi32>
      %eq3A_959 = arith.cmpi eq, %iota3A, %eq3A_958 : vector<16xi32>
      %select_n3A_960 = arith.select %eq3A_959, %gather3A_956, %select_n3A_848 : vector<16xi1>, vector<16xf32>
      %slice3A_961 = vector.extract_strided_slice %get3A_120 {offsets = [7], sizes = [1], strides = [1]} : vector<16xi32> to vector<1xi32>
      %squeeze3A_962 = vector.extract %slice3A_961[0] : i32 from vector<1xi32>
      %and3A_963 = arith.constant 1023 : i32
      %and3A_964 = arith.andi %squeeze3A_962, %and3A_963 : i32
      %shift_right_arithmetic3A_965 = arith.constant 4 : i32
      %shift_right_arithmetic3A_966 = arith.shrsi %and3A_964, %shift_right_arithmetic3A_965 : i32
      %and3A_967 = arith.constant 7 : i32
      %and3A_968 = arith.andi %shift_right_arithmetic3A_966, %and3A_967 : i32
      %mul3A_969 = arith.constant 16 : i32
      %mul3A_970 = arith.muli %and3A_968, %mul3A_969 : i32
      %multiple_of3A_971 = tpu.assume_multiple %mul3A_970, 16 : i32
      %get3A_972 = arith.constant 0 : i32
      %get3A_973 = arith.constant 15 : i32
      %get3A_974 = arith.index_cast %get3A_972 : i32 to index
      %get3A_975 = arith.index_cast %get3A_973 : i32 to index
      %get3A_976 = arith.index_cast %multiple_of3A_971 : i32 to index
      %get3A_977 = tpu.vector_load %arg7[%get3A_974, %get3A_975, %get3A_976] {strides = array<i32>} : memref<2x32x128xf32, #tpu.memory_space<vmem>>, vector<1x1x16xf32>,
      %get3A_978 = vector.shape_cast %get3A_977 : vector<1x1x16xf32> to vector<16xf32>
      %and3A_979 = arith.constant 15 : i32
      %and3A_980 = arith.andi %and3A_964, %and3A_979 : i32
      %broadcast_in_dim3A_981 = vector.broadcast %and3A_980 : i32 to vector<16xi32>
      %broadcast_in_dim3A_982 = vector.shape_cast %broadcast_in_dim3A_981 : vector<16xi32> to vector<16x1xi32>
      %gather3A_983 = vector.shape_cast %broadcast_in_dim3A_982 : vector<16x1xi32> to vector<16xi32>
      %gather3A_984 = tpu.dynamic_gather %get3A_978[%gather3A_983] in [0] : vector<16xf32>, vector<16xi32> -> vector<16xf32>
      %eq3A_985 = arith.constant 7 : i32
      %eq3A_986 = vector.broadcast %eq3A_985 : i32 to vector<16xi32>
      %eq3A_987 = arith.cmpi eq, %iota3A, %eq3A_986 : vector<16xi32>
      %select_n3A_988 = arith.select %eq3A_987, %gather3A_984, %select_n3A_876 : vector<16xi1>, vector<16xf32>
      %slice3A_989 = vector.extract_strided_slice %get3A_125 {offsets = [7], sizes = [1], strides = [1]} : vector<16xi32> to vector<1xi32>
      %squeeze3A_990 = vector.extract %slice3A_989[0] : i32 from vector<1xi32>
      %and3A_991 = arith.constant 1023 : i32
      %and3A_992 = arith.andi %squeeze3A_990, %and3A_991 : i32
      %shift_right_arithmetic3A_993 = arith.constant 4 : i32
      %shift_right_arithmetic3A_994 = arith.shrsi %and3A_992, %shift_right_arithmetic3A_993 : i32
      %and3A_995 = arith.constant 7 : i32
      %and3A_996 = arith.andi %shift_right_arithmetic3A_994, %and3A_995 : i32
      %mul3A_997 = arith.constant 16 : i32
      %mul3A_998 = arith.muli %and3A_996, %mul3A_997 : i32
      %multiple_of3A_999 = tpu.assume_multiple %mul3A_998, 16 : i32
      %get3A_1000 = arith.constant 0 : i32
      %get3A_1001 = arith.constant 23 : i32
      %get3A_1002 = arith.index_cast %get3A_1000 : i32 to index
      %get3A_1003 = arith.index_cast %get3A_1001 : i32 to index
      %get3A_1004 = arith.index_cast %multiple_of3A_999 : i32 to index
      %get3A_1005 = tpu.vector_load %arg7[%get3A_1002, %get3A_1003, %get3A_1004] {strides = array<i32>} : memref<2x32x128xf32, #tpu.memory_space<vmem>>, vector<1x1x16xf32>,
      %get3A_1006 = vector.shape_cast %get3A_1005 : vector<1x1x16xf32> to vector<16xf32>
      %and3A_1007 = arith.constant 15 : i32
      %and3A_1008 = arith.andi %and3A_992, %and3A_1007 : i32
      %broadcast_in_dim3A_1009 = vector.broadcast %and3A_1008 : i32 to vector<16xi32>
      %broadcast_in_dim3A_1010 = vector.shape_cast %broadcast_in_dim3A_1009 : vector<16xi32> to vector<16x1xi32>
      %gather3A_1011 = vector.shape_cast %broadcast_in_dim3A_1010 : vector<16x1xi32> to vector<16xi32>
      %gather3A_1012 = tpu.dynamic_gather %get3A_1006[%gather3A_1011] in [0] : vector<16xf32>, vector<16xi32> -> vector<16xf32>
      %eq3A_1013 = arith.constant 7 : i32
      %eq3A_1014 = vector.broadcast %eq3A_1013 : i32 to vector<16xi32>
      %eq3A_1015 = arith.cmpi eq, %iota3A, %eq3A_1014 : vector<16xi32>
      %select_n3A_1016 = arith.select %eq3A_1015, %gather3A_1012, %select_n3A_904 : vector<16xi1>, vector<16xf32>
      %slice3A_1017 = vector.extract_strided_slice %get3A_130 {offsets = [7], sizes = [1], strides = [1]} : vector<16xi32> to vector<1xi32>
      %squeeze3A_1018 = vector.extract %slice3A_1017[0] : i32 from vector<1xi32>
      %and3A_1019 = arith.constant 1023 : i32
      %and3A_1020 = arith.andi %squeeze3A_1018, %and3A_1019 : i32
      %shift_right_arithmetic3A_1021 = arith.constant 4 : i32
      %shift_right_arithmetic3A_1022 = arith.shrsi %and3A_1020, %shift_right_arithmetic3A_1021 : i32
      %and3A_1023 = arith.constant 7 : i32
      %and3A_1024 = arith.andi %shift_right_arithmetic3A_1022, %and3A_1023 : i32
      %mul3A_1025 = arith.constant 16 : i32
      %mul3A_1026 = arith.muli %and3A_1024, %mul3A_1025 : i32
      %multiple_of3A_1027 = tpu.assume_multiple %mul3A_1026, 16 : i32
      %get3A_1028 = arith.constant 0 : i32
      %get3A_1029 = arith.constant 31 : i32
      %get3A_1030 = arith.index_cast %get3A_1028 : i32 to index
      %get3A_1031 = arith.index_cast %get3A_1029 : i32 to index
      %get3A_1032 = arith.index_cast %multiple_of3A_1027 : i32 to index
      %get3A_1033 = tpu.vector_load %arg7[%get3A_1030, %get3A_1031, %get3A_1032] {strides = array<i32>} : memref<2x32x128xf32, #tpu.memory_space<vmem>>, vector<1x1x16xf32>,
      %get3A_1034 = vector.shape_cast %get3A_1033 : vector<1x1x16xf32> to vector<16xf32>
      %and3A_1035 = arith.constant 15 : i32
      %and3A_1036 = arith.andi %and3A_1020, %and3A_1035 : i32
      %broadcast_in_dim3A_1037 = vector.broadcast %and3A_1036 : i32 to vector<16xi32>
      %broadcast_in_dim3A_1038 = vector.shape_cast %broadcast_in_dim3A_1037 : vector<16xi32> to vector<16x1xi32>
      %gather3A_1039 = vector.shape_cast %broadcast_in_dim3A_1038 : vector<16x1xi32> to vector<16xi32>
      %gather3A_1040 = tpu.dynamic_gather %get3A_1034[%gather3A_1039] in [0] : vector<16xf32>, vector<16xi32> -> vector<16xf32>
      %eq3A_1041 = arith.constant 7 : i32
      %eq3A_1042 = vector.broadcast %eq3A_1041 : i32 to vector<16xi32>
      %eq3A_1043 = arith.cmpi eq, %iota3A, %eq3A_1042 : vector<16xi32>
      %select_n3A_1044 = arith.select %eq3A_1043, %gather3A_1040, %select_n3A_932 : vector<16xi1>, vector<16xf32>
      %mul3A_1045 = arith.constant 2 : i32
      %mul3A_1046 = arith.muli %scan3A_98, %mul3A_1045 : i32
      %add3A_1047 = arith.constant 1 : i32
      %add3A_1048 = arith.addi %mul3A_1046, %add3A_1047 : i32
      %add3A_1049 = arith.addi %mul3A_2, %add3A_1048 : i32
      %dma_wait3A_1050 = arith.constant 1 : i32
      %dma_wait3A_1051 = arith.constant 1 : i32
      %dma_wait3A_1052 = arith.constant 0 : i32
      %dma_wait3A_1053 = arith.constant 0 : i32
      %dma_wait3A_1054 = tpu.memref_slice %arg7[%dma_wait3A_1051, %dma_wait3A_1052, %dma_wait3A_1053] : memref<2x32x128xf32, #tpu.memory_space<vmem>> -> memref<1x32x128xf32, #tpu.memory_space<vmem>>
      %dma_wait3A_1055 = tpu.memref_squeeze %dma_wait3A_1054 : memref<1x32x128xf32, #tpu.memory_space<vmem>> -> memref<32x128xf32, #tpu.memory_space<vmem>>
      %dma_wait3A_1056 = arith.constant 0 : i32
      %dma_wait3A_1057 = tpu.memref_slice %arg6[%dma_wait3A_1050, %dma_wait3A_1056] : memref<2x32xi32, #tpu.memory_space<vmem>> -> memref<1x32xi32, #tpu.memory_space<vmem>>
      %dma_wait3A_1058 = tpu.memref_squeeze %dma_wait3A_1057 : memref<1x32xi32, #tpu.memory_space<vmem>> -> memref<32xi32, #tpu.memory_space<vmem>>
      %dma_wait3A_1059 = arith.constant 0 : i32
      %dma_wait3A_1060 = arith.constant 0 : i32
      %dma_wait3A_1061 = tpu.memref_slice %arg2[%dma_wait3A_1059, %dma_wait3A_1060] : memref<65536x128xf32, #tpu.memory_space<hbm>> -> memref<65536x128xf32, #tpu.memory_space<hbm>>
      tpu.wait_indirect_dma semaphore(%arg9 : memref<!tpu.dma_semaphore, #tpu.memory_space<semaphore_mem>>) src(%dma_wait3A_1061 : memref<65536x128xf32, #tpu.memory_space<hbm>>) dst(%dma_wait3A_1055 : memref<32x128xf32, #tpu.memory_space<vmem>>)
      %add3A_1062 = arith.constant 1 : i32
      %add3A_1063 = arith.addi %add3A_1048, %add3A_1062 : i32
      %lt3A_1064 = arith.constant 32 : i32
      %lt3A_1065 = arith.cmpi slt, %add3A_1063, %lt3A_1064 : i32
      %convert_element_type3A_1066 = arith.extui %lt3A_1065 : i1 to i32
      %cond3A_1067 = arith.constant 0 : i32
      %cond3A_1068 = arith.cmpi ne, %convert_element_type3A_1066, %cond3A_1067 : i32
      scf.if %cond3A_1068 {
        %add3A_1993 = arith.constant 1 : i32
        %add3A_1994 = arith.addi %add3A_1049, %add3A_1993 : i32
        %add3A_1995 = arith.constant 1 : i32
        %add3A_1996 = arith.addi %add3A_1048, %add3A_1995 : i32
        %mul3A_1997 = arith.constant 8 : i32
        %mul3A_1998 = arith.muli %add3A_1994, %mul3A_1997 : i32
        %shift_right_arithmetic3A_1999 = arith.constant 1 : i32
        %shift_right_arithmetic3A_2000 = arith.shrsi %add3A_1996, %shift_right_arithmetic3A_1999 : i32
        %mul3A_2001 = arith.constant 16 : i32
        %mul3A_2002 = arith.muli %shift_right_arithmetic3A_2000, %mul3A_2001 : i32
        %multiple_of3A_2003 = tpu.assume_multiple %mul3A_2002, 16 : i32
        %and3A_2004 = arith.constant 7 : i32
        %and3A_2005 = vector.broadcast %and3A_2004 : i32 to vector<16xi32>
        %and3A_2006 = arith.andi %iota3A, %and3A_2005 : vector<16xi32>
        %and3A_2007 = arith.constant 1 : i32
        %and3A_2008 = arith.andi %add3A_1996, %and3A_2007 : i32
        %mul3A_2009 = arith.constant 8 : i32
        %mul3A_2010 = arith.muli %and3A_2008, %mul3A_2009 : i32
        %add3A_2011 = vector.broadcast %mul3A_2010 : i32 to vector<16xi32>
        %add3A_2012 = arith.addi %and3A_2006, %add3A_2011 : vector<16xi32>
        %broadcast_in_dim3A_2013 = vector.broadcast %mul3A_1998 : i32 to vector<16xi32>
        %and3A_2014 = arith.constant 7 : i32
        %and3A_2015 = vector.broadcast %and3A_2014 : i32 to vector<16xi32>
        %and3A_2016 = arith.andi %iota3A, %and3A_2015 : vector<16xi32>
        %add3A_2017 = arith.addi %broadcast_in_dim3A_2013, %and3A_2016 : vector<16xi32>
        %lt3A_2018 = arith.constant 8 : i32
        %lt3A_2019 = vector.broadcast %lt3A_2018 : i32 to vector<16xi32>
        %lt3A_2020 = arith.cmpi slt, %iota3A, %lt3A_2019 : vector<16xi32>
        %get3A_2021 = arith.constant 0 : i32
        %get3A_2022 = arith.index_cast %get3A_2021 : i32 to index
        %get3A_2023 = arith.index_cast %multiple_of3A_2003 : i32 to index
        %get3A_2024 = tpu.vector_load %arg5[%get3A_2022, %get3A_2023] {strides = array<i32>} : memref<4x256xi32, #tpu.memory_space<vmem>>, vector<1x16xi32>,
        %get3A_2025 = vector.shape_cast %get3A_2024 : vector<1x16xi32> to vector<16xi32>
        %broadcast_in_dim3A_2026 = vector.shape_cast %add3A_2012 : vector<16xi32> to vector<16x1xi32>
        %gather3A_2027 = vector.shape_cast %broadcast_in_dim3A_2026 : vector<16x1xi32> to vector<16xi32>
        %gather3A_2028 = tpu.dynamic_gather %get3A_2025[%gather3A_2027] in [0] : vector<16xi32>, vector<16xi32> -> vector<16xi32>
        %get3A_2029 = arith.constant 1 : i32
        %get3A_2030 = arith.index_cast %get3A_2029 : i32 to index
        %get3A_2031 = arith.index_cast %multiple_of3A_2003 : i32 to index
        %get3A_2032 = tpu.vector_load %arg5[%get3A_2030, %get3A_2031] {strides = array<i32>} : memref<4x256xi32, #tpu.memory_space<vmem>>, vector<1x16xi32>,
        %get3A_2033 = vector.shape_cast %get3A_2032 : vector<1x16xi32> to vector<16xi32>
        %broadcast_in_dim3A_2034 = vector.shape_cast %add3A_2012 : vector<16xi32> to vector<16x1xi32>
        %gather3A_2035 = vector.shape_cast %broadcast_in_dim3A_2034 : vector<16x1xi32> to vector<16xi32>
        %gather3A_2036 = tpu.dynamic_gather %get3A_2033[%gather3A_2035] in [0] : vector<16xi32>, vector<16xi32> -> vector<16xi32>
        %select_n3A_2037 = arith.select %lt3A_2020, %gather3A_2028, %gather3A_2036 : vector<16xi1>, vector<16xi32>
        %and3A_2038 = arith.constant 1023 : i32
        %and3A_2039 = vector.broadcast %and3A_2038 : i32 to vector<16xi32>
        %and3A_2040 = arith.andi %select_n3A_2037, %and3A_2039 : vector<16xi32>
        %shift_right_arithmetic3A_2041 = arith.constant 7 : i32
        %shift_right_arithmetic3A_2042 = vector.broadcast %shift_right_arithmetic3A_2041 : i32 to vector<16xi32>
        %shift_right_arithmetic3A_2043 = arith.shrsi %and3A_2040, %shift_right_arithmetic3A_2042 : vector<16xi32>
        %shift_left3A_2044 = arith.constant 13 : i32
        %shift_left3A_2045 = vector.broadcast %shift_left3A_2044 : i32 to vector<16xi32>
        %shift_left3A_2046 = arith.shli %shift_right_arithmetic3A_2043, %shift_left3A_2045 : vector<16xi32>
        %add3A_2047 = arith.addi %shift_left3A_2046, %add3A_2017 : vector<16xi32>
        %swap3A_2048 = arith.constant 0 : i32
        %swap3A_2049 = arith.index_cast %swap3A_2048 : i32 to index
        %swap3A_2050 = arith.constant 0 : index
        %swap3A_2051 = tpu.vector_load %arg6[%swap3A_2049, %swap3A_2050] {strides = array<i32>} : memref<2x32xi32, #tpu.memory_space<vmem>>, vector<1x16xi32>,
        %swap3A_2052 = vector.shape_cast %swap3A_2051 : vector<1x16xi32> to vector<16xi32>
        %swap3A_2053 = vector.shape_cast %add3A_2047 : vector<16xi32> to vector<1x16xi32>
        tpu.vector_store %arg6[%swap3A_2049, %swap3A_2050], %swap3A_2053 {strides = array<i32>} : memref<2x32xi32, #tpu.memory_space<vmem>>, vector<1x16xi32>,
        %get3A_2054 = arith.constant 2 : i32
        %get3A_2055 = arith.index_cast %get3A_2054 : i32 to index
        %get3A_2056 = arith.index_cast %multiple_of3A_2003 : i32 to index
        %get3A_2057 = tpu.vector_load %arg5[%get3A_2055, %get3A_2056] {strides = array<i32>} : memref<4x256xi32, #tpu.memory_space<vmem>>, vector<1x16xi32>,
        %get3A_2058 = vector.shape_cast %get3A_2057 : vector<1x16xi32> to vector<16xi32>
        %broadcast_in_dim3A_2059 = vector.shape_cast %add3A_2012 : vector<16xi32> to vector<16x1xi32>
        %gather3A_2060 = vector.shape_cast %broadcast_in_dim3A_2059 : vector<16x1xi32> to vector<16xi32>
        %gather3A_2061 = tpu.dynamic_gather %get3A_2058[%gather3A_2060] in [0] : vector<16xi32>, vector<16xi32> -> vector<16xi32>
        %get3A_2062 = arith.constant 3 : i32
        %get3A_2063 = arith.index_cast %get3A_2062 : i32 to index
        %get3A_2064 = arith.index_cast %multiple_of3A_2003 : i32 to index
        %get3A_2065 = tpu.vector_load %arg5[%get3A_2063, %get3A_2064] {strides = array<i32>} : memref<4x256xi32, #tpu.memory_space<vmem>>, vector<1x16xi32>,
        %get3A_2066 = vector.shape_cast %get3A_2065 : vector<1x16xi32> to vector<16xi32>
        %broadcast_in_dim3A_2067 = vector.shape_cast %add3A_2012 : vector<16xi32> to vector<16x1xi32>
        %gather3A_2068 = vector.shape_cast %broadcast_in_dim3A_2067 : vector<16x1xi32> to vector<16xi32>
        %gather3A_2069 = tpu.dynamic_gather %get3A_2066[%gather3A_2068] in [0] : vector<16xi32>, vector<16xi32> -> vector<16xi32>
        %select_n3A_2070 = arith.select %lt3A_2020, %gather3A_2061, %gather3A_2069 : vector<16xi1>, vector<16xi32>
        %and3A_2071 = arith.constant 1023 : i32
        %and3A_2072 = vector.broadcast %and3A_2071 : i32 to vector<16xi32>
        %and3A_2073 = arith.andi %select_n3A_2070, %and3A_2072 : vector<16xi32>
        %shift_right_arithmetic3A_2074 = arith.constant 7 : i32
        %shift_right_arithmetic3A_2075 = vector.broadcast %shift_right_arithmetic3A_2074 : i32 to vector<16xi32>
        %shift_right_arithmetic3A_2076 = arith.shrsi %and3A_2073, %shift_right_arithmetic3A_2075 : vector<16xi32>
        %shift_left3A_2077 = arith.constant 13 : i32
        %shift_left3A_2078 = vector.broadcast %shift_left3A_2077 : i32 to vector<16xi32>
        %shift_left3A_2079 = arith.shli %shift_right_arithmetic3A_2076, %shift_left3A_2078 : vector<16xi32>
        %add3A_2080 = arith.addi %shift_left3A_2079, %add3A_2017 : vector<16xi32>
        %swap3A_2081 = arith.constant 0 : i32
        %swap3A_2082 = arith.index_cast %swap3A_2081 : i32 to index
        %swap3A_2083 = arith.constant 16 : index
        %swap3A_2084 = tpu.vector_load %arg6[%swap3A_2082, %swap3A_2083] {strides = array<i32>} : memref<2x32xi32, #tpu.memory_space<vmem>>, vector<1x16xi32>,
        %swap3A_2085 = vector.shape_cast %swap3A_2084 : vector<1x16xi32> to vector<16xi32>
        %swap3A_2086 = vector.shape_cast %add3A_2080 : vector<16xi32> to vector<1x16xi32>
        tpu.vector_store %arg6[%swap3A_2082, %swap3A_2083], %swap3A_2086 {strides = array<i32>} : memref<2x32xi32, #tpu.memory_space<vmem>>, vector<1x16xi32>,
        %dma_start3A_2087 = arith.constant 0 : i32
        %dma_start3A_2088 = arith.constant 0 : i32
        %dma_start3A_2089 = arith.constant 0 : i32
        %dma_start3A_2090 = arith.constant 0 : i32
        %dma_start3A_2091 = tpu.memref_slice %arg7[%dma_start3A_2088, %dma_start3A_2089, %dma_start3A_2090] : memref<2x32x128xf32, #tpu.memory_space<vmem>> -> memref<1x32x128xf32, #tpu.memory_space<vmem>>
        %dma_start3A_2092 = tpu.memref_squeeze %dma_start3A_2091 : memref<1x32x128xf32, #tpu.memory_space<vmem>> -> memref<32x128xf32, #tpu.memory_space<vmem>>
        %dma_start3A_2093 = arith.constant 0 : i32
        %dma_start3A_2094 = tpu.memref_slice %arg6[%dma_start3A_2087, %dma_start3A_2093] : memref<2x32xi32, #tpu.memory_space<vmem>> -> memref<1x32xi32, #tpu.memory_space<vmem>>
        %dma_start3A_2095 = tpu.memref_squeeze %dma_start3A_2094 : memref<1x32xi32, #tpu.memory_space<vmem>> -> memref<32xi32, #tpu.memory_space<vmem>>
        %dma_start3A_2096 = arith.constant 0 : i32
        %dma_start3A_2097 = arith.constant 0 : i32
        %dma_start3A_2098 = tpu.memref_slice %arg2[%dma_start3A_2096, %dma_start3A_2097] : memref<65536x128xf32, #tpu.memory_space<hbm>> -> memref<65536x128xf32, #tpu.memory_space<hbm>>
        tpu.enqueue_indirect_dma source(%dma_start3A_2098 : memref<65536x128xf32, #tpu.memory_space<hbm>>) target(%dma_start3A_2092 : memref<32x128xf32, #tpu.memory_space<vmem>>) offsets(%dma_start3A_2095 : memref<32xi32, #tpu.memory_space<vmem>>) semaphore(%arg9 : memref<!tpu.dma_semaphore, #tpu.memory_space<semaphore_mem>>)
      } else {
      }
      %slice3A_1069 = vector.extract_strided_slice %get3A_115 {offsets = [8], sizes = [1], strides = [1]} : vector<16xi32> to vector<1xi32>
      %squeeze3A_1070 = vector.extract %slice3A_1069[0] : i32 from vector<1xi32>
      %and3A_1071 = arith.constant 1023 : i32
      %and3A_1072 = arith.andi %squeeze3A_1070, %and3A_1071 : i32
      %shift_right_arithmetic3A_1073 = arith.constant 4 : i32
      %shift_right_arithmetic3A_1074 = arith.shrsi %and3A_1072, %shift_right_arithmetic3A_1073 : i32
      %and3A_1075 = arith.constant 7 : i32
      %and3A_1076 = arith.andi %shift_right_arithmetic3A_1074, %and3A_1075 : i32
      %mul3A_1077 = arith.constant 16 : i32
      %mul3A_1078 = arith.muli %and3A_1076, %mul3A_1077 : i32
      %multiple_of3A_1079 = tpu.assume_multiple %mul3A_1078, 16 : i32
      %get3A_1080 = arith.constant 1 : i32
      %get3A_1081 = arith.constant 0 : i32
      %get3A_1082 = arith.index_cast %get3A_1080 : i32 to index
      %get3A_1083 = arith.index_cast %get3A_1081 : i32 to index
      %get3A_1084 = arith.index_cast %multiple_of3A_1079 : i32 to index
      %get3A_1085 = tpu.vector_load %arg7[%get3A_1082, %get3A_1083, %get3A_1084] {strides = array<i32>} : memref<2x32x128xf32, #tpu.memory_space<vmem>>, vector<1x1x16xf32>,
      %get3A_1086 = vector.shape_cast %get3A_1085 : vector<1x1x16xf32> to vector<16xf32>
      %and3A_1087 = arith.constant 15 : i32
      %and3A_1088 = arith.andi %and3A_1072, %and3A_1087 : i32
      %broadcast_in_dim3A_1089 = vector.broadcast %and3A_1088 : i32 to vector<16xi32>
      %broadcast_in_dim3A_1090 = vector.shape_cast %broadcast_in_dim3A_1089 : vector<16xi32> to vector<16x1xi32>
      %gather3A_1091 = vector.shape_cast %broadcast_in_dim3A_1090 : vector<16x1xi32> to vector<16xi32>
      %gather3A_1092 = tpu.dynamic_gather %get3A_1086[%gather3A_1091] in [0] : vector<16xf32>, vector<16xi32> -> vector<16xf32>
      %eq3A_1093 = arith.constant 8 : i32
      %eq3A_1094 = vector.broadcast %eq3A_1093 : i32 to vector<16xi32>
      %eq3A_1095 = arith.cmpi eq, %iota3A, %eq3A_1094 : vector<16xi32>
      %select_n3A_1096 = arith.select %eq3A_1095, %gather3A_1092, %select_n3A_960 : vector<16xi1>, vector<16xf32>
      %slice3A_1097 = vector.extract_strided_slice %get3A_120 {offsets = [8], sizes = [1], strides = [1]} : vector<16xi32> to vector<1xi32>
      %squeeze3A_1098 = vector.extract %slice3A_1097[0] : i32 from vector<1xi32>
      %and3A_1099 = arith.constant 1023 : i32
      %and3A_1100 = arith.andi %squeeze3A_1098, %and3A_1099 : i32
      %shift_right_arithmetic3A_1101 = arith.constant 4 : i32
      %shift_right_arithmetic3A_1102 = arith.shrsi %and3A_1100, %shift_right_arithmetic3A_1101 : i32
      %and3A_1103 = arith.constant 7 : i32
      %and3A_1104 = arith.andi %shift_right_arithmetic3A_1102, %and3A_1103 : i32
      %mul3A_1105 = arith.constant 16 : i32
      %mul3A_1106 = arith.muli %and3A_1104, %mul3A_1105 : i32
      %multiple_of3A_1107 = tpu.assume_multiple %mul3A_1106, 16 : i32
      %get3A_1108 = arith.constant 1 : i32
      %get3A_1109 = arith.constant 8 : i32
      %get3A_1110 = arith.index_cast %get3A_1108 : i32 to index
      %get3A_1111 = arith.index_cast %get3A_1109 : i32 to index
      %get3A_1112 = arith.index_cast %multiple_of3A_1107 : i32 to index
      %get3A_1113 = tpu.vector_load %arg7[%get3A_1110, %get3A_1111, %get3A_1112] {strides = array<i32>} : memref<2x32x128xf32, #tpu.memory_space<vmem>>, vector<1x1x16xf32>,
      %get3A_1114 = vector.shape_cast %get3A_1113 : vector<1x1x16xf32> to vector<16xf32>
      %and3A_1115 = arith.constant 15 : i32
      %and3A_1116 = arith.andi %and3A_1100, %and3A_1115 : i32
      %broadcast_in_dim3A_1117 = vector.broadcast %and3A_1116 : i32 to vector<16xi32>
      %broadcast_in_dim3A_1118 = vector.shape_cast %broadcast_in_dim3A_1117 : vector<16xi32> to vector<16x1xi32>
      %gather3A_1119 = vector.shape_cast %broadcast_in_dim3A_1118 : vector<16x1xi32> to vector<16xi32>
      %gather3A_1120 = tpu.dynamic_gather %get3A_1114[%gather3A_1119] in [0] : vector<16xf32>, vector<16xi32> -> vector<16xf32>
      %eq3A_1121 = arith.constant 8 : i32
      %eq3A_1122 = vector.broadcast %eq3A_1121 : i32 to vector<16xi32>
      %eq3A_1123 = arith.cmpi eq, %iota3A, %eq3A_1122 : vector<16xi32>
      %select_n3A_1124 = arith.select %eq3A_1123, %gather3A_1120, %select_n3A_988 : vector<16xi1>, vector<16xf32>
      %slice3A_1125 = vector.extract_strided_slice %get3A_125 {offsets = [8], sizes = [1], strides = [1]} : vector<16xi32> to vector<1xi32>
      %squeeze3A_1126 = vector.extract %slice3A_1125[0] : i32 from vector<1xi32>
      %and3A_1127 = arith.constant 1023 : i32
      %and3A_1128 = arith.andi %squeeze3A_1126, %and3A_1127 : i32
      %shift_right_arithmetic3A_1129 = arith.constant 4 : i32
      %shift_right_arithmetic3A_1130 = arith.shrsi %and3A_1128, %shift_right_arithmetic3A_1129 : i32
      %and3A_1131 = arith.constant 7 : i32
      %and3A_1132 = arith.andi %shift_right_arithmetic3A_1130, %and3A_1131 : i32
      %mul3A_1133 = arith.constant 16 : i32
      %mul3A_1134 = arith.muli %and3A_1132, %mul3A_1133 : i32
      %multiple_of3A_1135 = tpu.assume_multiple %mul3A_1134, 16 : i32
      %get3A_1136 = arith.constant 1 : i32
      %get3A_1137 = arith.constant 16 : i32
      %get3A_1138 = arith.index_cast %get3A_1136 : i32 to index
      %get3A_1139 = arith.index_cast %get3A_1137 : i32 to index
      %get3A_1140 = arith.index_cast %multiple_of3A_1135 : i32 to index
      %get3A_1141 = tpu.vector_load %arg7[%get3A_1138, %get3A_1139, %get3A_1140] {strides = array<i32>} : memref<2x32x128xf32, #tpu.memory_space<vmem>>, vector<1x1x16xf32>,
      %get3A_1142 = vector.shape_cast %get3A_1141 : vector<1x1x16xf32> to vector<16xf32>
      %and3A_1143 = arith.constant 15 : i32
      %and3A_1144 = arith.andi %and3A_1128, %and3A_1143 : i32
      %broadcast_in_dim3A_1145 = vector.broadcast %and3A_1144 : i32 to vector<16xi32>
      %broadcast_in_dim3A_1146 = vector.shape_cast %broadcast_in_dim3A_1145 : vector<16xi32> to vector<16x1xi32>
      %gather3A_1147 = vector.shape_cast %broadcast_in_dim3A_1146 : vector<16x1xi32> to vector<16xi32>
      %gather3A_1148 = tpu.dynamic_gather %get3A_1142[%gather3A_1147] in [0] : vector<16xf32>, vector<16xi32> -> vector<16xf32>
      %eq3A_1149 = arith.constant 8 : i32
      %eq3A_1150 = vector.broadcast %eq3A_1149 : i32 to vector<16xi32>
      %eq3A_1151 = arith.cmpi eq, %iota3A, %eq3A_1150 : vector<16xi32>
      %select_n3A_1152 = arith.select %eq3A_1151, %gather3A_1148, %select_n3A_1016 : vector<16xi1>, vector<16xf32>
      %slice3A_1153 = vector.extract_strided_slice %get3A_130 {offsets = [8], sizes = [1], strides = [1]} : vector<16xi32> to vector<1xi32>
      %squeeze3A_1154 = vector.extract %slice3A_1153[0] : i32 from vector<1xi32>
      %and3A_1155 = arith.constant 1023 : i32
      %and3A_1156 = arith.andi %squeeze3A_1154, %and3A_1155 : i32
      %shift_right_arithmetic3A_1157 = arith.constant 4 : i32
      %shift_right_arithmetic3A_1158 = arith.shrsi %and3A_1156, %shift_right_arithmetic3A_1157 : i32
      %and3A_1159 = arith.constant 7 : i32
      %and3A_1160 = arith.andi %shift_right_arithmetic3A_1158, %and3A_1159 : i32
      %mul3A_1161 = arith.constant 16 : i32
      %mul3A_1162 = arith.muli %and3A_1160, %mul3A_1161 : i32
      %multiple_of3A_1163 = tpu.assume_multiple %mul3A_1162, 16 : i32
      %get3A_1164 = arith.constant 1 : i32
      %get3A_1165 = arith.constant 24 : i32
      %get3A_1166 = arith.index_cast %get3A_1164 : i32 to index
      %get3A_1167 = arith.index_cast %get3A_1165 : i32 to index
      %get3A_1168 = arith.index_cast %multiple_of3A_1163 : i32 to index
      %get3A_1169 = tpu.vector_load %arg7[%get3A_1166, %get3A_1167, %get3A_1168] {strides = array<i32>} : memref<2x32x128xf32, #tpu.memory_space<vmem>>, vector<1x1x16xf32>,
      %get3A_1170 = vector.shape_cast %get3A_1169 : vector<1x1x16xf32> to vector<16xf32>
      %and3A_1171 = arith.constant 15 : i32
      %and3A_1172 = arith.andi %and3A_1156, %and3A_1171 : i32
      %broadcast_in_dim3A_1173 = vector.broadcast %and3A_1172 : i32 to vector<16xi32>
      %broadcast_in_dim3A_1174 = vector.shape_cast %broadcast_in_dim3A_1173 : vector<16xi32> to vector<16x1xi32>
      %gather3A_1175 = vector.shape_cast %broadcast_in_dim3A_1174 : vector<16x1xi32> to vector<16xi32>
      %gather3A_1176 = tpu.dynamic_gather %get3A_1170[%gather3A_1175] in [0] : vector<16xf32>, vector<16xi32> -> vector<16xf32>
      %eq3A_1177 = arith.constant 8 : i32
      %eq3A_1178 = vector.broadcast %eq3A_1177 : i32 to vector<16xi32>
      %eq3A_1179 = arith.cmpi eq, %iota3A, %eq3A_1178 : vector<16xi32>
      %select_n3A_1180 = arith.select %eq3A_1179, %gather3A_1176, %select_n3A_1044 : vector<16xi1>, vector<16xf32>
      %slice3A_1181 = vector.extract_strided_slice %get3A_115 {offsets = [9], sizes = [1], strides = [1]} : vector<16xi32> to vector<1xi32>
      %squeeze3A_1182 = vector.extract %slice3A_1181[0] : i32 from vector<1xi32>
      %and3A_1183 = arith.constant 1023 : i32
      %and3A_1184 = arith.andi %squeeze3A_1182, %and3A_1183 : i32
      %shift_right_arithmetic3A_1185 = arith.constant 4 : i32
      %shift_right_arithmetic3A_1186 = arith.shrsi %and3A_1184, %shift_right_arithmetic3A_1185 : i32
      %and3A_1187 = arith.constant 7 : i32
      %and3A_1188 = arith.andi %shift_right_arithmetic3A_1186, %and3A_1187 : i32
      %mul3A_1189 = arith.constant 16 : i32
      %mul3A_1190 = arith.muli %and3A_1188, %mul3A_1189 : i32
      %multiple_of3A_1191 = tpu.assume_multiple %mul3A_1190, 16 : i32
      %get3A_1192 = arith.constant 1 : i32
      %get3A_1193 = arith.constant 1 : i32
      %get3A_1194 = arith.index_cast %get3A_1192 : i32 to index
      %get3A_1195 = arith.index_cast %get3A_1193 : i32 to index
      %get3A_1196 = arith.index_cast %multiple_of3A_1191 : i32 to index
      %get3A_1197 = tpu.vector_load %arg7[%get3A_1194, %get3A_1195, %get3A_1196] {strides = array<i32>} : memref<2x32x128xf32, #tpu.memory_space<vmem>>, vector<1x1x16xf32>,
      %get3A_1198 = vector.shape_cast %get3A_1197 : vector<1x1x16xf32> to vector<16xf32>
      %and3A_1199 = arith.constant 15 : i32
      %and3A_1200 = arith.andi %and3A_1184, %and3A_1199 : i32
      %broadcast_in_dim3A_1201 = vector.broadcast %and3A_1200 : i32 to vector<16xi32>
      %broadcast_in_dim3A_1202 = vector.shape_cast %broadcast_in_dim3A_1201 : vector<16xi32> to vector<16x1xi32>
      %gather3A_1203 = vector.shape_cast %broadcast_in_dim3A_1202 : vector<16x1xi32> to vector<16xi32>
      %gather3A_1204 = tpu.dynamic_gather %get3A_1198[%gather3A_1203] in [0] : vector<16xf32>, vector<16xi32> -> vector<16xf32>
      %eq3A_1205 = arith.constant 9 : i32
      %eq3A_1206 = vector.broadcast %eq3A_1205 : i32 to vector<16xi32>
      %eq3A_1207 = arith.cmpi eq, %iota3A, %eq3A_1206 : vector<16xi32>
      %select_n3A_1208 = arith.select %eq3A_1207, %gather3A_1204, %select_n3A_1096 : vector<16xi1>, vector<16xf32>
      %slice3A_1209 = vector.extract_strided_slice %get3A_120 {offsets = [9], sizes = [1], strides = [1]} : vector<16xi32> to vector<1xi32>
      %squeeze3A_1210 = vector.extract %slice3A_1209[0] : i32 from vector<1xi32>
      %and3A_1211 = arith.constant 1023 : i32
      %and3A_1212 = arith.andi %squeeze3A_1210, %and3A_1211 : i32
      %shift_right_arithmetic3A_1213 = arith.constant 4 : i32
      %shift_right_arithmetic3A_1214 = arith.shrsi %and3A_1212, %shift_right_arithmetic3A_1213 : i32
      %and3A_1215 = arith.constant 7 : i32
      %and3A_1216 = arith.andi %shift_right_arithmetic3A_1214, %and3A_1215 : i32
      %mul3A_1217 = arith.constant 16 : i32
      %mul3A_1218 = arith.muli %and3A_1216, %mul3A_1217 : i32
      %multiple_of3A_1219 = tpu.assume_multiple %mul3A_1218, 16 : i32
      %get3A_1220 = arith.constant 1 : i32
      %get3A_1221 = arith.constant 9 : i32
      %get3A_1222 = arith.index_cast %get3A_1220 : i32 to index
      %get3A_1223 = arith.index_cast %get3A_1221 : i32 to index
      %get3A_1224 = arith.index_cast %multiple_of3A_1219 : i32 to index
      %get3A_1225 = tpu.vector_load %arg7[%get3A_1222, %get3A_1223, %get3A_1224] {strides = array<i32>} : memref<2x32x128xf32, #tpu.memory_space<vmem>>, vector<1x1x16xf32>,
      %get3A_1226 = vector.shape_cast %get3A_1225 : vector<1x1x16xf32> to vector<16xf32>
      %and3A_1227 = arith.constant 15 : i32
      %and3A_1228 = arith.andi %and3A_1212, %and3A_1227 : i32
      %broadcast_in_dim3A_1229 = vector.broadcast %and3A_1228 : i32 to vector<16xi32>
      %broadcast_in_dim3A_1230 = vector.shape_cast %broadcast_in_dim3A_1229 : vector<16xi32> to vector<16x1xi32>
      %gather3A_1231 = vector.shape_cast %broadcast_in_dim3A_1230 : vector<16x1xi32> to vector<16xi32>
      %gather3A_1232 = tpu.dynamic_gather %get3A_1226[%gather3A_1231] in [0] : vector<16xf32>, vector<16xi32> -> vector<16xf32>
      %eq3A_1233 = arith.constant 9 : i32
      %eq3A_1234 = vector.broadcast %eq3A_1233 : i32 to vector<16xi32>
      %eq3A_1235 = arith.cmpi eq, %iota3A, %eq3A_1234 : vector<16xi32>
      %select_n3A_1236 = arith.select %eq3A_1235, %gather3A_1232, %select_n3A_1124 : vector<16xi1>, vector<16xf32>
      %slice3A_1237 = vector.extract_strided_slice %get3A_125 {offsets = [9], sizes = [1], strides = [1]} : vector<16xi32> to vector<1xi32>
      %squeeze3A_1238 = vector.extract %slice3A_1237[0] : i32 from vector<1xi32>
      %and3A_1239 = arith.constant 1023 : i32
      %and3A_1240 = arith.andi %squeeze3A_1238, %and3A_1239 : i32
      %shift_right_arithmetic3A_1241 = arith.constant 4 : i32
      %shift_right_arithmetic3A_1242 = arith.shrsi %and3A_1240, %shift_right_arithmetic3A_1241 : i32
      %and3A_1243 = arith.constant 7 : i32
      %and3A_1244 = arith.andi %shift_right_arithmetic3A_1242, %and3A_1243 : i32
      %mul3A_1245 = arith.constant 16 : i32
      %mul3A_1246 = arith.muli %and3A_1244, %mul3A_1245 : i32
      %multiple_of3A_1247 = tpu.assume_multiple %mul3A_1246, 16 : i32
      %get3A_1248 = arith.constant 1 : i32
      %get3A_1249 = arith.constant 17 : i32
      %get3A_1250 = arith.index_cast %get3A_1248 : i32 to index
      %get3A_1251 = arith.index_cast %get3A_1249 : i32 to index
      %get3A_1252 = arith.index_cast %multiple_of3A_1247 : i32 to index
      %get3A_1253 = tpu.vector_load %arg7[%get3A_1250, %get3A_1251, %get3A_1252] {strides = array<i32>} : memref<2x32x128xf32, #tpu.memory_space<vmem>>, vector<1x1x16xf32>,
      %get3A_1254 = vector.shape_cast %get3A_1253 : vector<1x1x16xf32> to vector<16xf32>
      %and3A_1255 = arith.constant 15 : i32
      %and3A_1256 = arith.andi %and3A_1240, %and3A_1255 : i32
      %broadcast_in_dim3A_1257 = vector.broadcast %and3A_1256 : i32 to vector<16xi32>
      %broadcast_in_dim3A_1258 = vector.shape_cast %broadcast_in_dim3A_1257 : vector<16xi32> to vector<16x1xi32>
      %gather3A_1259 = vector.shape_cast %broadcast_in_dim3A_1258 : vector<16x1xi32> to vector<16xi32>
      %gather3A_1260 = tpu.dynamic_gather %get3A_1254[%gather3A_1259] in [0] : vector<16xf32>, vector<16xi32> -> vector<16xf32>
      %eq3A_1261 = arith.constant 9 : i32
      %eq3A_1262 = vector.broadcast %eq3A_1261 : i32 to vector<16xi32>
      %eq3A_1263 = arith.cmpi eq, %iota3A, %eq3A_1262 : vector<16xi32>
      %select_n3A_1264 = arith.select %eq3A_1263, %gather3A_1260, %select_n3A_1152 : vector<16xi1>, vector<16xf32>
      %slice3A_1265 = vector.extract_strided_slice %get3A_130 {offsets = [9], sizes = [1], strides = [1]} : vector<16xi32> to vector<1xi32>
      %squeeze3A_1266 = vector.extract %slice3A_1265[0] : i32 from vector<1xi32>
      %and3A_1267 = arith.constant 1023 : i32
      %and3A_1268 = arith.andi %squeeze3A_1266, %and3A_1267 : i32
      %shift_right_arithmetic3A_1269 = arith.constant 4 : i32
      %shift_right_arithmetic3A_1270 = arith.shrsi %and3A_1268, %shift_right_arithmetic3A_1269 : i32
      %and3A_1271 = arith.constant 7 : i32
      %and3A_1272 = arith.andi %shift_right_arithmetic3A_1270, %and3A_1271 : i32
      %mul3A_1273 = arith.constant 16 : i32
      %mul3A_1274 = arith.muli %and3A_1272, %mul3A_1273 : i32
      %multiple_of3A_1275 = tpu.assume_multiple %mul3A_1274, 16 : i32
      %get3A_1276 = arith.constant 1 : i32
      %get3A_1277 = arith.constant 25 : i32
      %get3A_1278 = arith.index_cast %get3A_1276 : i32 to index
      %get3A_1279 = arith.index_cast %get3A_1277 : i32 to index
      %get3A_1280 = arith.index_cast %multiple_of3A_1275 : i32 to index
      %get3A_1281 = tpu.vector_load %arg7[%get3A_1278, %get3A_1279, %get3A_1280] {strides = array<i32>} : memref<2x32x128xf32, #tpu.memory_space<vmem>>, vector<1x1x16xf32>,
      %get3A_1282 = vector.shape_cast %get3A_1281 : vector<1x1x16xf32> to vector<16xf32>
      %and3A_1283 = arith.constant 15 : i32
      %and3A_1284 = arith.andi %and3A_1268, %and3A_1283 : i32
      %broadcast_in_dim3A_1285 = vector.broadcast %and3A_1284 : i32 to vector<16xi32>
      %broadcast_in_dim3A_1286 = vector.shape_cast %broadcast_in_dim3A_1285 : vector<16xi32> to vector<16x1xi32>
      %gather3A_1287 = vector.shape_cast %broadcast_in_dim3A_1286 : vector<16x1xi32> to vector<16xi32>
      %gather3A_1288 = tpu.dynamic_gather %get3A_1282[%gather3A_1287] in [0] : vector<16xf32>, vector<16xi32> -> vector<16xf32>
      %eq3A_1289 = arith.constant 9 : i32
      %eq3A_1290 = vector.broadcast %eq3A_1289 : i32 to vector<16xi32>
      %eq3A_1291 = arith.cmpi eq, %iota3A, %eq3A_1290 : vector<16xi32>
      %select_n3A_1292 = arith.select %eq3A_1291, %gather3A_1288, %select_n3A_1180 : vector<16xi1>, vector<16xf32>
      %slice3A_1293 = vector.extract_strided_slice %get3A_115 {offsets = [10], sizes = [1], strides = [1]} : vector<16xi32> to vector<1xi32>
      %squeeze3A_1294 = vector.extract %slice3A_1293[0] : i32 from vector<1xi32>
      %and3A_1295 = arith.constant 1023 : i32
      %and3A_1296 = arith.andi %squeeze3A_1294, %and3A_1295 : i32
      %shift_right_arithmetic3A_1297 = arith.constant 4 : i32
      %shift_right_arithmetic3A_1298 = arith.shrsi %and3A_1296, %shift_right_arithmetic3A_1297 : i32
      %and3A_1299 = arith.constant 7 : i32
      %and3A_1300 = arith.andi %shift_right_arithmetic3A_1298, %and3A_1299 : i32
      %mul3A_1301 = arith.constant 16 : i32
      %mul3A_1302 = arith.muli %and3A_1300, %mul3A_1301 : i32
      %multiple_of3A_1303 = tpu.assume_multiple %mul3A_1302, 16 : i32
      %get3A_1304 = arith.constant 1 : i32
      %get3A_1305 = arith.constant 2 : i32
      %get3A_1306 = arith.index_cast %get3A_1304 : i32 to index
      %get3A_1307 = arith.index_cast %get3A_1305 : i32 to index
      %get3A_1308 = arith.index_cast %multiple_of3A_1303 : i32 to index
      %get3A_1309 = tpu.vector_load %arg7[%get3A_1306, %get3A_1307, %get3A_1308] {strides = array<i32>} : memref<2x32x128xf32, #tpu.memory_space<vmem>>, vector<1x1x16xf32>,
      %get3A_1310 = vector.shape_cast %get3A_1309 : vector<1x1x16xf32> to vector<16xf32>
      %and3A_1311 = arith.constant 15 : i32
      %and3A_1312 = arith.andi %and3A_1296, %and3A_1311 : i32
      %broadcast_in_dim3A_1313 = vector.broadcast %and3A_1312 : i32 to vector<16xi32>
      %broadcast_in_dim3A_1314 = vector.shape_cast %broadcast_in_dim3A_1313 : vector<16xi32> to vector<16x1xi32>
      %gather3A_1315 = vector.shape_cast %broadcast_in_dim3A_1314 : vector<16x1xi32> to vector<16xi32>
      %gather3A_1316 = tpu.dynamic_gather %get3A_1310[%gather3A_1315] in [0] : vector<16xf32>, vector<16xi32> -> vector<16xf32>
      %eq3A_1317 = arith.constant 10 : i32
      %eq3A_1318 = vector.broadcast %eq3A_1317 : i32 to vector<16xi32>
      %eq3A_1319 = arith.cmpi eq, %iota3A, %eq3A_1318 : vector<16xi32>
      %select_n3A_1320 = arith.select %eq3A_1319, %gather3A_1316, %select_n3A_1208 : vector<16xi1>, vector<16xf32>
      %slice3A_1321 = vector.extract_strided_slice %get3A_120 {offsets = [10], sizes = [1], strides = [1]} : vector<16xi32> to vector<1xi32>
      %squeeze3A_1322 = vector.extract %slice3A_1321[0] : i32 from vector<1xi32>
      %and3A_1323 = arith.constant 1023 : i32
      %and3A_1324 = arith.andi %squeeze3A_1322, %and3A_1323 : i32
      %shift_right_arithmetic3A_1325 = arith.constant 4 : i32
      %shift_right_arithmetic3A_1326 = arith.shrsi %and3A_1324, %shift_right_arithmetic3A_1325 : i32
      %and3A_1327 = arith.constant 7 : i32
      %and3A_1328 = arith.andi %shift_right_arithmetic3A_1326, %and3A_1327 : i32
      %mul3A_1329 = arith.constant 16 : i32
      %mul3A_1330 = arith.muli %and3A_1328, %mul3A_1329 : i32
      %multiple_of3A_1331 = tpu.assume_multiple %mul3A_1330, 16 : i32
      %get3A_1332 = arith.constant 1 : i32
      %get3A_1333 = arith.constant 10 : i32
      %get3A_1334 = arith.index_cast %get3A_1332 : i32 to index
      %get3A_1335 = arith.index_cast %get3A_1333 : i32 to index
      %get3A_1336 = arith.index_cast %multiple_of3A_1331 : i32 to index
      %get3A_1337 = tpu.vector_load %arg7[%get3A_1334, %get3A_1335, %get3A_1336] {strides = array<i32>} : memref<2x32x128xf32, #tpu.memory_space<vmem>>, vector<1x1x16xf32>,
      %get3A_1338 = vector.shape_cast %get3A_1337 : vector<1x1x16xf32> to vector<16xf32>
      %and3A_1339 = arith.constant 15 : i32
      %and3A_1340 = arith.andi %and3A_1324, %and3A_1339 : i32
      %broadcast_in_dim3A_1341 = vector.broadcast %and3A_1340 : i32 to vector<16xi32>
      %broadcast_in_dim3A_1342 = vector.shape_cast %broadcast_in_dim3A_1341 : vector<16xi32> to vector<16x1xi32>
      %gather3A_1343 = vector.shape_cast %broadcast_in_dim3A_1342 : vector<16x1xi32> to vector<16xi32>
      %gather3A_1344 = tpu.dynamic_gather %get3A_1338[%gather3A_1343] in [0] : vector<16xf32>, vector<16xi32> -> vector<16xf32>
      %eq3A_1345 = arith.constant 10 : i32
      %eq3A_1346 = vector.broadcast %eq3A_1345 : i32 to vector<16xi32>
      %eq3A_1347 = arith.cmpi eq, %iota3A, %eq3A_1346 : vector<16xi32>
      %select_n3A_1348 = arith.select %eq3A_1347, %gather3A_1344, %select_n3A_1236 : vector<16xi1>, vector<16xf32>
      %slice3A_1349 = vector.extract_strided_slice %get3A_125 {offsets = [10], sizes = [1], strides = [1]} : vector<16xi32> to vector<1xi32>
      %squeeze3A_1350 = vector.extract %slice3A_1349[0] : i32 from vector<1xi32>
      %and3A_1351 = arith.constant 1023 : i32
      %and3A_1352 = arith.andi %squeeze3A_1350, %and3A_1351 : i32
      %shift_right_arithmetic3A_1353 = arith.constant 4 : i32
      %shift_right_arithmetic3A_1354 = arith.shrsi %and3A_1352, %shift_right_arithmetic3A_1353 : i32
      %and3A_1355 = arith.constant 7 : i32
      %and3A_1356 = arith.andi %shift_right_arithmetic3A_1354, %and3A_1355 : i32
      %mul3A_1357 = arith.constant 16 : i32
      %mul3A_1358 = arith.muli %and3A_1356, %mul3A_1357 : i32
      %multiple_of3A_1359 = tpu.assume_multiple %mul3A_1358, 16 : i32
      %get3A_1360 = arith.constant 1 : i32
      %get3A_1361 = arith.constant 18 : i32
      %get3A_1362 = arith.index_cast %get3A_1360 : i32 to index
      %get3A_1363 = arith.index_cast %get3A_1361 : i32 to index
      %get3A_1364 = arith.index_cast %multiple_of3A_1359 : i32 to index
      %get3A_1365 = tpu.vector_load %arg7[%get3A_1362, %get3A_1363, %get3A_1364] {strides = array<i32>} : memref<2x32x128xf32, #tpu.memory_space<vmem>>, vector<1x1x16xf32>,
      %get3A_1366 = vector.shape_cast %get3A_1365 : vector<1x1x16xf32> to vector<16xf32>
      %and3A_1367 = arith.constant 15 : i32
      %and3A_1368 = arith.andi %and3A_1352, %and3A_1367 : i32
      %broadcast_in_dim3A_1369 = vector.broadcast %and3A_1368 : i32 to vector<16xi32>
      %broadcast_in_dim3A_1370 = vector.shape_cast %broadcast_in_dim3A_1369 : vector<16xi32> to vector<16x1xi32>
      %gather3A_1371 = vector.shape_cast %broadcast_in_dim3A_1370 : vector<16x1xi32> to vector<16xi32>
      %gather3A_1372 = tpu.dynamic_gather %get3A_1366[%gather3A_1371] in [0] : vector<16xf32>, vector<16xi32> -> vector<16xf32>
      %eq3A_1373 = arith.constant 10 : i32
      %eq3A_1374 = vector.broadcast %eq3A_1373 : i32 to vector<16xi32>
      %eq3A_1375 = arith.cmpi eq, %iota3A, %eq3A_1374 : vector<16xi32>
      %select_n3A_1376 = arith.select %eq3A_1375, %gather3A_1372, %select_n3A_1264 : vector<16xi1>, vector<16xf32>
      %slice3A_1377 = vector.extract_strided_slice %get3A_130 {offsets = [10], sizes = [1], strides = [1]} : vector<16xi32> to vector<1xi32>
      %squeeze3A_1378 = vector.extract %slice3A_1377[0] : i32 from vector<1xi32>
      %and3A_1379 = arith.constant 1023 : i32
      %and3A_1380 = arith.andi %squeeze3A_1378, %and3A_1379 : i32
      %shift_right_arithmetic3A_1381 = arith.constant 4 : i32
      %shift_right_arithmetic3A_1382 = arith.shrsi %and3A_1380, %shift_right_arithmetic3A_1381 : i32
      %and3A_1383 = arith.constant 7 : i32
      %and3A_1384 = arith.andi %shift_right_arithmetic3A_1382, %and3A_1383 : i32
      %mul3A_1385 = arith.constant 16 : i32
      %mul3A_1386 = arith.muli %and3A_1384, %mul3A_1385 : i32
      %multiple_of3A_1387 = tpu.assume_multiple %mul3A_1386, 16 : i32
      %get3A_1388 = arith.constant 1 : i32
      %get3A_1389 = arith.constant 26 : i32
      %get3A_1390 = arith.index_cast %get3A_1388 : i32 to index
      %get3A_1391 = arith.index_cast %get3A_1389 : i32 to index
      %get3A_1392 = arith.index_cast %multiple_of3A_1387 : i32 to index
      %get3A_1393 = tpu.vector_load %arg7[%get3A_1390, %get3A_1391, %get3A_1392] {strides = array<i32>} : memref<2x32x128xf32, #tpu.memory_space<vmem>>, vector<1x1x16xf32>,
      %get3A_1394 = vector.shape_cast %get3A_1393 : vector<1x1x16xf32> to vector<16xf32>
      %and3A_1395 = arith.constant 15 : i32
      %and3A_1396 = arith.andi %and3A_1380, %and3A_1395 : i32
      %broadcast_in_dim3A_1397 = vector.broadcast %and3A_1396 : i32 to vector<16xi32>
      %broadcast_in_dim3A_1398 = vector.shape_cast %broadcast_in_dim3A_1397 : vector<16xi32> to vector<16x1xi32>
      %gather3A_1399 = vector.shape_cast %broadcast_in_dim3A_1398 : vector<16x1xi32> to vector<16xi32>
      %gather3A_1400 = tpu.dynamic_gather %get3A_1394[%gather3A_1399] in [0] : vector<16xf32>, vector<16xi32> -> vector<16xf32>
      %eq3A_1401 = arith.constant 10 : i32
      %eq3A_1402 = vector.broadcast %eq3A_1401 : i32 to vector<16xi32>
      %eq3A_1403 = arith.cmpi eq, %iota3A, %eq3A_1402 : vector<16xi32>
      %select_n3A_1404 = arith.select %eq3A_1403, %gather3A_1400, %select_n3A_1292 : vector<16xi1>, vector<16xf32>
      %slice3A_1405 = vector.extract_strided_slice %get3A_115 {offsets = [11], sizes = [1], strides = [1]} : vector<16xi32> to vector<1xi32>
      %squeeze3A_1406 = vector.extract %slice3A_1405[0] : i32 from vector<1xi32>
      %and3A_1407 = arith.constant 1023 : i32
      %and3A_1408 = arith.andi %squeeze3A_1406, %and3A_1407 : i32
      %shift_right_arithmetic3A_1409 = arith.constant 4 : i32
      %shift_right_arithmetic3A_1410 = arith.shrsi %and3A_1408, %shift_right_arithmetic3A_1409 : i32
      %and3A_1411 = arith.constant 7 : i32
      %and3A_1412 = arith.andi %shift_right_arithmetic3A_1410, %and3A_1411 : i32
      %mul3A_1413 = arith.constant 16 : i32
      %mul3A_1414 = arith.muli %and3A_1412, %mul3A_1413 : i32
      %multiple_of3A_1415 = tpu.assume_multiple %mul3A_1414, 16 : i32
      %get3A_1416 = arith.constant 1 : i32
      %get3A_1417 = arith.constant 3 : i32
      %get3A_1418 = arith.index_cast %get3A_1416 : i32 to index
      %get3A_1419 = arith.index_cast %get3A_1417 : i32 to index
      %get3A_1420 = arith.index_cast %multiple_of3A_1415 : i32 to index
      %get3A_1421 = tpu.vector_load %arg7[%get3A_1418, %get3A_1419, %get3A_1420] {strides = array<i32>} : memref<2x32x128xf32, #tpu.memory_space<vmem>>, vector<1x1x16xf32>,
      %get3A_1422 = vector.shape_cast %get3A_1421 : vector<1x1x16xf32> to vector<16xf32>
      %and3A_1423 = arith.constant 15 : i32
      %and3A_1424 = arith.andi %and3A_1408, %and3A_1423 : i32
      %broadcast_in_dim3A_1425 = vector.broadcast %and3A_1424 : i32 to vector<16xi32>
      %broadcast_in_dim3A_1426 = vector.shape_cast %broadcast_in_dim3A_1425 : vector<16xi32> to vector<16x1xi32>
      %gather3A_1427 = vector.shape_cast %broadcast_in_dim3A_1426 : vector<16x1xi32> to vector<16xi32>
      %gather3A_1428 = tpu.dynamic_gather %get3A_1422[%gather3A_1427] in [0] : vector<16xf32>, vector<16xi32> -> vector<16xf32>
      %eq3A_1429 = arith.constant 11 : i32
      %eq3A_1430 = vector.broadcast %eq3A_1429 : i32 to vector<16xi32>
      %eq3A_1431 = arith.cmpi eq, %iota3A, %eq3A_1430 : vector<16xi32>
      %select_n3A_1432 = arith.select %eq3A_1431, %gather3A_1428, %select_n3A_1320 : vector<16xi1>, vector<16xf32>
      %slice3A_1433 = vector.extract_strided_slice %get3A_120 {offsets = [11], sizes = [1], strides = [1]} : vector<16xi32> to vector<1xi32>
      %squeeze3A_1434 = vector.extract %slice3A_1433[0] : i32 from vector<1xi32>
      %and3A_1435 = arith.constant 1023 : i32
      %and3A_1436 = arith.andi %squeeze3A_1434, %and3A_1435 : i32
      %shift_right_arithmetic3A_1437 = arith.constant 4 : i32
      %shift_right_arithmetic3A_1438 = arith.shrsi %and3A_1436, %shift_right_arithmetic3A_1437 : i32
      %and3A_1439 = arith.constant 7 : i32
      %and3A_1440 = arith.andi %shift_right_arithmetic3A_1438, %and3A_1439 : i32
      %mul3A_1441 = arith.constant 16 : i32
      %mul3A_1442 = arith.muli %and3A_1440, %mul3A_1441 : i32
      %multiple_of3A_1443 = tpu.assume_multiple %mul3A_1442, 16 : i32
      %get3A_1444 = arith.constant 1 : i32
      %get3A_1445 = arith.constant 11 : i32
      %get3A_1446 = arith.index_cast %get3A_1444 : i32 to index
      %get3A_1447 = arith.index_cast %get3A_1445 : i32 to index
      %get3A_1448 = arith.index_cast %multiple_of3A_1443 : i32 to index
      %get3A_1449 = tpu.vector_load %arg7[%get3A_1446, %get3A_1447, %get3A_1448] {strides = array<i32>} : memref<2x32x128xf32, #tpu.memory_space<vmem>>, vector<1x1x16xf32>,
      %get3A_1450 = vector.shape_cast %get3A_1449 : vector<1x1x16xf32> to vector<16xf32>
      %and3A_1451 = arith.constant 15 : i32
      %and3A_1452 = arith.andi %and3A_1436, %and3A_1451 : i32
      %broadcast_in_dim3A_1453 = vector.broadcast %and3A_1452 : i32 to vector<16xi32>
      %broadcast_in_dim3A_1454 = vector.shape_cast %broadcast_in_dim3A_1453 : vector<16xi32> to vector<16x1xi32>
      %gather3A_1455 = vector.shape_cast %broadcast_in_dim3A_1454 : vector<16x1xi32> to vector<16xi32>
      %gather3A_1456 = tpu.dynamic_gather %get3A_1450[%gather3A_1455] in [0] : vector<16xf32>, vector<16xi32> -> vector<16xf32>
      %eq3A_1457 = arith.constant 11 : i32
      %eq3A_1458 = vector.broadcast %eq3A_1457 : i32 to vector<16xi32>
      %eq3A_1459 = arith.cmpi eq, %iota3A, %eq3A_1458 : vector<16xi32>
      %select_n3A_1460 = arith.select %eq3A_1459, %gather3A_1456, %select_n3A_1348 : vector<16xi1>, vector<16xf32>
      %slice3A_1461 = vector.extract_strided_slice %get3A_125 {offsets = [11], sizes = [1], strides = [1]} : vector<16xi32> to vector<1xi32>
      %squeeze3A_1462 = vector.extract %slice3A_1461[0] : i32 from vector<1xi32>
      %and3A_1463 = arith.constant 1023 : i32
      %and3A_1464 = arith.andi %squeeze3A_1462, %and3A_1463 : i32
      %shift_right_arithmetic3A_1465 = arith.constant 4 : i32
      %shift_right_arithmetic3A_1466 = arith.shrsi %and3A_1464, %shift_right_arithmetic3A_1465 : i32
      %and3A_1467 = arith.constant 7 : i32
      %and3A_1468 = arith.andi %shift_right_arithmetic3A_1466, %and3A_1467 : i32
      %mul3A_1469 = arith.constant 16 : i32
      %mul3A_1470 = arith.muli %and3A_1468, %mul3A_1469 : i32
      %multiple_of3A_1471 = tpu.assume_multiple %mul3A_1470, 16 : i32
      %get3A_1472 = arith.constant 1 : i32
      %get3A_1473 = arith.constant 19 : i32
      %get3A_1474 = arith.index_cast %get3A_1472 : i32 to index
      %get3A_1475 = arith.index_cast %get3A_1473 : i32 to index
      %get3A_1476 = arith.index_cast %multiple_of3A_1471 : i32 to index
      %get3A_1477 = tpu.vector_load %arg7[%get3A_1474, %get3A_1475, %get3A_1476] {strides = array<i32>} : memref<2x32x128xf32, #tpu.memory_space<vmem>>, vector<1x1x16xf32>,
      %get3A_1478 = vector.shape_cast %get3A_1477 : vector<1x1x16xf32> to vector<16xf32>
      %and3A_1479 = arith.constant 15 : i32
      %and3A_1480 = arith.andi %and3A_1464, %and3A_1479 : i32
      %broadcast_in_dim3A_1481 = vector.broadcast %and3A_1480 : i32 to vector<16xi32>
      %broadcast_in_dim3A_1482 = vector.shape_cast %broadcast_in_dim3A_1481 : vector<16xi32> to vector<16x1xi32>
      %gather3A_1483 = vector.shape_cast %broadcast_in_dim3A_1482 : vector<16x1xi32> to vector<16xi32>
      %gather3A_1484 = tpu.dynamic_gather %get3A_1478[%gather3A_1483] in [0] : vector<16xf32>, vector<16xi32> -> vector<16xf32>
      %eq3A_1485 = arith.constant 11 : i32
      %eq3A_1486 = vector.broadcast %eq3A_1485 : i32 to vector<16xi32>
      %eq3A_1487 = arith.cmpi eq, %iota3A, %eq3A_1486 : vector<16xi32>
      %select_n3A_1488 = arith.select %eq3A_1487, %gather3A_1484, %select_n3A_1376 : vector<16xi1>, vector<16xf32>
      %slice3A_1489 = vector.extract_strided_slice %get3A_130 {offsets = [11], sizes = [1], strides = [1]} : vector<16xi32> to vector<1xi32>
      %squeeze3A_1490 = vector.extract %slice3A_1489[0] : i32 from vector<1xi32>
      %and3A_1491 = arith.constant 1023 : i32
      %and3A_1492 = arith.andi %squeeze3A_1490, %and3A_1491 : i32
      %shift_right_arithmetic3A_1493 = arith.constant 4 : i32
      %shift_right_arithmetic3A_1494 = arith.shrsi %and3A_1492, %shift_right_arithmetic3A_1493 : i32
      %and3A_1495 = arith.constant 7 : i32
      %and3A_1496 = arith.andi %shift_right_arithmetic3A_1494, %and3A_1495 : i32
      %mul3A_1497 = arith.constant 16 : i32
      %mul3A_1498 = arith.muli %and3A_1496, %mul3A_1497 : i32
      %multiple_of3A_1499 = tpu.assume_multiple %mul3A_1498, 16 : i32
      %get3A_1500 = arith.constant 1 : i32
      %get3A_1501 = arith.constant 27 : i32
      %get3A_1502 = arith.index_cast %get3A_1500 : i32 to index
      %get3A_1503 = arith.index_cast %get3A_1501 : i32 to index
      %get3A_1504 = arith.index_cast %multiple_of3A_1499 : i32 to index
      %get3A_1505 = tpu.vector_load %arg7[%get3A_1502, %get3A_1503, %get3A_1504] {strides = array<i32>} : memref<2x32x128xf32, #tpu.memory_space<vmem>>, vector<1x1x16xf32>,
      %get3A_1506 = vector.shape_cast %get3A_1505 : vector<1x1x16xf32> to vector<16xf32>
      %and3A_1507 = arith.constant 15 : i32
      %and3A_1508 = arith.andi %and3A_1492, %and3A_1507 : i32
      %broadcast_in_dim3A_1509 = vector.broadcast %and3A_1508 : i32 to vector<16xi32>
      %broadcast_in_dim3A_1510 = vector.shape_cast %broadcast_in_dim3A_1509 : vector<16xi32> to vector<16x1xi32>
      %gather3A_1511 = vector.shape_cast %broadcast_in_dim3A_1510 : vector<16x1xi32> to vector<16xi32>
      %gather3A_1512 = tpu.dynamic_gather %get3A_1506[%gather3A_1511] in [0] : vector<16xf32>, vector<16xi32> -> vector<16xf32>
      %eq3A_1513 = arith.constant 11 : i32
      %eq3A_1514 = vector.broadcast %eq3A_1513 : i32 to vector<16xi32>
      %eq3A_1515 = arith.cmpi eq, %iota3A, %eq3A_1514 : vector<16xi32>
      %select_n3A_1516 = arith.select %eq3A_1515, %gather3A_1512, %select_n3A_1404 : vector<16xi1>, vector<16xf32>
      %slice3A_1517 = vector.extract_strided_slice %get3A_115 {offsets = [12], sizes = [1], strides = [1]} : vector<16xi32> to vector<1xi32>
      %squeeze3A_1518 = vector.extract %slice3A_1517[0] : i32 from vector<1xi32>
      %and3A_1519 = arith.constant 1023 : i32
      %and3A_1520 = arith.andi %squeeze3A_1518, %and3A_1519 : i32
      %shift_right_arithmetic3A_1521 = arith.constant 4 : i32
      %shift_right_arithmetic3A_1522 = arith.shrsi %and3A_1520, %shift_right_arithmetic3A_1521 : i32
      %and3A_1523 = arith.constant 7 : i32
      %and3A_1524 = arith.andi %shift_right_arithmetic3A_1522, %and3A_1523 : i32
      %mul3A_1525 = arith.constant 16 : i32
      %mul3A_1526 = arith.muli %and3A_1524, %mul3A_1525 : i32
      %multiple_of3A_1527 = tpu.assume_multiple %mul3A_1526, 16 : i32
      %get3A_1528 = arith.constant 1 : i32
      %get3A_1529 = arith.constant 4 : i32
      %get3A_1530 = arith.index_cast %get3A_1528 : i32 to index
      %get3A_1531 = arith.index_cast %get3A_1529 : i32 to index
      %get3A_1532 = arith.index_cast %multiple_of3A_1527 : i32 to index
      %get3A_1533 = tpu.vector_load %arg7[%get3A_1530, %get3A_1531, %get3A_1532] {strides = array<i32>} : memref<2x32x128xf32, #tpu.memory_space<vmem>>, vector<1x1x16xf32>,
      %get3A_1534 = vector.shape_cast %get3A_1533 : vector<1x1x16xf32> to vector<16xf32>
      %and3A_1535 = arith.constant 15 : i32
      %and3A_1536 = arith.andi %and3A_1520, %and3A_1535 : i32
      %broadcast_in_dim3A_1537 = vector.broadcast %and3A_1536 : i32 to vector<16xi32>
      %broadcast_in_dim3A_1538 = vector.shape_cast %broadcast_in_dim3A_1537 : vector<16xi32> to vector<16x1xi32>
      %gather3A_1539 = vector.shape_cast %broadcast_in_dim3A_1538 : vector<16x1xi32> to vector<16xi32>
      %gather3A_1540 = tpu.dynamic_gather %get3A_1534[%gather3A_1539] in [0] : vector<16xf32>, vector<16xi32> -> vector<16xf32>
      %eq3A_1541 = arith.constant 12 : i32
      %eq3A_1542 = vector.broadcast %eq3A_1541 : i32 to vector<16xi32>
      %eq3A_1543 = arith.cmpi eq, %iota3A, %eq3A_1542 : vector<16xi32>
      %select_n3A_1544 = arith.select %eq3A_1543, %gather3A_1540, %select_n3A_1432 : vector<16xi1>, vector<16xf32>
      %slice3A_1545 = vector.extract_strided_slice %get3A_120 {offsets = [12], sizes = [1], strides = [1]} : vector<16xi32> to vector<1xi32>
      %squeeze3A_1546 = vector.extract %slice3A_1545[0] : i32 from vector<1xi32>
      %and3A_1547 = arith.constant 1023 : i32
      %and3A_1548 = arith.andi %squeeze3A_1546, %and3A_1547 : i32
      %shift_right_arithmetic3A_1549 = arith.constant 4 : i32
      %shift_right_arithmetic3A_1550 = arith.shrsi %and3A_1548, %shift_right_arithmetic3A_1549 : i32
      %and3A_1551 = arith.constant 7 : i32
      %and3A_1552 = arith.andi %shift_right_arithmetic3A_1550, %and3A_1551 : i32
      %mul3A_1553 = arith.constant 16 : i32
      %mul3A_1554 = arith.muli %and3A_1552, %mul3A_1553 : i32
      %multiple_of3A_1555 = tpu.assume_multiple %mul3A_1554, 16 : i32
      %get3A_1556 = arith.constant 1 : i32
      %get3A_1557 = arith.constant 12 : i32
      %get3A_1558 = arith.index_cast %get3A_1556 : i32 to index
      %get3A_1559 = arith.index_cast %get3A_1557 : i32 to index
      %get3A_1560 = arith.index_cast %multiple_of3A_1555 : i32 to index
      %get3A_1561 = tpu.vector_load %arg7[%get3A_1558, %get3A_1559, %get3A_1560] {strides = array<i32>} : memref<2x32x128xf32, #tpu.memory_space<vmem>>, vector<1x1x16xf32>,
      %get3A_1562 = vector.shape_cast %get3A_1561 : vector<1x1x16xf32> to vector<16xf32>
      %and3A_1563 = arith.constant 15 : i32
      %and3A_1564 = arith.andi %and3A_1548, %and3A_1563 : i32
      %broadcast_in_dim3A_1565 = vector.broadcast %and3A_1564 : i32 to vector<16xi32>
      %broadcast_in_dim3A_1566 = vector.shape_cast %broadcast_in_dim3A_1565 : vector<16xi32> to vector<16x1xi32>
      %gather3A_1567 = vector.shape_cast %broadcast_in_dim3A_1566 : vector<16x1xi32> to vector<16xi32>
      %gather3A_1568 = tpu.dynamic_gather %get3A_1562[%gather3A_1567] in [0] : vector<16xf32>, vector<16xi32> -> vector<16xf32>
      %eq3A_1569 = arith.constant 12 : i32
      %eq3A_1570 = vector.broadcast %eq3A_1569 : i32 to vector<16xi32>
      %eq3A_1571 = arith.cmpi eq, %iota3A, %eq3A_1570 : vector<16xi32>
      %select_n3A_1572 = arith.select %eq3A_1571, %gather3A_1568, %select_n3A_1460 : vector<16xi1>, vector<16xf32>
      %slice3A_1573 = vector.extract_strided_slice %get3A_125 {offsets = [12], sizes = [1], strides = [1]} : vector<16xi32> to vector<1xi32>
      %squeeze3A_1574 = vector.extract %slice3A_1573[0] : i32 from vector<1xi32>
      %and3A_1575 = arith.constant 1023 : i32
      %and3A_1576 = arith.andi %squeeze3A_1574, %and3A_1575 : i32
      %shift_right_arithmetic3A_1577 = arith.constant 4 : i32
      %shift_right_arithmetic3A_1578 = arith.shrsi %and3A_1576, %shift_right_arithmetic3A_1577 : i32
      %and3A_1579 = arith.constant 7 : i32
      %and3A_1580 = arith.andi %shift_right_arithmetic3A_1578, %and3A_1579 : i32
      %mul3A_1581 = arith.constant 16 : i32
      %mul3A_1582 = arith.muli %and3A_1580, %mul3A_1581 : i32
      %multiple_of3A_1583 = tpu.assume_multiple %mul3A_1582, 16 : i32
      %get3A_1584 = arith.constant 1 : i32
      %get3A_1585 = arith.constant 20 : i32
      %get3A_1586 = arith.index_cast %get3A_1584 : i32 to index
      %get3A_1587 = arith.index_cast %get3A_1585 : i32 to index
      %get3A_1588 = arith.index_cast %multiple_of3A_1583 : i32 to index
      %get3A_1589 = tpu.vector_load %arg7[%get3A_1586, %get3A_1587, %get3A_1588] {strides = array<i32>} : memref<2x32x128xf32, #tpu.memory_space<vmem>>, vector<1x1x16xf32>,
      %get3A_1590 = vector.shape_cast %get3A_1589 : vector<1x1x16xf32> to vector<16xf32>
      %and3A_1591 = arith.constant 15 : i32
      %and3A_1592 = arith.andi %and3A_1576, %and3A_1591 : i32
      %broadcast_in_dim3A_1593 = vector.broadcast %and3A_1592 : i32 to vector<16xi32>
      %broadcast_in_dim3A_1594 = vector.shape_cast %broadcast_in_dim3A_1593 : vector<16xi32> to vector<16x1xi32>
      %gather3A_1595 = vector.shape_cast %broadcast_in_dim3A_1594 : vector<16x1xi32> to vector<16xi32>
      %gather3A_1596 = tpu.dynamic_gather %get3A_1590[%gather3A_1595] in [0] : vector<16xf32>, vector<16xi32> -> vector<16xf32>
      %eq3A_1597 = arith.constant 12 : i32
      %eq3A_1598 = vector.broadcast %eq3A_1597 : i32 to vector<16xi32>
      %eq3A_1599 = arith.cmpi eq, %iota3A, %eq3A_1598 : vector<16xi32>
      %select_n3A_1600 = arith.select %eq3A_1599, %gather3A_1596, %select_n3A_1488 : vector<16xi1>, vector<16xf32>
      %slice3A_1601 = vector.extract_strided_slice %get3A_130 {offsets = [12], sizes = [1], strides = [1]} : vector<16xi32> to vector<1xi32>
      %squeeze3A_1602 = vector.extract %slice3A_1601[0] : i32 from vector<1xi32>
      %and3A_1603 = arith.constant 1023 : i32
      %and3A_1604 = arith.andi %squeeze3A_1602, %and3A_1603 : i32
      %shift_right_arithmetic3A_1605 = arith.constant 4 : i32
      %shift_right_arithmetic3A_1606 = arith.shrsi %and3A_1604, %shift_right_arithmetic3A_1605 : i32
      %and3A_1607 = arith.constant 7 : i32
      %and3A_1608 = arith.andi %shift_right_arithmetic3A_1606, %and3A_1607 : i32
      %mul3A_1609 = arith.constant 16 : i32
      %mul3A_1610 = arith.muli %and3A_1608, %mul3A_1609 : i32
      %multiple_of3A_1611 = tpu.assume_multiple %mul3A_1610, 16 : i32
      %get3A_1612 = arith.constant 1 : i32
      %get3A_1613 = arith.constant 28 : i32
      %get3A_1614 = arith.index_cast %get3A_1612 : i32 to index
      %get3A_1615 = arith.index_cast %get3A_1613 : i32 to index
      %get3A_1616 = arith.index_cast %multiple_of3A_1611 : i32 to index
      %get3A_1617 = tpu.vector_load %arg7[%get3A_1614, %get3A_1615, %get3A_1616] {strides = array<i32>} : memref<2x32x128xf32, #tpu.memory_space<vmem>>, vector<1x1x16xf32>,
      %get3A_1618 = vector.shape_cast %get3A_1617 : vector<1x1x16xf32> to vector<16xf32>
      %and3A_1619 = arith.constant 15 : i32
      %and3A_1620 = arith.andi %and3A_1604, %and3A_1619 : i32
      %broadcast_in_dim3A_1621 = vector.broadcast %and3A_1620 : i32 to vector<16xi32>
      %broadcast_in_dim3A_1622 = vector.shape_cast %broadcast_in_dim3A_1621 : vector<16xi32> to vector<16x1xi32>
      %gather3A_1623 = vector.shape_cast %broadcast_in_dim3A_1622 : vector<16x1xi32> to vector<16xi32>
      %gather3A_1624 = tpu.dynamic_gather %get3A_1618[%gather3A_1623] in [0] : vector<16xf32>, vector<16xi32> -> vector<16xf32>
      %eq3A_1625 = arith.constant 12 : i32
      %eq3A_1626 = vector.broadcast %eq3A_1625 : i32 to vector<16xi32>
      %eq3A_1627 = arith.cmpi eq, %iota3A, %eq3A_1626 : vector<16xi32>
      %select_n3A_1628 = arith.select %eq3A_1627, %gather3A_1624, %select_n3A_1516 : vector<16xi1>, vector<16xf32>
      %slice3A_1629 = vector.extract_strided_slice %get3A_115 {offsets = [13], sizes = [1], strides = [1]} : vector<16xi32> to vector<1xi32>
      %squeeze3A_1630 = vector.extract %slice3A_1629[0] : i32 from vector<1xi32>
      %and3A_1631 = arith.constant 1023 : i32
      %and3A_1632 = arith.andi %squeeze3A_1630, %and3A_1631 : i32
      %shift_right_arithmetic3A_1633 = arith.constant 4 : i32
      %shift_right_arithmetic3A_1634 = arith.shrsi %and3A_1632, %shift_right_arithmetic3A_1633 : i32
      %and3A_1635 = arith.constant 7 : i32
      %and3A_1636 = arith.andi %shift_right_arithmetic3A_1634, %and3A_1635 : i32
      %mul3A_1637 = arith.constant 16 : i32
      %mul3A_1638 = arith.muli %and3A_1636, %mul3A_1637 : i32
      %multiple_of3A_1639 = tpu.assume_multiple %mul3A_1638, 16 : i32
      %get3A_1640 = arith.constant 1 : i32
      %get3A_1641 = arith.constant 5 : i32
      %get3A_1642 = arith.index_cast %get3A_1640 : i32 to index
      %get3A_1643 = arith.index_cast %get3A_1641 : i32 to index
      %get3A_1644 = arith.index_cast %multiple_of3A_1639 : i32 to index
      %get3A_1645 = tpu.vector_load %arg7[%get3A_1642, %get3A_1643, %get3A_1644] {strides = array<i32>} : memref<2x32x128xf32, #tpu.memory_space<vmem>>, vector<1x1x16xf32>,
      %get3A_1646 = vector.shape_cast %get3A_1645 : vector<1x1x16xf32> to vector<16xf32>
      %and3A_1647 = arith.constant 15 : i32
      %and3A_1648 = arith.andi %and3A_1632, %and3A_1647 : i32
      %broadcast_in_dim3A_1649 = vector.broadcast %and3A_1648 : i32 to vector<16xi32>
      %broadcast_in_dim3A_1650 = vector.shape_cast %broadcast_in_dim3A_1649 : vector<16xi32> to vector<16x1xi32>
      %gather3A_1651 = vector.shape_cast %broadcast_in_dim3A_1650 : vector<16x1xi32> to vector<16xi32>
      %gather3A_1652 = tpu.dynamic_gather %get3A_1646[%gather3A_1651] in [0] : vector<16xf32>, vector<16xi32> -> vector<16xf32>
      %eq3A_1653 = arith.constant 13 : i32
      %eq3A_1654 = vector.broadcast %eq3A_1653 : i32 to vector<16xi32>
      %eq3A_1655 = arith.cmpi eq, %iota3A, %eq3A_1654 : vector<16xi32>
      %select_n3A_1656 = arith.select %eq3A_1655, %gather3A_1652, %select_n3A_1544 : vector<16xi1>, vector<16xf32>
      %slice3A_1657 = vector.extract_strided_slice %get3A_120 {offsets = [13], sizes = [1], strides = [1]} : vector<16xi32> to vector<1xi32>
      %squeeze3A_1658 = vector.extract %slice3A_1657[0] : i32 from vector<1xi32>
      %and3A_1659 = arith.constant 1023 : i32
      %and3A_1660 = arith.andi %squeeze3A_1658, %and3A_1659 : i32
      %shift_right_arithmetic3A_1661 = arith.constant 4 : i32
      %shift_right_arithmetic3A_1662 = arith.shrsi %and3A_1660, %shift_right_arithmetic3A_1661 : i32
      %and3A_1663 = arith.constant 7 : i32
      %and3A_1664 = arith.andi %shift_right_arithmetic3A_1662, %and3A_1663 : i32
      %mul3A_1665 = arith.constant 16 : i32
      %mul3A_1666 = arith.muli %and3A_1664, %mul3A_1665 : i32
      %multiple_of3A_1667 = tpu.assume_multiple %mul3A_1666, 16 : i32
      %get3A_1668 = arith.constant 1 : i32
      %get3A_1669 = arith.constant 13 : i32
      %get3A_1670 = arith.index_cast %get3A_1668 : i32 to index
      %get3A_1671 = arith.index_cast %get3A_1669 : i32 to index
      %get3A_1672 = arith.index_cast %multiple_of3A_1667 : i32 to index
      %get3A_1673 = tpu.vector_load %arg7[%get3A_1670, %get3A_1671, %get3A_1672] {strides = array<i32>} : memref<2x32x128xf32, #tpu.memory_space<vmem>>, vector<1x1x16xf32>,
      %get3A_1674 = vector.shape_cast %get3A_1673 : vector<1x1x16xf32> to vector<16xf32>
      %and3A_1675 = arith.constant 15 : i32
      %and3A_1676 = arith.andi %and3A_1660, %and3A_1675 : i32
      %broadcast_in_dim3A_1677 = vector.broadcast %and3A_1676 : i32 to vector<16xi32>
      %broadcast_in_dim3A_1678 = vector.shape_cast %broadcast_in_dim3A_1677 : vector<16xi32> to vector<16x1xi32>
      %gather3A_1679 = vector.shape_cast %broadcast_in_dim3A_1678 : vector<16x1xi32> to vector<16xi32>
      %gather3A_1680 = tpu.dynamic_gather %get3A_1674[%gather3A_1679] in [0] : vector<16xf32>, vector<16xi32> -> vector<16xf32>
      %eq3A_1681 = arith.constant 13 : i32
      %eq3A_1682 = vector.broadcast %eq3A_1681 : i32 to vector<16xi32>
      %eq3A_1683 = arith.cmpi eq, %iota3A, %eq3A_1682 : vector<16xi32>
      %select_n3A_1684 = arith.select %eq3A_1683, %gather3A_1680, %select_n3A_1572 : vector<16xi1>, vector<16xf32>
      %slice3A_1685 = vector.extract_strided_slice %get3A_125 {offsets = [13], sizes = [1], strides = [1]} : vector<16xi32> to vector<1xi32>
      %squeeze3A_1686 = vector.extract %slice3A_1685[0] : i32 from vector<1xi32>
      %and3A_1687 = arith.constant 1023 : i32
      %and3A_1688 = arith.andi %squeeze3A_1686, %and3A_1687 : i32
      %shift_right_arithmetic3A_1689 = arith.constant 4 : i32
      %shift_right_arithmetic3A_1690 = arith.shrsi %and3A_1688, %shift_right_arithmetic3A_1689 : i32
      %and3A_1691 = arith.constant 7 : i32
      %and3A_1692 = arith.andi %shift_right_arithmetic3A_1690, %and3A_1691 : i32
      %mul3A_1693 = arith.constant 16 : i32
      %mul3A_1694 = arith.muli %and3A_1692, %mul3A_1693 : i32
      %multiple_of3A_1695 = tpu.assume_multiple %mul3A_1694, 16 : i32
      %get3A_1696 = arith.constant 1 : i32
      %get3A_1697 = arith.constant 21 : i32
      %get3A_1698 = arith.index_cast %get3A_1696 : i32 to index
      %get3A_1699 = arith.index_cast %get3A_1697 : i32 to index
      %get3A_1700 = arith.index_cast %multiple_of3A_1695 : i32 to index
      %get3A_1701 = tpu.vector_load %arg7[%get3A_1698, %get3A_1699, %get3A_1700] {strides = array<i32>} : memref<2x32x128xf32, #tpu.memory_space<vmem>>, vector<1x1x16xf32>,
      %get3A_1702 = vector.shape_cast %get3A_1701 : vector<1x1x16xf32> to vector<16xf32>
      %and3A_1703 = arith.constant 15 : i32
      %and3A_1704 = arith.andi %and3A_1688, %and3A_1703 : i32
      %broadcast_in_dim3A_1705 = vector.broadcast %and3A_1704 : i32 to vector<16xi32>
      %broadcast_in_dim3A_1706 = vector.shape_cast %broadcast_in_dim3A_1705 : vector<16xi32> to vector<16x1xi32>
      %gather3A_1707 = vector.shape_cast %broadcast_in_dim3A_1706 : vector<16x1xi32> to vector<16xi32>
      %gather3A_1708 = tpu.dynamic_gather %get3A_1702[%gather3A_1707] in [0] : vector<16xf32>, vector<16xi32> -> vector<16xf32>
      %eq3A_1709 = arith.constant 13 : i32
      %eq3A_1710 = vector.broadcast %eq3A_1709 : i32 to vector<16xi32>
      %eq3A_1711 = arith.cmpi eq, %iota3A, %eq3A_1710 : vector<16xi32>
      %select_n3A_1712 = arith.select %eq3A_1711, %gather3A_1708, %select_n3A_1600 : vector<16xi1>, vector<16xf32>
      %slice3A_1713 = vector.extract_strided_slice %get3A_130 {offsets = [13], sizes = [1], strides = [1]} : vector<16xi32> to vector<1xi32>
      %squeeze3A_1714 = vector.extract %slice3A_1713[0] : i32 from vector<1xi32>
      %and3A_1715 = arith.constant 1023 : i32
      %and3A_1716 = arith.andi %squeeze3A_1714, %and3A_1715 : i32
      %shift_right_arithmetic3A_1717 = arith.constant 4 : i32
      %shift_right_arithmetic3A_1718 = arith.shrsi %and3A_1716, %shift_right_arithmetic3A_1717 : i32
      %and3A_1719 = arith.constant 7 : i32
      %and3A_1720 = arith.andi %shift_right_arithmetic3A_1718, %and3A_1719 : i32
      %mul3A_1721 = arith.constant 16 : i32
      %mul3A_1722 = arith.muli %and3A_1720, %mul3A_1721 : i32
      %multiple_of3A_1723 = tpu.assume_multiple %mul3A_1722, 16 : i32
      %get3A_1724 = arith.constant 1 : i32
      %get3A_1725 = arith.constant 29 : i32
      %get3A_1726 = arith.index_cast %get3A_1724 : i32 to index
      %get3A_1727 = arith.index_cast %get3A_1725 : i32 to index
      %get3A_1728 = arith.index_cast %multiple_of3A_1723 : i32 to index
      %get3A_1729 = tpu.vector_load %arg7[%get3A_1726, %get3A_1727, %get3A_1728] {strides = array<i32>} : memref<2x32x128xf32, #tpu.memory_space<vmem>>, vector<1x1x16xf32>,
      %get3A_1730 = vector.shape_cast %get3A_1729 : vector<1x1x16xf32> to vector<16xf32>
      %and3A_1731 = arith.constant 15 : i32
      %and3A_1732 = arith.andi %and3A_1716, %and3A_1731 : i32
      %broadcast_in_dim3A_1733 = vector.broadcast %and3A_1732 : i32 to vector<16xi32>
      %broadcast_in_dim3A_1734 = vector.shape_cast %broadcast_in_dim3A_1733 : vector<16xi32> to vector<16x1xi32>
      %gather3A_1735 = vector.shape_cast %broadcast_in_dim3A_1734 : vector<16x1xi32> to vector<16xi32>
      %gather3A_1736 = tpu.dynamic_gather %get3A_1730[%gather3A_1735] in [0] : vector<16xf32>, vector<16xi32> -> vector<16xf32>
      %eq3A_1737 = arith.constant 13 : i32
      %eq3A_1738 = vector.broadcast %eq3A_1737 : i32 to vector<16xi32>
      %eq3A_1739 = arith.cmpi eq, %iota3A, %eq3A_1738 : vector<16xi32>
      %select_n3A_1740 = arith.select %eq3A_1739, %gather3A_1736, %select_n3A_1628 : vector<16xi1>, vector<16xf32>
      %slice3A_1741 = vector.extract_strided_slice %get3A_115 {offsets = [14], sizes = [1], strides = [1]} : vector<16xi32> to vector<1xi32>
      %squeeze3A_1742 = vector.extract %slice3A_1741[0] : i32 from vector<1xi32>
      %and3A_1743 = arith.constant 1023 : i32
      %and3A_1744 = arith.andi %squeeze3A_1742, %and3A_1743 : i32
      %shift_right_arithmetic3A_1745 = arith.constant 4 : i32
      %shift_right_arithmetic3A_1746 = arith.shrsi %and3A_1744, %shift_right_arithmetic3A_1745 : i32
      %and3A_1747 = arith.constant 7 : i32
      %and3A_1748 = arith.andi %shift_right_arithmetic3A_1746, %and3A_1747 : i32
      %mul3A_1749 = arith.constant 16 : i32
      %mul3A_1750 = arith.muli %and3A_1748, %mul3A_1749 : i32
      %multiple_of3A_1751 = tpu.assume_multiple %mul3A_1750, 16 : i32
      %get3A_1752 = arith.constant 1 : i32
      %get3A_1753 = arith.constant 6 : i32
      %get3A_1754 = arith.index_cast %get3A_1752 : i32 to index
      %get3A_1755 = arith.index_cast %get3A_1753 : i32 to index
      %get3A_1756 = arith.index_cast %multiple_of3A_1751 : i32 to index
      %get3A_1757 = tpu.vector_load %arg7[%get3A_1754, %get3A_1755, %get3A_1756] {strides = array<i32>} : memref<2x32x128xf32, #tpu.memory_space<vmem>>, vector<1x1x16xf32>,
      %get3A_1758 = vector.shape_cast %get3A_1757 : vector<1x1x16xf32> to vector<16xf32>
      %and3A_1759 = arith.constant 15 : i32
      %and3A_1760 = arith.andi %and3A_1744, %and3A_1759 : i32
      %broadcast_in_dim3A_1761 = vector.broadcast %and3A_1760 : i32 to vector<16xi32>
      %broadcast_in_dim3A_1762 = vector.shape_cast %broadcast_in_dim3A_1761 : vector<16xi32> to vector<16x1xi32>
      %gather3A_1763 = vector.shape_cast %broadcast_in_dim3A_1762 : vector<16x1xi32> to vector<16xi32>
      %gather3A_1764 = tpu.dynamic_gather %get3A_1758[%gather3A_1763] in [0] : vector<16xf32>, vector<16xi32> -> vector<16xf32>
      %eq3A_1765 = arith.constant 14 : i32
      %eq3A_1766 = vector.broadcast %eq3A_1765 : i32 to vector<16xi32>
      %eq3A_1767 = arith.cmpi eq, %iota3A, %eq3A_1766 : vector<16xi32>
      %select_n3A_1768 = arith.select %eq3A_1767, %gather3A_1764, %select_n3A_1656 : vector<16xi1>, vector<16xf32>
      %slice3A_1769 = vector.extract_strided_slice %get3A_120 {offsets = [14], sizes = [1], strides = [1]} : vector<16xi32> to vector<1xi32>
      %squeeze3A_1770 = vector.extract %slice3A_1769[0] : i32 from vector<1xi32>
      %and3A_1771 = arith.constant 1023 : i32
      %and3A_1772 = arith.andi %squeeze3A_1770, %and3A_1771 : i32
      %shift_right_arithmetic3A_1773 = arith.constant 4 : i32
      %shift_right_arithmetic3A_1774 = arith.shrsi %and3A_1772, %shift_right_arithmetic3A_1773 : i32
      %and3A_1775 = arith.constant 7 : i32
      %and3A_1776 = arith.andi %shift_right_arithmetic3A_1774, %and3A_1775 : i32
      %mul3A_1777 = arith.constant 16 : i32
      %mul3A_1778 = arith.muli %and3A_1776, %mul3A_1777 : i32
      %multiple_of3A_1779 = tpu.assume_multiple %mul3A_1778, 16 : i32
      %get3A_1780 = arith.constant 1 : i32
      %get3A_1781 = arith.constant 14 : i32
      %get3A_1782 = arith.index_cast %get3A_1780 : i32 to index
      %get3A_1783 = arith.index_cast %get3A_1781 : i32 to index
      %get3A_1784 = arith.index_cast %multiple_of3A_1779 : i32 to index
      %get3A_1785 = tpu.vector_load %arg7[%get3A_1782, %get3A_1783, %get3A_1784] {strides = array<i32>} : memref<2x32x128xf32, #tpu.memory_space<vmem>>, vector<1x1x16xf32>,
      %get3A_1786 = vector.shape_cast %get3A_1785 : vector<1x1x16xf32> to vector<16xf32>
      %and3A_1787 = arith.constant 15 : i32
      %and3A_1788 = arith.andi %and3A_1772, %and3A_1787 : i32
      %broadcast_in_dim3A_1789 = vector.broadcast %and3A_1788 : i32 to vector<16xi32>
      %broadcast_in_dim3A_1790 = vector.shape_cast %broadcast_in_dim3A_1789 : vector<16xi32> to vector<16x1xi32>
      %gather3A_1791 = vector.shape_cast %broadcast_in_dim3A_1790 : vector<16x1xi32> to vector<16xi32>
      %gather3A_1792 = tpu.dynamic_gather %get3A_1786[%gather3A_1791] in [0] : vector<16xf32>, vector<16xi32> -> vector<16xf32>
      %eq3A_1793 = arith.constant 14 : i32
      %eq3A_1794 = vector.broadcast %eq3A_1793 : i32 to vector<16xi32>
      %eq3A_1795 = arith.cmpi eq, %iota3A, %eq3A_1794 : vector<16xi32>
      %select_n3A_1796 = arith.select %eq3A_1795, %gather3A_1792, %select_n3A_1684 : vector<16xi1>, vector<16xf32>
      %slice3A_1797 = vector.extract_strided_slice %get3A_125 {offsets = [14], sizes = [1], strides = [1]} : vector<16xi32> to vector<1xi32>
      %squeeze3A_1798 = vector.extract %slice3A_1797[0] : i32 from vector<1xi32>
      %and3A_1799 = arith.constant 1023 : i32
      %and3A_1800 = arith.andi %squeeze3A_1798, %and3A_1799 : i32
      %shift_right_arithmetic3A_1801 = arith.constant 4 : i32
      %shift_right_arithmetic3A_1802 = arith.shrsi %and3A_1800, %shift_right_arithmetic3A_1801 : i32
      %and3A_1803 = arith.constant 7 : i32
      %and3A_1804 = arith.andi %shift_right_arithmetic3A_1802, %and3A_1803 : i32
      %mul3A_1805 = arith.constant 16 : i32
      %mul3A_1806 = arith.muli %and3A_1804, %mul3A_1805 : i32
      %multiple_of3A_1807 = tpu.assume_multiple %mul3A_1806, 16 : i32
      %get3A_1808 = arith.constant 1 : i32
      %get3A_1809 = arith.constant 22 : i32
      %get3A_1810 = arith.index_cast %get3A_1808 : i32 to index
      %get3A_1811 = arith.index_cast %get3A_1809 : i32 to index
      %get3A_1812 = arith.index_cast %multiple_of3A_1807 : i32 to index
      %get3A_1813 = tpu.vector_load %arg7[%get3A_1810, %get3A_1811, %get3A_1812] {strides = array<i32>} : memref<2x32x128xf32, #tpu.memory_space<vmem>>, vector<1x1x16xf32>,
      %get3A_1814 = vector.shape_cast %get3A_1813 : vector<1x1x16xf32> to vector<16xf32>
      %and3A_1815 = arith.constant 15 : i32
      %and3A_1816 = arith.andi %and3A_1800, %and3A_1815 : i32
      %broadcast_in_dim3A_1817 = vector.broadcast %and3A_1816 : i32 to vector<16xi32>
      %broadcast_in_dim3A_1818 = vector.shape_cast %broadcast_in_dim3A_1817 : vector<16xi32> to vector<16x1xi32>
      %gather3A_1819 = vector.shape_cast %broadcast_in_dim3A_1818 : vector<16x1xi32> to vector<16xi32>
      %gather3A_1820 = tpu.dynamic_gather %get3A_1814[%gather3A_1819] in [0] : vector<16xf32>, vector<16xi32> -> vector<16xf32>
      %eq3A_1821 = arith.constant 14 : i32
      %eq3A_1822 = vector.broadcast %eq3A_1821 : i32 to vector<16xi32>
      %eq3A_1823 = arith.cmpi eq, %iota3A, %eq3A_1822 : vector<16xi32>
      %select_n3A_1824 = arith.select %eq3A_1823, %gather3A_1820, %select_n3A_1712 : vector<16xi1>, vector<16xf32>
      %slice3A_1825 = vector.extract_strided_slice %get3A_130 {offsets = [14], sizes = [1], strides = [1]} : vector<16xi32> to vector<1xi32>
      %squeeze3A_1826 = vector.extract %slice3A_1825[0] : i32 from vector<1xi32>
      %and3A_1827 = arith.constant 1023 : i32
      %and3A_1828 = arith.andi %squeeze3A_1826, %and3A_1827 : i32
      %shift_right_arithmetic3A_1829 = arith.constant 4 : i32
      %shift_right_arithmetic3A_1830 = arith.shrsi %and3A_1828, %shift_right_arithmetic3A_1829 : i32
      %and3A_1831 = arith.constant 7 : i32
      %and3A_1832 = arith.andi %shift_right_arithmetic3A_1830, %and3A_1831 : i32
      %mul3A_1833 = arith.constant 16 : i32
      %mul3A_1834 = arith.muli %and3A_1832, %mul3A_1833 : i32
      %multiple_of3A_1835 = tpu.assume_multiple %mul3A_1834, 16 : i32
      %get3A_1836 = arith.constant 1 : i32
      %get3A_1837 = arith.constant 30 : i32
      %get3A_1838 = arith.index_cast %get3A_1836 : i32 to index
      %get3A_1839 = arith.index_cast %get3A_1837 : i32 to index
      %get3A_1840 = arith.index_cast %multiple_of3A_1835 : i32 to index
      %get3A_1841 = tpu.vector_load %arg7[%get3A_1838, %get3A_1839, %get3A_1840] {strides = array<i32>} : memref<2x32x128xf32, #tpu.memory_space<vmem>>, vector<1x1x16xf32>,
      %get3A_1842 = vector.shape_cast %get3A_1841 : vector<1x1x16xf32> to vector<16xf32>
      %and3A_1843 = arith.constant 15 : i32
      %and3A_1844 = arith.andi %and3A_1828, %and3A_1843 : i32
      %broadcast_in_dim3A_1845 = vector.broadcast %and3A_1844 : i32 to vector<16xi32>
      %broadcast_in_dim3A_1846 = vector.shape_cast %broadcast_in_dim3A_1845 : vector<16xi32> to vector<16x1xi32>
      %gather3A_1847 = vector.shape_cast %broadcast_in_dim3A_1846 : vector<16x1xi32> to vector<16xi32>
      %gather3A_1848 = tpu.dynamic_gather %get3A_1842[%gather3A_1847] in [0] : vector<16xf32>, vector<16xi32> -> vector<16xf32>
      %eq3A_1849 = arith.constant 14 : i32
      %eq3A_1850 = vector.broadcast %eq3A_1849 : i32 to vector<16xi32>
      %eq3A_1851 = arith.cmpi eq, %iota3A, %eq3A_1850 : vector<16xi32>
      %select_n3A_1852 = arith.select %eq3A_1851, %gather3A_1848, %select_n3A_1740 : vector<16xi1>, vector<16xf32>
      %slice3A_1853 = vector.extract_strided_slice %get3A_115 {offsets = [15], sizes = [1], strides = [1]} : vector<16xi32> to vector<1xi32>
      %squeeze3A_1854 = vector.extract %slice3A_1853[0] : i32 from vector<1xi32>
      %and3A_1855 = arith.constant 1023 : i32
      %and3A_1856 = arith.andi %squeeze3A_1854, %and3A_1855 : i32
      %shift_right_arithmetic3A_1857 = arith.constant 4 : i32
      %shift_right_arithmetic3A_1858 = arith.shrsi %and3A_1856, %shift_right_arithmetic3A_1857 : i32
      %and3A_1859 = arith.constant 7 : i32
      %and3A_1860 = arith.andi %shift_right_arithmetic3A_1858, %and3A_1859 : i32
      %mul3A_1861 = arith.constant 16 : i32
      %mul3A_1862 = arith.muli %and3A_1860, %mul3A_1861 : i32
      %multiple_of3A_1863 = tpu.assume_multiple %mul3A_1862, 16 : i32
      %get3A_1864 = arith.constant 1 : i32
      %get3A_1865 = arith.constant 7 : i32
      %get3A_1866 = arith.index_cast %get3A_1864 : i32 to index
      %get3A_1867 = arith.index_cast %get3A_1865 : i32 to index
      %get3A_1868 = arith.index_cast %multiple_of3A_1863 : i32 to index
      %get3A_1869 = tpu.vector_load %arg7[%get3A_1866, %get3A_1867, %get3A_1868] {strides = array<i32>} : memref<2x32x128xf32, #tpu.memory_space<vmem>>, vector<1x1x16xf32>,
      %get3A_1870 = vector.shape_cast %get3A_1869 : vector<1x1x16xf32> to vector<16xf32>
      %and3A_1871 = arith.constant 15 : i32
      %and3A_1872 = arith.andi %and3A_1856, %and3A_1871 : i32
      %broadcast_in_dim3A_1873 = vector.broadcast %and3A_1872 : i32 to vector<16xi32>
      %broadcast_in_dim3A_1874 = vector.shape_cast %broadcast_in_dim3A_1873 : vector<16xi32> to vector<16x1xi32>
      %gather3A_1875 = vector.shape_cast %broadcast_in_dim3A_1874 : vector<16x1xi32> to vector<16xi32>
      %gather3A_1876 = tpu.dynamic_gather %get3A_1870[%gather3A_1875] in [0] : vector<16xf32>, vector<16xi32> -> vector<16xf32>
      %eq3A_1877 = arith.constant 15 : i32
      %eq3A_1878 = vector.broadcast %eq3A_1877 : i32 to vector<16xi32>
      %eq3A_1879 = arith.cmpi eq, %iota3A, %eq3A_1878 : vector<16xi32>
      %select_n3A_1880 = arith.select %eq3A_1879, %gather3A_1876, %select_n3A_1768 : vector<16xi1>, vector<16xf32>
      %slice3A_1881 = vector.extract_strided_slice %get3A_120 {offsets = [15], sizes = [1], strides = [1]} : vector<16xi32> to vector<1xi32>
      %squeeze3A_1882 = vector.extract %slice3A_1881[0] : i32 from vector<1xi32>
      %and3A_1883 = arith.constant 1023 : i32
      %and3A_1884 = arith.andi %squeeze3A_1882, %and3A_1883 : i32
      %shift_right_arithmetic3A_1885 = arith.constant 4 : i32
      %shift_right_arithmetic3A_1886 = arith.shrsi %and3A_1884, %shift_right_arithmetic3A_1885 : i32
      %and3A_1887 = arith.constant 7 : i32
      %and3A_1888 = arith.andi %shift_right_arithmetic3A_1886, %and3A_1887 : i32
      %mul3A_1889 = arith.constant 16 : i32
      %mul3A_1890 = arith.muli %and3A_1888, %mul3A_1889 : i32
      %multiple_of3A_1891 = tpu.assume_multiple %mul3A_1890, 16 : i32
      %get3A_1892 = arith.constant 1 : i32
      %get3A_1893 = arith.constant 15 : i32
      %get3A_1894 = arith.index_cast %get3A_1892 : i32 to index
      %get3A_1895 = arith.index_cast %get3A_1893 : i32 to index
      %get3A_1896 = arith.index_cast %multiple_of3A_1891 : i32 to index
      %get3A_1897 = tpu.vector_load %arg7[%get3A_1894, %get3A_1895, %get3A_1896] {strides = array<i32>} : memref<2x32x128xf32, #tpu.memory_space<vmem>>, vector<1x1x16xf32>,
      %get3A_1898 = vector.shape_cast %get3A_1897 : vector<1x1x16xf32> to vector<16xf32>
      %and3A_1899 = arith.constant 15 : i32
      %and3A_1900 = arith.andi %and3A_1884, %and3A_1899 : i32
      %broadcast_in_dim3A_1901 = vector.broadcast %and3A_1900 : i32 to vector<16xi32>
      %broadcast_in_dim3A_1902 = vector.shape_cast %broadcast_in_dim3A_1901 : vector<16xi32> to vector<16x1xi32>
      %gather3A_1903 = vector.shape_cast %broadcast_in_dim3A_1902 : vector<16x1xi32> to vector<16xi32>
      %gather3A_1904 = tpu.dynamic_gather %get3A_1898[%gather3A_1903] in [0] : vector<16xf32>, vector<16xi32> -> vector<16xf32>
      %eq3A_1905 = arith.constant 15 : i32
      %eq3A_1906 = vector.broadcast %eq3A_1905 : i32 to vector<16xi32>
      %eq3A_1907 = arith.cmpi eq, %iota3A, %eq3A_1906 : vector<16xi32>
      %select_n3A_1908 = arith.select %eq3A_1907, %gather3A_1904, %select_n3A_1796 : vector<16xi1>, vector<16xf32>
      %slice3A_1909 = vector.extract_strided_slice %get3A_125 {offsets = [15], sizes = [1], strides = [1]} : vector<16xi32> to vector<1xi32>
      %squeeze3A_1910 = vector.extract %slice3A_1909[0] : i32 from vector<1xi32>
      %and3A_1911 = arith.constant 1023 : i32
      %and3A_1912 = arith.andi %squeeze3A_1910, %and3A_1911 : i32
      %shift_right_arithmetic3A_1913 = arith.constant 4 : i32
      %shift_right_arithmetic3A_1914 = arith.shrsi %and3A_1912, %shift_right_arithmetic3A_1913 : i32
      %and3A_1915 = arith.constant 7 : i32
      %and3A_1916 = arith.andi %shift_right_arithmetic3A_1914, %and3A_1915 : i32
      %mul3A_1917 = arith.constant 16 : i32
      %mul3A_1918 = arith.muli %and3A_1916, %mul3A_1917 : i32
      %multiple_of3A_1919 = tpu.assume_multiple %mul3A_1918, 16 : i32
      %get3A_1920 = arith.constant 1 : i32
      %get3A_1921 = arith.constant 23 : i32
      %get3A_1922 = arith.index_cast %get3A_1920 : i32 to index
      %get3A_1923 = arith.index_cast %get3A_1921 : i32 to index
      %get3A_1924 = arith.index_cast %multiple_of3A_1919 : i32 to index
      %get3A_1925 = tpu.vector_load %arg7[%get3A_1922, %get3A_1923, %get3A_1924] {strides = array<i32>} : memref<2x32x128xf32, #tpu.memory_space<vmem>>, vector<1x1x16xf32>,
      %get3A_1926 = vector.shape_cast %get3A_1925 : vector<1x1x16xf32> to vector<16xf32>
      %and3A_1927 = arith.constant 15 : i32
      %and3A_1928 = arith.andi %and3A_1912, %and3A_1927 : i32
      %broadcast_in_dim3A_1929 = vector.broadcast %and3A_1928 : i32 to vector<16xi32>
      %broadcast_in_dim3A_1930 = vector.shape_cast %broadcast_in_dim3A_1929 : vector<16xi32> to vector<16x1xi32>
      %gather3A_1931 = vector.shape_cast %broadcast_in_dim3A_1930 : vector<16x1xi32> to vector<16xi32>
      %gather3A_1932 = tpu.dynamic_gather %get3A_1926[%gather3A_1931] in [0] : vector<16xf32>, vector<16xi32> -> vector<16xf32>
      %eq3A_1933 = arith.constant 15 : i32
      %eq3A_1934 = vector.broadcast %eq3A_1933 : i32 to vector<16xi32>
      %eq3A_1935 = arith.cmpi eq, %iota3A, %eq3A_1934 : vector<16xi32>
      %select_n3A_1936 = arith.select %eq3A_1935, %gather3A_1932, %select_n3A_1824 : vector<16xi1>, vector<16xf32>
      %slice3A_1937 = vector.extract_strided_slice %get3A_130 {offsets = [15], sizes = [1], strides = [1]} : vector<16xi32> to vector<1xi32>
      %squeeze3A_1938 = vector.extract %slice3A_1937[0] : i32 from vector<1xi32>
      %and3A_1939 = arith.constant 1023 : i32
      %and3A_1940 = arith.andi %squeeze3A_1938, %and3A_1939 : i32
      %shift_right_arithmetic3A_1941 = arith.constant 4 : i32
      %shift_right_arithmetic3A_1942 = arith.shrsi %and3A_1940, %shift_right_arithmetic3A_1941 : i32
      %and3A_1943 = arith.constant 7 : i32
      %and3A_1944 = arith.andi %shift_right_arithmetic3A_1942, %and3A_1943 : i32
      %mul3A_1945 = arith.constant 16 : i32
      %mul3A_1946 = arith.muli %and3A_1944, %mul3A_1945 : i32
      %multiple_of3A_1947 = tpu.assume_multiple %mul3A_1946, 16 : i32
      %get3A_1948 = arith.constant 1 : i32
      %get3A_1949 = arith.constant 31 : i32
      %get3A_1950 = arith.index_cast %get3A_1948 : i32 to index
      %get3A_1951 = arith.index_cast %get3A_1949 : i32 to index
      %get3A_1952 = arith.index_cast %multiple_of3A_1947 : i32 to index
      %get3A_1953 = tpu.vector_load %arg7[%get3A_1950, %get3A_1951, %get3A_1952] {strides = array<i32>} : memref<2x32x128xf32, #tpu.memory_space<vmem>>, vector<1x1x16xf32>,
      %get3A_1954 = vector.shape_cast %get3A_1953 : vector<1x1x16xf32> to vector<16xf32>
      %and3A_1955 = arith.constant 15 : i32
      %and3A_1956 = arith.andi %and3A_1940, %and3A_1955 : i32
      %broadcast_in_dim3A_1957 = vector.broadcast %and3A_1956 : i32 to vector<16xi32>
      %broadcast_in_dim3A_1958 = vector.shape_cast %broadcast_in_dim3A_1957 : vector<16xi32> to vector<16x1xi32>
      %gather3A_1959 = vector.shape_cast %broadcast_in_dim3A_1958 : vector<16x1xi32> to vector<16xi32>
      %gather3A_1960 = tpu.dynamic_gather %get3A_1954[%gather3A_1959] in [0] : vector<16xf32>, vector<16xi32> -> vector<16xf32>
      %eq3A_1961 = arith.constant 15 : i32
      %eq3A_1962 = vector.broadcast %eq3A_1961 : i32 to vector<16xi32>
      %eq3A_1963 = arith.cmpi eq, %iota3A, %eq3A_1962 : vector<16xi32>
      %select_n3A_1964 = arith.select %eq3A_1963, %gather3A_1960, %select_n3A_1852 : vector<16xi1>, vector<16xf32>
      %mul3A_1965 = arith.constant 16 : i32
      %mul3A_1966 = arith.muli %scan3A_98, %mul3A_1965 : i32
      %multiple_of3A_1967 = tpu.assume_multiple %mul3A_1966, 16 : i32
      %swap3A_1968 = arith.constant 0 : i32
      %swap3A_1969 = arith.index_cast %swap3A_1968 : i32 to index
      %swap3A_1970 = arith.index_cast %multiple_of3A_1967 : i32 to index
      %swap3A_1971 = tpu.vector_load %arg8[%swap3A_1969, %swap3A_1970] {strides = array<i32>} : memref<4x256xf32, #tpu.memory_space<vmem>>, vector<1x16xf32>,
      %swap3A_1972 = vector.shape_cast %swap3A_1971 : vector<1x16xf32> to vector<16xf32>
      %swap3A_1973 = vector.shape_cast %select_n3A_1880 : vector<16xf32> to vector<1x16xf32>
      tpu.vector_store %arg8[%swap3A_1969, %swap3A_1970], %swap3A_1973 {strides = array<i32>} : memref<4x256xf32, #tpu.memory_space<vmem>>, vector<1x16xf32>,
      %swap3A_1974 = arith.constant 1 : i32
      %swap3A_1975 = arith.index_cast %swap3A_1974 : i32 to index
      %swap3A_1976 = arith.index_cast %multiple_of3A_1967 : i32 to index
      %swap3A_1977 = tpu.vector_load %arg8[%swap3A_1975, %swap3A_1976] {strides = array<i32>} : memref<4x256xf32, #tpu.memory_space<vmem>>, vector<1x16xf32>,
      %swap3A_1978 = vector.shape_cast %swap3A_1977 : vector<1x16xf32> to vector<16xf32>
      %swap3A_1979 = vector.shape_cast %select_n3A_1908 : vector<16xf32> to vector<1x16xf32>
      tpu.vector_store %arg8[%swap3A_1975, %swap3A_1976], %swap3A_1979 {strides = array<i32>} : memref<4x256xf32, #tpu.memory_space<vmem>>, vector<1x16xf32>,
      %swap3A_1980 = arith.constant 2 : i32
      %swap3A_1981 = arith.index_cast %swap3A_1980 : i32 to index
      %swap3A_1982 = arith.index_cast %multiple_of3A_1967 : i32 to index
      %swap3A_1983 = tpu.vector_load %arg8[%swap3A_1981, %swap3A_1982] {strides = array<i32>} : memref<4x256xf32, #tpu.memory_space<vmem>>, vector<1x16xf32>,
      %swap3A_1984 = vector.shape_cast %swap3A_1983 : vector<1x16xf32> to vector<16xf32>
      %swap3A_1985 = vector.shape_cast %select_n3A_1936 : vector<16xf32> to vector<1x16xf32>
      tpu.vector_store %arg8[%swap3A_1981, %swap3A_1982], %swap3A_1985 {strides = array<i32>} : memref<4x256xf32, #tpu.memory_space<vmem>>, vector<1x16xf32>,
      %swap3A_1986 = arith.constant 3 : i32
      %swap3A_1987 = arith.index_cast %swap3A_1986 : i32 to index
      %swap3A_1988 = arith.index_cast %multiple_of3A_1967 : i32 to index
      %swap3A_1989 = tpu.vector_load %arg8[%swap3A_1987, %swap3A_1988] {strides = array<i32>} : memref<4x256xf32, #tpu.memory_space<vmem>>, vector<1x16xf32>,
      %swap3A_1990 = vector.shape_cast %swap3A_1989 : vector<1x16xf32> to vector<16xf32>
      %swap3A_1991 = vector.shape_cast %select_n3A_1964 : vector<16xf32> to vector<1x16xf32>
      tpu.vector_store %arg8[%swap3A_1987, %swap3A_1988], %swap3A_1991 {strides = array<i32>} : memref<4x256xf32, #tpu.memory_space<vmem>>, vector<1x16xf32>,
      %scan3A_1992 = arith.constant 0 : i32
      scf.yield %scan3A_1992 : i32
    }
    %scan3A_95 = arith.constant 16 : i32
    %mul3A_96 = arith.constant 256 : i32
    %mul3A_97 = arith.muli %add3A, %mul3A_96 : i32
    "tpu.region"() ({
      %run_scoped3A = tpu.sem_alloc : memref<!tpu.dma_semaphore, #tpu.memory_space<semaphore_mem>>
      %dma_start3A_98 = arith.constant 0 : i32
      %dma_start3A_99 = tpu.memref_slice %arg4[%dma_start3A_98, %mul3A_97] : memref<4x8192xf32, #tpu.memory_space<hbm>> -> memref<4x256xf32, #tpu.memory_space<hbm>>
      %dma_start3A_100 = arith.constant 0 : i32
      %dma_start3A_101 = tpu.memref_slice %arg4[%dma_start3A_100, %mul3A_97] : memref<4x8192xf32, #tpu.memory_space<hbm>> -> memref<4x256xf32, #tpu.memory_space<hbm>>
      tpu.enqueue_dma source(%arg8 : memref<4x256xf32, #tpu.memory_space<vmem>>) target(%dma_start3A_101 : memref<4x256xf32, #tpu.memory_space<hbm>>) target_semaphore(%run_scoped3A : memref<!tpu.dma_semaphore, #tpu.memory_space<semaphore_mem>>)
      %dma_wait3A = arith.constant 0 : i32
      %dma_wait3A_102 = tpu.memref_slice %arg4[%dma_wait3A, %mul3A_97] : memref<4x8192xf32, #tpu.memory_space<hbm>> -> memref<4x256xf32, #tpu.memory_space<hbm>>
      %dma_wait3A_103 = arith.constant 0 : i32
      %dma_wait3A_104 = tpu.memref_slice %arg4[%dma_wait3A_103, %mul3A_97] : memref<4x8192xf32, #tpu.memory_space<hbm>> -> memref<4x256xf32, #tpu.memory_space<hbm>>
      tpu.wait_dma2 semaphore(%run_scoped3A : memref<!tpu.dma_semaphore, #tpu.memory_space<semaphore_mem>>) src(%arg8 : memref<4x256xf32, #tpu.memory_space<vmem>>) dst(%dma_wait3A_104 : memref<4x256xf32, #tpu.memory_space<hbm>>)
      tpu.yield
    }) : () -> ()
    return
  }
}

module attributes {stable_mosaic.version = 14 : i64} {
  func.func @_tc1_body(%arg0: i32, %arg1: memref<1x1024x768xf32, #tpu.memory_space<vmem>>, %arg2: memref<768x768xf32, #tpu.memory_space<vmem>>, %arg3: memref<768x768xf32, #tpu.memory_space<vmem>>, %arg4: memref<8x768xf32, #tpu.memory_space<vmem>>, %arg5: memref<1x768xf32, #tpu.memory_space<vmem>>, %arg6: memref<1x768xf32, #tpu.memory_space<vmem>>, %arg7: memref<8x1xf32, #tpu.memory_space<vmem>>, %arg8: memref<8x1024x128xf32, #tpu.memory_space<vmem>>, %arg9: memref<4x1024xi32, #tpu.memory_space<vmem>>) attributes {dimension_semantics = [#tpu.dimension_semantics<arbitrary>], iteration_bounds = array<i64: 8>, scalar_prefetch = 0 : i64, scratch_operands = 0 : i64, tpu.core_type = #tpu.core_type<tc>, window_params = [{transform_indices = @transform_0, window_bounds = array<i64: 1, 1024, 768>}, {pipeline_mode = #tpu.pipeline_mode<synchronous>, transform_indices = @transform_1, window_bounds = array<i64: 768, 768>}, {pipeline_mode = #tpu.pipeline_mode<synchronous>, transform_indices = @transform_2, window_bounds = array<i64: 768, 768>}, {pipeline_mode = #tpu.pipeline_mode<synchronous>, transform_indices = @transform_3, window_bounds = array<i64: 8, 768>}, {pipeline_mode = #tpu.pipeline_mode<synchronous>, transform_indices = @transform_4, window_bounds = array<i64: 1, 768>}, {pipeline_mode = #tpu.pipeline_mode<synchronous>, transform_indices = @transform_5, window_bounds = array<i64: 1, 768>}, {pipeline_mode = #tpu.pipeline_mode<synchronous>, transform_indices = @transform_6, window_bounds = array<i64: 8, 1>}, {transform_indices = @transform_7, window_bounds = array<i64: 8, 1024, 128>}, {transform_indices = @transform_8, window_bounds = array<i64: 4, 1024>}]} {
    %get3A = arith.constant 0 : index
    %get3A_0 = arith.constant 0 : index
    %get3A_1 = arith.constant 0 : index
    %get3A_2 = vector.load %arg1[%get3A, %get3A_0, %get3A_1] : memref<1x1024x768xf32, #tpu.memory_space<vmem>>, vector<1x1024x768xf32>
    %get3A_3 = vector.shape_cast %get3A_2 : vector<1x1024x768xf32> to vector<1024x768xf32>
    %get3A_4 = arith.constant 0 : index
    %get3A_5 = arith.constant 0 : index
    %get3A_6 = vector.load %arg2[%get3A_4, %get3A_5] : memref<768x768xf32, #tpu.memory_space<vmem>>, vector<768x768xf32>
    %dot_general3A = arith.constant dense<0.000000e+00> : vector<1024x768xf32>
    %dot_general3A_7 = tpu.matmul %get3A_3, %get3A_6, %dot_general3A {dimension_numbers = #tpu.dot_dimension_numbers<[1], [1], [0], [0], [0, 0, 1, 0], [], []>, transpose_lhs_hint = false} : vector<1024x768xf32>, vector<768x768xf32>, vector<1024x768xf32> -> vector<1024x768xf32>
    %get3A_8 = arith.constant 0 : index
    %get3A_9 = arith.constant 0 : index
    %get3A_10 = vector.load %arg5[%get3A_8, %get3A_9] : memref<1x768xf32, #tpu.memory_space<vmem>>, vector<1x768xf32>
    %add3A = vector.broadcast %get3A_10 : vector<1x768xf32> to vector<1024x768xf32>
    %add3A_11 = arith.addf %dot_general3A_7, %add3A : vector<1024x768xf32>
    %convert_element_type3A = arith.truncf %get3A_3 : vector<1024x768xf32> to vector<1024x768xbf16>
    %get3A_12 = arith.constant 0 : index
    %get3A_13 = arith.constant 0 : index
    %get3A_14 = vector.load %arg3[%get3A_12, %get3A_13] : memref<768x768xf32, #tpu.memory_space<vmem>>, vector<768x768xf32>
    %convert_element_type3A_15 = arith.truncf %get3A_14 : vector<768x768xf32> to vector<768x768xbf16>
    %dot_general3A_16 = arith.constant dense<0.000000e+00> : vector<1024x768xf32>
    %dot_general3A_17 = tpu.matmul %convert_element_type3A, %convert_element_type3A_15, %dot_general3A_16 {dimension_numbers = #tpu.dot_dimension_numbers<[1], [1], [0], [0], [0, 0, 1, 0], [], []>, transpose_lhs_hint = false} : vector<1024x768xbf16>, vector<768x768xbf16>, vector<1024x768xf32> -> vector<1024x768xf32>
    %get3A_18 = arith.constant 0 : index
    %get3A_19 = arith.constant 0 : index
    %get3A_20 = vector.load %arg6[%get3A_18, %get3A_19] : memref<1x768xf32, #tpu.memory_space<vmem>>, vector<1x768xf32>
    %add3A_21 = vector.broadcast %get3A_20 : vector<1x768xf32> to vector<1024x768xf32>
    %add3A_22 = arith.addf %dot_general3A_17, %add3A_21 : vector<1024x768xf32>
    %convert_element_type3A_23 = arith.truncf %add3A_11 : vector<1024x768xf32> to vector<1024x768xbf16>
    %convert_element_type3A_24 = arith.truncf %add3A_22 : vector<1024x768xf32> to vector<1024x768xbf16>
    %dot_general3A_25 = arith.constant dense<0.000000e+00> : vector<1024x1024xf32>
    %dot_general3A_26 = tpu.matmul %convert_element_type3A_23, %convert_element_type3A_24, %dot_general3A_25 {dimension_numbers = #tpu.dot_dimension_numbers<[1], [1], [0], [0], [0, 0, 1, 0], [], []>, transpose_lhs_hint = false} : vector<1024x768xbf16>, vector<1024x768xbf16>, vector<1024x1024xf32> -> vector<1024x1024xf32>
    %slice3A = vector.extract_strided_slice %dot_general3A_26 {offsets = [0, 0], sizes = [1024, 128], strides = [1, 1]} : vector<1024x1024xf32> to vector<1024x128xf32>
    %swap3A = arith.constant 0 : index
    %swap3A_27 = arith.constant 0 : index
    %swap3A_28 = arith.constant 0 : index
    %swap3A_29 = vector.load %arg8[%swap3A, %swap3A_27, %swap3A_28] : memref<8x1024x128xf32, #tpu.memory_space<vmem>>, vector<1x1024x128xf32>
    %swap3A_30 = vector.shape_cast %swap3A_29 : vector<1x1024x128xf32> to vector<1024x128xf32>
    %swap3A_31 = vector.shape_cast %slice3A : vector<1024x128xf32> to vector<1x1024x128xf32>
    tpu.vector_store %arg8[%swap3A, %swap3A_27, %swap3A_28], %swap3A_31 {strides = array<i32>} : memref<8x1024x128xf32, #tpu.memory_space<vmem>>, vector<1x1024x128xf32>,
    %slice3A_32 = vector.extract_strided_slice %dot_general3A_26 {offsets = [0, 128], sizes = [1024, 128], strides = [1, 1]} : vector<1024x1024xf32> to vector<1024x128xf32>
    %swap3A_33 = arith.constant 1 : index
    %swap3A_34 = arith.constant 0 : index
    %swap3A_35 = arith.constant 0 : index
    %swap3A_36 = vector.load %arg8[%swap3A_33, %swap3A_34, %swap3A_35] : memref<8x1024x128xf32, #tpu.memory_space<vmem>>, vector<1x1024x128xf32>
    %swap3A_37 = vector.shape_cast %swap3A_36 : vector<1x1024x128xf32> to vector<1024x128xf32>
    %swap3A_38 = vector.shape_cast %slice3A_32 : vector<1024x128xf32> to vector<1x1024x128xf32>
    tpu.vector_store %arg8[%swap3A_33, %swap3A_34, %swap3A_35], %swap3A_38 {strides = array<i32>} : memref<8x1024x128xf32, #tpu.memory_space<vmem>>, vector<1x1024x128xf32>,
    %slice3A_39 = vector.extract_strided_slice %dot_general3A_26 {offsets = [0, 256], sizes = [1024, 128], strides = [1, 1]} : vector<1024x1024xf32> to vector<1024x128xf32>
    %swap3A_40 = arith.constant 2 : index
    %swap3A_41 = arith.constant 0 : index
    %swap3A_42 = arith.constant 0 : index
    %swap3A_43 = vector.load %arg8[%swap3A_40, %swap3A_41, %swap3A_42] : memref<8x1024x128xf32, #tpu.memory_space<vmem>>, vector<1x1024x128xf32>
    %swap3A_44 = vector.shape_cast %swap3A_43 : vector<1x1024x128xf32> to vector<1024x128xf32>
    %swap3A_45 = vector.shape_cast %slice3A_39 : vector<1024x128xf32> to vector<1x1024x128xf32>
    tpu.vector_store %arg8[%swap3A_40, %swap3A_41, %swap3A_42], %swap3A_45 {strides = array<i32>} : memref<8x1024x128xf32, #tpu.memory_space<vmem>>, vector<1x1024x128xf32>,
    %slice3A_46 = vector.extract_strided_slice %dot_general3A_26 {offsets = [0, 384], sizes = [1024, 128], strides = [1, 1]} : vector<1024x1024xf32> to vector<1024x128xf32>
    %swap3A_47 = arith.constant 3 : index
    %swap3A_48 = arith.constant 0 : index
    %swap3A_49 = arith.constant 0 : index
    %swap3A_50 = vector.load %arg8[%swap3A_47, %swap3A_48, %swap3A_49] : memref<8x1024x128xf32, #tpu.memory_space<vmem>>, vector<1x1024x128xf32>
    %swap3A_51 = vector.shape_cast %swap3A_50 : vector<1x1024x128xf32> to vector<1024x128xf32>
    %swap3A_52 = vector.shape_cast %slice3A_46 : vector<1024x128xf32> to vector<1x1024x128xf32>
    tpu.vector_store %arg8[%swap3A_47, %swap3A_48, %swap3A_49], %swap3A_52 {strides = array<i32>} : memref<8x1024x128xf32, #tpu.memory_space<vmem>>, vector<1x1024x128xf32>,
    %slice3A_53 = vector.extract_strided_slice %dot_general3A_26 {offsets = [0, 512], sizes = [1024, 128], strides = [1, 1]} : vector<1024x1024xf32> to vector<1024x128xf32>
    %swap3A_54 = arith.constant 4 : index
    %swap3A_55 = arith.constant 0 : index
    %swap3A_56 = arith.constant 0 : index
    %swap3A_57 = vector.load %arg8[%swap3A_54, %swap3A_55, %swap3A_56] : memref<8x1024x128xf32, #tpu.memory_space<vmem>>, vector<1x1024x128xf32>
    %swap3A_58 = vector.shape_cast %swap3A_57 : vector<1x1024x128xf32> to vector<1024x128xf32>
    %swap3A_59 = vector.shape_cast %slice3A_53 : vector<1024x128xf32> to vector<1x1024x128xf32>
    tpu.vector_store %arg8[%swap3A_54, %swap3A_55, %swap3A_56], %swap3A_59 {strides = array<i32>} : memref<8x1024x128xf32, #tpu.memory_space<vmem>>, vector<1x1024x128xf32>,
    %slice3A_60 = vector.extract_strided_slice %dot_general3A_26 {offsets = [0, 640], sizes = [1024, 128], strides = [1, 1]} : vector<1024x1024xf32> to vector<1024x128xf32>
    %swap3A_61 = arith.constant 5 : index
    %swap3A_62 = arith.constant 0 : index
    %swap3A_63 = arith.constant 0 : index
    %swap3A_64 = vector.load %arg8[%swap3A_61, %swap3A_62, %swap3A_63] : memref<8x1024x128xf32, #tpu.memory_space<vmem>>, vector<1x1024x128xf32>
    %swap3A_65 = vector.shape_cast %swap3A_64 : vector<1x1024x128xf32> to vector<1024x128xf32>
    %swap3A_66 = vector.shape_cast %slice3A_60 : vector<1024x128xf32> to vector<1x1024x128xf32>
    tpu.vector_store %arg8[%swap3A_61, %swap3A_62, %swap3A_63], %swap3A_66 {strides = array<i32>} : memref<8x1024x128xf32, #tpu.memory_space<vmem>>, vector<1x1024x128xf32>,
    %slice3A_67 = vector.extract_strided_slice %dot_general3A_26 {offsets = [0, 768], sizes = [1024, 128], strides = [1, 1]} : vector<1024x1024xf32> to vector<1024x128xf32>
    %swap3A_68 = arith.constant 6 : index
    %swap3A_69 = arith.constant 0 : index
    %swap3A_70 = arith.constant 0 : index
    %swap3A_71 = vector.load %arg8[%swap3A_68, %swap3A_69, %swap3A_70] : memref<8x1024x128xf32, #tpu.memory_space<vmem>>, vector<1x1024x128xf32>
    %swap3A_72 = vector.shape_cast %swap3A_71 : vector<1x1024x128xf32> to vector<1024x128xf32>
    %swap3A_73 = vector.shape_cast %slice3A_67 : vector<1024x128xf32> to vector<1x1024x128xf32>
    tpu.vector_store %arg8[%swap3A_68, %swap3A_69, %swap3A_70], %swap3A_73 {strides = array<i32>} : memref<8x1024x128xf32, #tpu.memory_space<vmem>>, vector<1x1024x128xf32>,
    %slice3A_74 = vector.extract_strided_slice %dot_general3A_26 {offsets = [0, 896], sizes = [1024, 128], strides = [1, 1]} : vector<1024x1024xf32> to vector<1024x128xf32>
    %swap3A_75 = arith.constant 7 : index
    %swap3A_76 = arith.constant 0 : index
    %swap3A_77 = arith.constant 0 : index
    %swap3A_78 = vector.load %arg8[%swap3A_75, %swap3A_76, %swap3A_77] : memref<8x1024x128xf32, #tpu.memory_space<vmem>>, vector<1x1024x128xf32>
    %swap3A_79 = vector.shape_cast %swap3A_78 : vector<1x1024x128xf32> to vector<1024x128xf32>
    %swap3A_80 = vector.shape_cast %slice3A_74 : vector<1024x128xf32> to vector<1x1024x128xf32>
    tpu.vector_store %arg8[%swap3A_75, %swap3A_76, %swap3A_77], %swap3A_80 {strides = array<i32>} : memref<8x1024x128xf32, #tpu.memory_space<vmem>>, vector<1x1024x128xf32>,
    %get3A_81 = arith.constant 0 : index
    %get3A_82 = arith.constant 0 : index
    %get3A_83 = vector.load %arg4[%get3A_81, %get3A_82] : memref<8x768xf32, #tpu.memory_space<vmem>>, vector<8x768xf32>
    %dot_general3A_84 = arith.constant dense<0.000000e+00> : vector<8x1024xf32>
    %dot_general3A_85 = tpu.matmul %get3A_83, %add3A_11, %dot_general3A_84 {dimension_numbers = #tpu.dot_dimension_numbers<[1], [1], [0], [0], [0, 0, 1, 0], [], []>, transpose_lhs_hint = false} : vector<8x768xf32>, vector<1024x768xf32>, vector<8x1024xf32> -> vector<8x1024xf32>
    %get3A_86 = arith.constant 0 : index
    %get3A_87 = arith.constant 0 : index
    %get3A_88 = vector.load %arg7[%get3A_86, %get3A_87] : memref<8x1xf32, #tpu.memory_space<vmem>>, vector<8x1xf32>
    %add3A_89 = vector.broadcast %get3A_88 : vector<8x1xf32> to vector<8x1024xf32>
    %add3A_90 = arith.addf %dot_general3A_85, %add3A_89 : vector<8x1024xf32>
    %iota3A = tpu.iota {dimensions = array<i32: 1>} : vector<1x1024xi32>
    %jit3A = arith.constant 32 : i32
    %div3A = vector.broadcast %jit3A : i32 to vector<1x1024xi32>
    %div3A_91 = arith.divsi %iota3A, %div3A : vector<1x1024xi32>
    %sign3A = arith.constant 0 : i32
    %sign3A_92 = vector.broadcast %sign3A : i32 to vector<1x1024xi32>
    %sign3A_93 = arith.cmpi sgt, %iota3A, %sign3A_92 : vector<1x1024xi32>
    %sign3A_94 = arith.extui %sign3A_93 : vector<1x1024xi1> to vector<1x1024xi32>
    %sign3A_95 = arith.constant 0 : i32
    %sign3A_96 = vector.broadcast %sign3A_95 : i32 to vector<1x1024xi32>
    %sign3A_97 = arith.cmpi slt, %iota3A, %sign3A_96 : vector<1x1024xi32>
    %sign3A_98 = arith.extui %sign3A_97 : vector<1x1024xi1> to vector<1x1024xi32>
    %sign3A_99 = arith.subi %sign3A_94, %sign3A_98 : vector<1x1024xi32>
    %sign3A_100 = arith.constant 0 : i32
    %sign3A_101 = arith.cmpi sgt, %jit3A, %sign3A_100 : i32
    %sign3A_102 = arith.extui %sign3A_101 : i1 to i32
    %sign3A_103 = arith.constant 0 : i32
    %sign3A_104 = arith.cmpi slt, %jit3A, %sign3A_103 : i32
    %sign3A_105 = arith.extui %sign3A_104 : i1 to i32
    %sign3A_106 = arith.subi %sign3A_102, %sign3A_105 : i32
    %ne3A = vector.broadcast %sign3A_106 : i32 to vector<1x1024xi32>
    %ne3A_107 = arith.cmpi ne, %sign3A_99, %ne3A : vector<1x1024xi32>
    %rem3A = vector.broadcast %jit3A : i32 to vector<1x1024xi32>
    %rem3A_108 = arith.remsi %iota3A, %rem3A : vector<1x1024xi32>
    %ne3A_109 = arith.constant 0 : i32
    %ne3A_110 = vector.broadcast %ne3A_109 : i32 to vector<1x1024xi32>
    %ne3A_111 = arith.cmpi ne, %rem3A_108, %ne3A_110 : vector<1x1024xi32>
    %and3A = arith.andi %ne3A_107, %ne3A_111 : vector<1x1024xi1>
    %sub3A = arith.constant 1 : i32
    %sub3A_112 = vector.broadcast %sub3A : i32 to vector<1x1024xi32>
    %sub3A_113 = arith.subi %div3A_91, %sub3A_112 : vector<1x1024xi32>
    %select_n3A = arith.select %and3A, %sub3A_113, %div3A_91 : vector<1x1024xi1>, vector<1x1024xi32>
    %convert_element_type3A_114 = arith.sitofp %select_n3A : vector<1x1024xi32> to vector<1x1024xf32>
    %jit3A_115 = arith.constant 32 : i32
    %eq3A = arith.constant 0 : i32
    %eq3A_116 = arith.cmpi eq, %jit3A_115, %eq3A : i32
    %jit3A_117 = arith.constant 1 : i32
    %select_n3A_118 = arith.select %eq3A_116, %jit3A_117, %jit3A_115 : i32
    %rem3A_119 = vector.broadcast %select_n3A_118 : i32 to vector<1x1024xi32>
    %rem3A_120 = arith.remsi %iota3A, %rem3A_119 : vector<1x1024xi32>
    %ne3A_121 = arith.constant 0 : i32
    %ne3A_122 = vector.broadcast %ne3A_121 : i32 to vector<1x1024xi32>
    %ne3A_123 = arith.cmpi ne, %rem3A_120, %ne3A_122 : vector<1x1024xi32>
    %lt3A = arith.constant 0 : i32
    %lt3A_124 = vector.broadcast %lt3A : i32 to vector<1x1024xi32>
    %lt3A_125 = arith.cmpi slt, %rem3A_120, %lt3A_124 : vector<1x1024xi32>
    %lt3A_126 = arith.constant 0 : i32
    %lt3A_127 = arith.cmpi slt, %select_n3A_118, %lt3A_126 : i32
    %ne3A_128 = vector.broadcast %lt3A_127 : i1 to vector<1x1024xi1>
    %ne3A_129 = vector.broadcast %ne3A_128 : vector<1x1024xi1> to vector<1x1024xi1>
    %ne3A_130 = arith.xori %lt3A_125, %ne3A_129 : vector<1x1024xi1>
    %and3A_131 = arith.andi %ne3A_130, %ne3A_123 : vector<1x1024xi1>
    %add3A_132 = vector.broadcast %select_n3A_118 : i32 to vector<1x1024xi32>
    %add3A_133 = arith.addi %rem3A_120, %add3A_132 : vector<1x1024xi32>
    %select_n3A_134 = arith.select %and3A_131, %add3A_133, %rem3A_120 : vector<1x1024xi1>, vector<1x1024xi32>
    %convert_element_type3A_135 = arith.sitofp %select_n3A_134 : vector<1x1024xi32> to vector<1x1024xf32>
    %slice3A_136 = vector.extract_strided_slice %add3A_90 {offsets = [0, 0], sizes = [1, 1024], strides = [1, 1]} : vector<8x1024xf32> to vector<1x1024xf32>
    %add3A_137 = arith.addf %convert_element_type3A_135, %slice3A_136 : vector<1x1024xf32>
    %jit3A_138 = arith.constant 0.000000e+00 : f32
    %jit3A_139 = arith.constant 3.100000e+01 : f32
    %max3A = vector.broadcast %jit3A_138 : f32 to vector<1x1024xf32>
    %max3A_140 = arith.maximumf %max3A, %add3A_137 : vector<1x1024xf32>
    %min3A = vector.broadcast %jit3A_139 : f32 to vector<1x1024xf32>
    %min3A_141 = arith.minimumf %min3A, %max3A_140 : vector<1x1024xf32>
    %floor3A = math.floor %min3A_141 : vector<1x1024xf32>
    %slice3A_142 = vector.extract_strided_slice %add3A_90 {offsets = [1, 0], sizes = [1, 1024], strides = [1, 1]} : vector<8x1024xf32> to vector<1x1024xf32>
    %add3A_143 = arith.addf %convert_element_type3A_114, %slice3A_142 : vector<1x1024xf32>
    %jit3A_144 = arith.constant 0.000000e+00 : f32
    %jit3A_145 = arith.constant 3.100000e+01 : f32
    %max3A_146 = vector.broadcast %jit3A_144 : f32 to vector<1x1024xf32>
    %max3A_147 = arith.maximumf %max3A_146, %add3A_143 : vector<1x1024xf32>
    %min3A_148 = vector.broadcast %jit3A_145 : f32 to vector<1x1024xf32>
    %min3A_149 = arith.minimumf %min3A_148, %max3A_147 : vector<1x1024xf32>
    %floor3A_150 = math.floor %min3A_149 : vector<1x1024xf32>
    %mul3A = arith.constant 1024 : i32
    %mul3A_151 = arith.muli %arg0, %mul3A : i32
    %convert_element_type3A_152 = arith.fptosi %floor3A_150 : vector<1x1024xf32> to vector<1x1024xi32>
    %mul3A_153 = arith.constant 32 : i32
    %mul3A_154 = vector.broadcast %mul3A_153 : i32 to vector<1x1024xi32>
    %mul3A_155 = arith.muli %convert_element_type3A_152, %mul3A_154 : vector<1x1024xi32>
    %add3A_156 = vector.broadcast %mul3A_151 : i32 to vector<1x1024xi32>
    %add3A_157 = arith.addi %add3A_156, %mul3A_155 : vector<1x1024xi32>
    %convert_element_type3A_158 = arith.fptosi %floor3A : vector<1x1024xf32> to vector<1x1024xi32>
    %add3A_159 = arith.addi %add3A_157, %convert_element_type3A_158 : vector<1x1024xi32>
    %swap3A_160 = arith.constant 0 : index
    %swap3A_161 = arith.constant 0 : index
    %swap3A_162 = vector.load %arg9[%swap3A_160, %swap3A_161] : memref<4x1024xi32, #tpu.memory_space<vmem>>, vector<1x1024xi32>
    tpu.vector_store %arg9[%swap3A_160, %swap3A_161], %add3A_159 {strides = array<i32>} : memref<4x1024xi32, #tpu.memory_space<vmem>>, vector<1x1024xi32>,
    %slice3A_163 = vector.extract_strided_slice %add3A_90 {offsets = [2, 0], sizes = [1, 1024], strides = [1, 1]} : vector<8x1024xf32> to vector<1x1024xf32>
    %add3A_164 = arith.addf %convert_element_type3A_135, %slice3A_163 : vector<1x1024xf32>
    %jit3A_165 = arith.constant 0.000000e+00 : f32
    %jit3A_166 = arith.constant 3.100000e+01 : f32
    %max3A_167 = vector.broadcast %jit3A_165 : f32 to vector<1x1024xf32>
    %max3A_168 = arith.maximumf %max3A_167, %add3A_164 : vector<1x1024xf32>
    %min3A_169 = vector.broadcast %jit3A_166 : f32 to vector<1x1024xf32>
    %min3A_170 = arith.minimumf %min3A_169, %max3A_168 : vector<1x1024xf32>
    %floor3A_171 = math.floor %min3A_170 : vector<1x1024xf32>
    %slice3A_172 = vector.extract_strided_slice %add3A_90 {offsets = [3, 0], sizes = [1, 1024], strides = [1, 1]} : vector<8x1024xf32> to vector<1x1024xf32>
    %add3A_173 = arith.addf %convert_element_type3A_114, %slice3A_172 : vector<1x1024xf32>
    %jit3A_174 = arith.constant 0.000000e+00 : f32
    %jit3A_175 = arith.constant 3.100000e+01 : f32
    %max3A_176 = vector.broadcast %jit3A_174 : f32 to vector<1x1024xf32>
    %max3A_177 = arith.maximumf %max3A_176, %add3A_173 : vector<1x1024xf32>
    %min3A_178 = vector.broadcast %jit3A_175 : f32 to vector<1x1024xf32>
    %min3A_179 = arith.minimumf %min3A_178, %max3A_177 : vector<1x1024xf32>
    %floor3A_180 = math.floor %min3A_179 : vector<1x1024xf32>
    %mul3A_181 = arith.constant 1024 : i32
    %mul3A_182 = arith.muli %arg0, %mul3A_181 : i32
    %convert_element_type3A_183 = arith.fptosi %floor3A_180 : vector<1x1024xf32> to vector<1x1024xi32>
    %mul3A_184 = arith.constant 32 : i32
    %mul3A_185 = vector.broadcast %mul3A_184 : i32 to vector<1x1024xi32>
    %mul3A_186 = arith.muli %convert_element_type3A_183, %mul3A_185 : vector<1x1024xi32>
    %add3A_187 = vector.broadcast %mul3A_182 : i32 to vector<1x1024xi32>
    %add3A_188 = arith.addi %add3A_187, %mul3A_186 : vector<1x1024xi32>
    %convert_element_type3A_189 = arith.fptosi %floor3A_171 : vector<1x1024xf32> to vector<1x1024xi32>
    %add3A_190 = arith.addi %add3A_188, %convert_element_type3A_189 : vector<1x1024xi32>
    %swap3A_191 = arith.constant 1 : index
    %swap3A_192 = arith.constant 0 : index
    %swap3A_193 = vector.load %arg9[%swap3A_191, %swap3A_192] : memref<4x1024xi32, #tpu.memory_space<vmem>>, vector<1x1024xi32>
    tpu.vector_store %arg9[%swap3A_191, %swap3A_192], %add3A_190 {strides = array<i32>} : memref<4x1024xi32, #tpu.memory_space<vmem>>, vector<1x1024xi32>,
    %slice3A_194 = vector.extract_strided_slice %add3A_90 {offsets = [4, 0], sizes = [1, 1024], strides = [1, 1]} : vector<8x1024xf32> to vector<1x1024xf32>
    %add3A_195 = arith.addf %convert_element_type3A_135, %slice3A_194 : vector<1x1024xf32>
    %jit3A_196 = arith.constant 0.000000e+00 : f32
    %jit3A_197 = arith.constant 3.100000e+01 : f32
    %max3A_198 = vector.broadcast %jit3A_196 : f32 to vector<1x1024xf32>
    %max3A_199 = arith.maximumf %max3A_198, %add3A_195 : vector<1x1024xf32>
    %min3A_200 = vector.broadcast %jit3A_197 : f32 to vector<1x1024xf32>
    %min3A_201 = arith.minimumf %min3A_200, %max3A_199 : vector<1x1024xf32>
    %floor3A_202 = math.floor %min3A_201 : vector<1x1024xf32>
    %slice3A_203 = vector.extract_strided_slice %add3A_90 {offsets = [5, 0], sizes = [1, 1024], strides = [1, 1]} : vector<8x1024xf32> to vector<1x1024xf32>
    %add3A_204 = arith.addf %convert_element_type3A_114, %slice3A_203 : vector<1x1024xf32>
    %jit3A_205 = arith.constant 0.000000e+00 : f32
    %jit3A_206 = arith.constant 3.100000e+01 : f32
    %max3A_207 = vector.broadcast %jit3A_205 : f32 to vector<1x1024xf32>
    %max3A_208 = arith.maximumf %max3A_207, %add3A_204 : vector<1x1024xf32>
    %min3A_209 = vector.broadcast %jit3A_206 : f32 to vector<1x1024xf32>
    %min3A_210 = arith.minimumf %min3A_209, %max3A_208 : vector<1x1024xf32>
    %floor3A_211 = math.floor %min3A_210 : vector<1x1024xf32>
    %mul3A_212 = arith.constant 1024 : i32
    %mul3A_213 = arith.muli %arg0, %mul3A_212 : i32
    %convert_element_type3A_214 = arith.fptosi %floor3A_211 : vector<1x1024xf32> to vector<1x1024xi32>
    %mul3A_215 = arith.constant 32 : i32
    %mul3A_216 = vector.broadcast %mul3A_215 : i32 to vector<1x1024xi32>
    %mul3A_217 = arith.muli %convert_element_type3A_214, %mul3A_216 : vector<1x1024xi32>
    %add3A_218 = vector.broadcast %mul3A_213 : i32 to vector<1x1024xi32>
    %add3A_219 = arith.addi %add3A_218, %mul3A_217 : vector<1x1024xi32>
    %convert_element_type3A_220 = arith.fptosi %floor3A_202 : vector<1x1024xf32> to vector<1x1024xi32>
    %add3A_221 = arith.addi %add3A_219, %convert_element_type3A_220 : vector<1x1024xi32>
    %swap3A_222 = arith.constant 2 : index
    %swap3A_223 = arith.constant 0 : index
    %swap3A_224 = vector.load %arg9[%swap3A_222, %swap3A_223] : memref<4x1024xi32, #tpu.memory_space<vmem>>, vector<1x1024xi32>
    tpu.vector_store %arg9[%swap3A_222, %swap3A_223], %add3A_221 {strides = array<i32>} : memref<4x1024xi32, #tpu.memory_space<vmem>>, vector<1x1024xi32>,
    %slice3A_225 = vector.extract_strided_slice %add3A_90 {offsets = [6, 0], sizes = [1, 1024], strides = [1, 1]} : vector<8x1024xf32> to vector<1x1024xf32>
    %add3A_226 = arith.addf %convert_element_type3A_135, %slice3A_225 : vector<1x1024xf32>
    %jit3A_227 = arith.constant 0.000000e+00 : f32
    %jit3A_228 = arith.constant 3.100000e+01 : f32
    %max3A_229 = vector.broadcast %jit3A_227 : f32 to vector<1x1024xf32>
    %max3A_230 = arith.maximumf %max3A_229, %add3A_226 : vector<1x1024xf32>
    %min3A_231 = vector.broadcast %jit3A_228 : f32 to vector<1x1024xf32>
    %min3A_232 = arith.minimumf %min3A_231, %max3A_230 : vector<1x1024xf32>
    %floor3A_233 = math.floor %min3A_232 : vector<1x1024xf32>
    %slice3A_234 = vector.extract_strided_slice %add3A_90 {offsets = [7, 0], sizes = [1, 1024], strides = [1, 1]} : vector<8x1024xf32> to vector<1x1024xf32>
    %add3A_235 = arith.addf %convert_element_type3A_114, %slice3A_234 : vector<1x1024xf32>
    %jit3A_236 = arith.constant 0.000000e+00 : f32
    %jit3A_237 = arith.constant 3.100000e+01 : f32
    %max3A_238 = vector.broadcast %jit3A_236 : f32 to vector<1x1024xf32>
    %max3A_239 = arith.maximumf %max3A_238, %add3A_235 : vector<1x1024xf32>
    %min3A_240 = vector.broadcast %jit3A_237 : f32 to vector<1x1024xf32>
    %min3A_241 = arith.minimumf %min3A_240, %max3A_239 : vector<1x1024xf32>
    %floor3A_242 = math.floor %min3A_241 : vector<1x1024xf32>
    %mul3A_243 = arith.constant 1024 : i32
    %mul3A_244 = arith.muli %arg0, %mul3A_243 : i32
    %convert_element_type3A_245 = arith.fptosi %floor3A_242 : vector<1x1024xf32> to vector<1x1024xi32>
    %mul3A_246 = arith.constant 32 : i32
    %mul3A_247 = vector.broadcast %mul3A_246 : i32 to vector<1x1024xi32>
    %mul3A_248 = arith.muli %convert_element_type3A_245, %mul3A_247 : vector<1x1024xi32>
    %add3A_249 = vector.broadcast %mul3A_244 : i32 to vector<1x1024xi32>
    %add3A_250 = arith.addi %add3A_249, %mul3A_248 : vector<1x1024xi32>
    %convert_element_type3A_251 = arith.fptosi %floor3A_233 : vector<1x1024xf32> to vector<1x1024xi32>
    %add3A_252 = arith.addi %add3A_250, %convert_element_type3A_251 : vector<1x1024xi32>
    %swap3A_253 = arith.constant 3 : index
    %swap3A_254 = arith.constant 0 : index
    %swap3A_255 = vector.load %arg9[%swap3A_253, %swap3A_254] : memref<4x1024xi32, #tpu.memory_space<vmem>>, vector<1x1024xi32>
    tpu.vector_store %arg9[%swap3A_253, %swap3A_254], %add3A_252 {strides = array<i32>} : memref<4x1024xi32, #tpu.memory_space<vmem>>, vector<1x1024xi32>,
    return
  }
  func.func @transform_0(%arg0: i32) -> (i32, i32, i32) {
    %c0_i32 = arith.constant 0 : i32
    %c0_i32_0 = arith.constant 0 : i32
    %c0_i32_1 = arith.constant 0 : i32
    return %arg0, %c0_i32, %c0_i32_0 : i32, i32, i32
  }
  func.func @transform_1(%arg0: i32) -> (i32, i32) {
    %c0_i32 = arith.constant 0 : i32
    %c0_i32_0 = arith.constant 0 : i32
    %c0_i32_1 = arith.constant 0 : i32
    return %c0_i32, %c0_i32_0 : i32, i32
  }
  func.func @transform_2(%arg0: i32) -> (i32, i32) {
    %c0_i32 = arith.constant 0 : i32
    %c0_i32_0 = arith.constant 0 : i32
    %c0_i32_1 = arith.constant 0 : i32
    return %c0_i32, %c0_i32_0 : i32, i32
  }
  func.func @transform_3(%arg0: i32) -> (i32, i32) {
    %c0_i32 = arith.constant 0 : i32
    %c0_i32_0 = arith.constant 0 : i32
    %c0_i32_1 = arith.constant 0 : i32
    return %c0_i32, %c0_i32_0 : i32, i32
  }
  func.func @transform_4(%arg0: i32) -> (i32, i32) {
    %c0_i32 = arith.constant 0 : i32
    %c0_i32_0 = arith.constant 0 : i32
    %c0_i32_1 = arith.constant 0 : i32
    return %c0_i32, %c0_i32_0 : i32, i32
  }
  func.func @transform_5(%arg0: i32) -> (i32, i32) {
    %c0_i32 = arith.constant 0 : i32
    %c0_i32_0 = arith.constant 0 : i32
    %c0_i32_1 = arith.constant 0 : i32
    return %c0_i32, %c0_i32_0 : i32, i32
  }
  func.func @transform_6(%arg0: i32) -> (i32, i32) {
    %c0_i32 = arith.constant 0 : i32
    %c0_i32_0 = arith.constant 0 : i32
    %c0_i32_1 = arith.constant 0 : i32
    return %c0_i32, %c0_i32_0 : i32, i32
  }
  func.func @transform_7(%arg0: i32) -> (i32, i32, i32) {
    %c0_i32 = arith.constant 0 : i32
    %c0_i32_0 = arith.constant 0 : i32
    %c0_i32_1 = arith.constant 0 : i32
    return %c0_i32, %arg0, %c0_i32_0 : i32, i32, i32
  }
  func.func @transform_8(%arg0: i32) -> (i32, i32) {
    %c0_i32 = arith.constant 0 : i32
    %c0_i32_0 = arith.constant 0 : i32
    return %c0_i32, %arg0 : i32, i32
  }
}

module attributes {stable_mosaic.version = 14 : i64} {
  func.func @_tc2_body(%arg0: i32, %arg1: memref<1x1024x768xf32, #tpu.memory_space<vmem>>, %arg2: memref<768x768xf32, #tpu.memory_space<vmem>>, %arg3: memref<1x768xf32, #tpu.memory_space<vmem>>, %arg4: memref<4x1024xi32, #tpu.memory_space<vmem>>, %arg5: memref<4x1024xf32, #tpu.memory_space<vmem>>, %arg6: memref<1x1024x768xf32, #tpu.memory_space<vmem>>) attributes {dimension_semantics = [#tpu.dimension_semantics<arbitrary>], iteration_bounds = array<i64: 8>, scalar_prefetch = 0 : i64, scratch_operands = 0 : i64, tpu.core_type = #tpu.core_type<tc>, window_params = [{transform_indices = @transform_0, window_bounds = array<i64: 1, 1024, 768>}, {pipeline_mode = #tpu.pipeline_mode<synchronous>, transform_indices = @transform_1, window_bounds = array<i64: 768, 768>}, {pipeline_mode = #tpu.pipeline_mode<synchronous>, transform_indices = @transform_2, window_bounds = array<i64: 1, 768>}, {transform_indices = @transform_3, window_bounds = array<i64: 4, 1024>}, {transform_indices = @transform_4, window_bounds = array<i64: 4, 1024>}, {transform_indices = @transform_5, window_bounds = array<i64: 1, 1024, 768>}]} {
    %get3A = arith.constant 0 : index
    %get3A_0 = arith.constant 0 : index
    %get3A_1 = arith.constant 0 : index
    %get3A_2 = vector.load %arg1[%get3A, %get3A_0, %get3A_1] : memref<1x1024x768xf32, #tpu.memory_space<vmem>>, vector<1x1024x768xf32>
    %get3A_3 = vector.shape_cast %get3A_2 : vector<1x1024x768xf32> to vector<1024x768xf32>
    %convert_element_type3A = arith.truncf %get3A_3 : vector<1024x768xf32> to vector<1024x768xbf16>
    %get3A_4 = arith.constant 0 : index
    %get3A_5 = arith.constant 0 : index
    %get3A_6 = vector.load %arg2[%get3A_4, %get3A_5] : memref<768x768xf32, #tpu.memory_space<vmem>>, vector<768x768xf32>
    %convert_element_type3A_7 = arith.truncf %get3A_6 : vector<768x768xf32> to vector<768x768xbf16>
    %dot_general3A = arith.constant dense<0.000000e+00> : vector<1024x768xf32>
    %dot_general3A_8 = tpu.matmul %convert_element_type3A, %convert_element_type3A_7, %dot_general3A {dimension_numbers = #tpu.dot_dimension_numbers<[1], [1], [0], [0], [0, 0, 1, 0], [], []>, transpose_lhs_hint = false} : vector<1024x768xbf16>, vector<768x768xbf16>, vector<1024x768xf32> -> vector<1024x768xf32>
    %get3A_9 = arith.constant 0 : index
    %get3A_10 = arith.constant 0 : index
    %get3A_11 = vector.load %arg3[%get3A_9, %get3A_10] : memref<1x768xf32, #tpu.memory_space<vmem>>, vector<1x768xf32>
    %add3A = vector.broadcast %get3A_11 : vector<1x768xf32> to vector<1024x768xf32>
    %add3A_12 = arith.addf %dot_general3A_8, %add3A : vector<1024x768xf32>
    %get3A_13 = arith.constant 0 : index
    %get3A_14 = arith.constant 0 : index
    %get3A_15 = vector.load %arg5[%get3A_13, %get3A_14] : memref<4x1024xf32, #tpu.memory_space<vmem>>, vector<4x1024xf32>
    %neg3A = arith.constant 0.000000e+00 : f32
    %neg3A_16 = vector.broadcast %neg3A : f32 to vector<4x1024xf32>
    %neg3A_17 = arith.subf %neg3A_16, %get3A_15 : vector<4x1024xf32>
    %mul3A = arith.constant 0.0360843912 : f32
    %mul3A_18 = vector.broadcast %mul3A : f32 to vector<4x1024xf32>
    %mul3A_19 = arith.mulf %neg3A_17, %mul3A_18 : vector<4x1024xf32>
    %exp3A = math.exp %mul3A_19 : vector<4x1024xf32>
    %add3A_20 = arith.constant 1.000000e+00 : f32
    %add3A_21 = vector.broadcast %add3A_20 : f32 to vector<4x1024xf32>
    %add3A_22 = arith.addf %add3A_21, %exp3A : vector<4x1024xf32>
    %div3A = arith.constant 1.000000e+00 : f32
    %div3A_23 = vector.broadcast %div3A : f32 to vector<4x1024xf32>
    %div3A_24 = arith.divf %div3A_23, %add3A_22 : vector<4x1024xf32>
    %get3A_25 = arith.constant 0 : index
    %get3A_26 = arith.constant 0 : index
    %get3A_27 = vector.load %arg4[%get3A_25, %get3A_26] : memref<4x1024xi32, #tpu.memory_space<vmem>>, vector<4x1024xi32>
    %and3A = arith.constant 1023 : i32
    %and3A_28 = vector.broadcast %and3A : i32 to vector<4x1024xi32>
    %and3A_29 = arith.andi %get3A_27, %and3A_28 : vector<4x1024xi32>
    %iota3A = tpu.iota {dimensions = array<i32: 0>} : vector<1024x1xi32>
    %slice3A = vector.extract_strided_slice %and3A_29 {offsets = [0, 0], sizes = [1, 1024], strides = [1, 1]} : vector<4x1024xi32> to vector<1x1024xi32>
    %eq3A = vector.broadcast %iota3A : vector<1024x1xi32> to vector<1024x1024xi32>
    %eq3A_30 = vector.broadcast %slice3A : vector<1x1024xi32> to vector<1024x1024xi32>
    %eq3A_31 = arith.cmpi eq, %eq3A, %eq3A_30 : vector<1024x1024xi32>
    %slice3A_32 = vector.extract_strided_slice %div3A_24 {offsets = [0, 0], sizes = [1, 1024], strides = [1, 1]} : vector<4x1024xf32> to vector<1x1024xf32>
    %jit3A = arith.constant 0.000000e+00 : f32
    %broadcast_in_dim3A = vector.shape_cast %slice3A_32 : vector<1x1024xf32> to vector<1x1024xf32>
    %broadcast_in_dim3A_33 = vector.broadcast %broadcast_in_dim3A : vector<1x1024xf32> to vector<1024x1024xf32>
    %broadcast_in_dim3A_34 = vector.broadcast %jit3A : f32 to vector<1024x1024xf32>
    %select_n3A = arith.select %eq3A_31, %broadcast_in_dim3A_33, %broadcast_in_dim3A_34 : vector<1024x1024xi1>, vector<1024x1024xf32>
    %convert_element_type3A_35 = arith.truncf %select_n3A : vector<1024x1024xf32> to vector<1024x1024xbf16>
    %slice3A_36 = vector.extract_strided_slice %and3A_29 {offsets = [1, 0], sizes = [1, 1024], strides = [1, 1]} : vector<4x1024xi32> to vector<1x1024xi32>
    %eq3A_37 = vector.broadcast %iota3A : vector<1024x1xi32> to vector<1024x1024xi32>
    %eq3A_38 = vector.broadcast %slice3A_36 : vector<1x1024xi32> to vector<1024x1024xi32>
    %eq3A_39 = arith.cmpi eq, %eq3A_37, %eq3A_38 : vector<1024x1024xi32>
    %slice3A_40 = vector.extract_strided_slice %div3A_24 {offsets = [1, 0], sizes = [1, 1024], strides = [1, 1]} : vector<4x1024xf32> to vector<1x1024xf32>
    %jit3A_41 = arith.constant 0.000000e+00 : f32
    %broadcast_in_dim3A_42 = vector.shape_cast %slice3A_40 : vector<1x1024xf32> to vector<1x1024xf32>
    %broadcast_in_dim3A_43 = vector.broadcast %broadcast_in_dim3A_42 : vector<1x1024xf32> to vector<1024x1024xf32>
    %broadcast_in_dim3A_44 = vector.broadcast %jit3A_41 : f32 to vector<1024x1024xf32>
    %select_n3A_45 = arith.select %eq3A_39, %broadcast_in_dim3A_43, %broadcast_in_dim3A_44 : vector<1024x1024xi1>, vector<1024x1024xf32>
    %convert_element_type3A_46 = arith.truncf %select_n3A_45 : vector<1024x1024xf32> to vector<1024x1024xbf16>
    %slice3A_47 = vector.extract_strided_slice %and3A_29 {offsets = [2, 0], sizes = [1, 1024], strides = [1, 1]} : vector<4x1024xi32> to vector<1x1024xi32>
    %eq3A_48 = vector.broadcast %iota3A : vector<1024x1xi32> to vector<1024x1024xi32>
    %eq3A_49 = vector.broadcast %slice3A_47 : vector<1x1024xi32> to vector<1024x1024xi32>
    %eq3A_50 = arith.cmpi eq, %eq3A_48, %eq3A_49 : vector<1024x1024xi32>
    %slice3A_51 = vector.extract_strided_slice %div3A_24 {offsets = [2, 0], sizes = [1, 1024], strides = [1, 1]} : vector<4x1024xf32> to vector<1x1024xf32>
    %jit3A_52 = arith.constant 0.000000e+00 : f32
    %broadcast_in_dim3A_53 = vector.shape_cast %slice3A_51 : vector<1x1024xf32> to vector<1x1024xf32>
    %broadcast_in_dim3A_54 = vector.broadcast %broadcast_in_dim3A_53 : vector<1x1024xf32> to vector<1024x1024xf32>
    %broadcast_in_dim3A_55 = vector.broadcast %jit3A_52 : f32 to vector<1024x1024xf32>
    %select_n3A_56 = arith.select %eq3A_50, %broadcast_in_dim3A_54, %broadcast_in_dim3A_55 : vector<1024x1024xi1>, vector<1024x1024xf32>
    %convert_element_type3A_57 = arith.truncf %select_n3A_56 : vector<1024x1024xf32> to vector<1024x1024xbf16>
    %slice3A_58 = vector.extract_strided_slice %and3A_29 {offsets = [3, 0], sizes = [1, 1024], strides = [1, 1]} : vector<4x1024xi32> to vector<1x1024xi32>
    %eq3A_59 = vector.broadcast %iota3A : vector<1024x1xi32> to vector<1024x1024xi32>
    %eq3A_60 = vector.broadcast %slice3A_58 : vector<1x1024xi32> to vector<1024x1024xi32>
    %eq3A_61 = arith.cmpi eq, %eq3A_59, %eq3A_60 : vector<1024x1024xi32>
    %slice3A_62 = vector.extract_strided_slice %div3A_24 {offsets = [3, 0], sizes = [1, 1024], strides = [1, 1]} : vector<4x1024xf32> to vector<1x1024xf32>
    %jit3A_63 = arith.constant 0.000000e+00 : f32
    %broadcast_in_dim3A_64 = vector.shape_cast %slice3A_62 : vector<1x1024xf32> to vector<1x1024xf32>
    %broadcast_in_dim3A_65 = vector.broadcast %broadcast_in_dim3A_64 : vector<1x1024xf32> to vector<1024x1024xf32>
    %broadcast_in_dim3A_66 = vector.broadcast %jit3A_63 : f32 to vector<1024x1024xf32>
    %select_n3A_67 = arith.select %eq3A_61, %broadcast_in_dim3A_65, %broadcast_in_dim3A_66 : vector<1024x1024xi1>, vector<1024x1024xf32>
    %convert_element_type3A_68 = arith.truncf %select_n3A_67 : vector<1024x1024xf32> to vector<1024x1024xbf16>
    %add3A_69 = arith.addf %convert_element_type3A_35, %convert_element_type3A_46 : vector<1024x1024xbf16>
    %add3A_70 = arith.addf %convert_element_type3A_57, %convert_element_type3A_68 : vector<1024x1024xbf16>
    %add3A_71 = arith.addf %add3A_69, %add3A_70 : vector<1024x1024xbf16>
    %convert_element_type3A_72 = arith.truncf %add3A_12 : vector<1024x768xf32> to vector<1024x768xbf16>
    %dot_general3A_73 = arith.constant dense<0.000000e+00> : vector<1024x768xf32>
    %dot_general3A_74 = tpu.matmul %add3A_71, %convert_element_type3A_72, %dot_general3A_73 {dimension_numbers = #tpu.dot_dimension_numbers<[0], [0], [1], [1], [0, 1, 1, 1], [], []>, transpose_lhs_hint = false} : vector<1024x1024xbf16>, vector<1024x768xbf16>, vector<1024x768xf32> -> vector<1024x768xf32>
    %swap3A = arith.constant 0 : index
    %swap3A_75 = arith.constant 0 : index
    %swap3A_76 = arith.constant 0 : index
    %swap3A_77 = vector.load %arg6[%swap3A, %swap3A_75, %swap3A_76] : memref<1x1024x768xf32, #tpu.memory_space<vmem>>, vector<1x1024x768xf32>
    %swap3A_78 = vector.shape_cast %swap3A_77 : vector<1x1024x768xf32> to vector<1024x768xf32>
    %swap3A_79 = vector.shape_cast %dot_general3A_74 : vector<1024x768xf32> to vector<1x1024x768xf32>
    tpu.vector_store %arg6[%swap3A, %swap3A_75, %swap3A_76], %swap3A_79 {strides = array<i32>} : memref<1x1024x768xf32, #tpu.memory_space<vmem>>, vector<1x1024x768xf32>,
    return
  }
  func.func @transform_0(%arg0: i32) -> (i32, i32, i32) {
    %c0_i32 = arith.constant 0 : i32
    %c0_i32_0 = arith.constant 0 : i32
    %c0_i32_1 = arith.constant 0 : i32
    return %arg0, %c0_i32, %c0_i32_0 : i32, i32, i32
  }
  func.func @transform_1(%arg0: i32) -> (i32, i32) {
    %c0_i32 = arith.constant 0 : i32
    %c0_i32_0 = arith.constant 0 : i32
    %c0_i32_1 = arith.constant 0 : i32
    return %c0_i32, %c0_i32_0 : i32, i32
  }
  func.func @transform_2(%arg0: i32) -> (i32, i32) {
    %c0_i32 = arith.constant 0 : i32
    %c0_i32_0 = arith.constant 0 : i32
    %c0_i32_1 = arith.constant 0 : i32
    return %c0_i32, %c0_i32_0 : i32, i32
  }
  func.func @transform_3(%arg0: i32) -> (i32, i32) {
    %c0_i32 = arith.constant 0 : i32
    %c0_i32_0 = arith.constant 0 : i32
    return %c0_i32, %arg0 : i32, i32
  }
  func.func @transform_4(%arg0: i32) -> (i32, i32) {
    %c0_i32 = arith.constant 0 : i32
    %c0_i32_0 = arith.constant 0 : i32
    return %c0_i32, %arg0 : i32, i32
  }
  func.func @transform_5(%arg0: i32) -> (i32, i32, i32) {
    %c0_i32 = arith.constant 0 : i32
    %c0_i32_0 = arith.constant 0 : i32
    %c0_i32_1 = arith.constant 0 : i32
    return %arg0, %c0_i32, %c0_i32_0 : i32, i32, i32
  }
}

</mosaic_0001>

<sc_bundles>
// kernel: kernel.5.cloned.1.call-start
scs
__scs_entry_jumppad:
0x0: {  	(pc) =	sbr.rel $0x88, $3  }
0x1: {  	(tag) =	ssettag $0x0;
	lr =	simm.s32 $0x1  }
0x2: {  	[smem:$0x3F98] =	sst lr;
	_ =	strace $0xD0000000  }
0x3: {  	_ = 	snop  }
0x4: {  	_ = 	snop  }
0x5: {  	_ = 	snop  }
0x6: {  	_ = 	snop  }
0x7: {  	_ = 	snop  }
__scs_overlays_trampoline_lowered:
0x8: {  	[smem:$0x3FA7] =	sst s0  }
0x9: {  	[smem:$0x3FA8] =	sst s1  }
0xa: {  	[smem:$0x3FA9] =	sst s2  }
0xb: {  	[smem:$0x3FAA] =	sst s3  }
0xc: {  	[smem:$0x3FAB] =	sst s4  }
0xd: {  	[smem:$0x3FAC] =	sst s5  }
0xe: {  	[smem:$0x3FAD] =	sst s6  }
0xf: {  	[smem:$0x3FAE] =	sst s7  }
0x10: {  	[smem:$0x3FAF] =	sst s8  }
0x11: {  	[smem:$0x3FB0] =	sst s9;
	s0 =	simm.s32 @!p0 $0x0  }
0x12: {  	s1 =	sld [smem:$0x3F96];
	s0 =	simm.s32 @p0 $0x1  }
0x13: {  	[smem:$0x3FB1] =	sst s0;
	s0 =	simm.s32 @!p1 $0x0  }
0x14: {  	s2 =	sld [smem:$0x3F95];
	s0 =	simm.s32 @p1 $0x1  }
0x15: {  	[smem:$0x3FB2] =	sst s0;
	s0 =	simm.s32 @!p2 $0x0  }
0x16: {  	s3 =	sld [smem:$0x3FDB];
	s0 =	simm.s32 @p2 $0x1  }
0x17: {  	s4 =	simm.s32 $0x1BF5;
	[smem:$0x3FB4] =	sst s0  }
0x18: {  	s0 =	sld [smem:$0x3F97];
	_ =	swait.ge [sflag:s4], $0x0  }
0x19: {  	s7 =	sld [smem:$0x3F98]  }
0x1a: {  	s8 =	sadd.s32 $0xFFFFE003, lr  }
0x1b: {  	s9 =	sadd.s32 $0xFFFFFEF7, lr;
	s5 =	simm.s32 $0xFFFFFFFF;
	p2 =	slt.u32 s8, $0xFFFFF086  }
0x1c: {  	p1 =	slt.u32 s9, $0xF7A;
	s5 =	simm.s32 @!p2 $0x0  }
0x1d: {  	s5 =	simm.s32 @p1 $0x1;
	p0 =	seq.s32 s7, s2  }
0x1e: {  	s7 =	smul.u32 @!p0 $0xF7A, s2;
	p2 =	seq.s32 @!p0 s5, $0x0  }
0x1f: {  	s9 =	smul.u32 $0xF7A, s1;
	s8 =	simm.s32 @!p0 $0x1BF5;
	p2 =	por !p2, p0  }
0x20: {  	[sflag:s8] =	ssyncset.s32 @!p0 $0xFFFFF086;
	s6 =	sadd.s32 @!p0 s3, s7;
	s7 =	simm.s32 @!p0 $0x108  }
0x21: {  	s3 =	sadd.s32 s3, s9;
	s6 =	sadd.s32 @!p0 $0x88, s6;
	s7 =	simm.s32 @p2 $0x1082  }
0x22: {  	[simem:s7], [sflag:s8] =	dma.local @!p0 [hbm:s6], $0xF7A  }
0x23: {  	s9 =	sor.u32 $0xD0000000, s2;
	s6 =	simm.s32 $0x108;
	_ =	swait.ge @!p0 [sflag:s8], $0x0  }
0x24: {  	s3 =	sadd.s32 $0x88, s3;
	s6 =	simm.s32 @!p1 $0x1082;
	[sflag:s4] =	ssyncset.s32 $0xFFFFF086  }
0x25: {  	[simem:s6], [sflag:s4] =	dma.local [hbm:s3], $0xF7A  }
0x26: {  	[smem:$0x3F98] =	sst s1;
	(tag) =	ssettag s2;
	_ =	strace s9  }
0x27: {  	s1 =	sld [smem:$0x3FA8]  }
0x28: {  	s2 =	sld [smem:$0x3FA9]  }
0x29: {  	s4 =	sld [smem:$0x3FAB]  }
0x2a: {  	p0 =	seq.s32 s5, $0x0;
	s5 =	sld [smem:$0x3FAC]  }
0x2b: {  	s6 =	sld [smem:$0x3FAD]  }
0x2c: {  	s7 =	sld [smem:$0x3FAE]  }
0x2d: {  	s3 =	simm.s32 $0x108;
	s8 =	sld [smem:$0x3FAF]  }
0x2e: {  	s3 =	simm.s32 @!p0 $0x1082;
	s9 =	sld [smem:$0x3FB0]  }
0x2f: {  	lr =	sadd.s32 s0, s3;
	s0 =	sld [smem:$0x3FA7]  }
0x30: {  	s3 =	sld [smem:$0x3FAA]  }
0x31: {  	[smem:$0x3FB3] =	sst s10  }
0x32: {  	s10 =	sld [smem:$0x3FB1];
	_ =	sdelay $0x3  }
0x33: {  	p0 =	seq.s32 s10, $0x1;
	s10 =	sld [smem:$0x3FB3];
	_ =	sdelay $0x3  }
0x34: {  	[smem:$0x3FB3] =	sst s10  }
0x35: {  	s10 =	sld [smem:$0x3FB2];
	_ =	sdelay $0x3  }
0x36: {  	p1 =	seq.s32 s10, $0x1;
	s10 =	sld [smem:$0x3FB3];
	_ =	sdelay $0x3  }
0x37: {  	[smem:$0x3FB3] =	sst s10  }
0x38: {  	s10 =	sld [smem:$0x3FB4]  }
0x39: {  	_ = 	snop;
	(pc) =	sbr.ind lr, $3  }
0x3a: {  	_ = 	snop  }
0x3b: {  	_ = 	snop  }
0x3c: {  	p2 =	seq.s32 s10, $0x1;
	s10 =	sld [smem:$0x3FB3]  }
0x3d: {  	_ =	shalt  }
0x3e: {  	_ =	shalt  }
0x3f: {  	_ =	shalt  }
0x40: {  	_ =	shalt  }
0x41: {  	_ =	shalt  }
0x42: {  	_ =	shalt  }
0x43: {  	_ =	shalt  }
0x44: {  	_ =	shalt  }
0x45: {  	_ =	shalt  }
0x46: {  	_ =	shalt  }
0x47: {  	_ =	shalt  }
0x48: {  	_ =	shalt  }
0x49: {  	_ =	shalt  }
0x4a: {  	_ =	shalt  }
0x4b: {  	_ =	shalt  }
0x4c: {  	_ =	shalt  }
0x4d: {  	_ =	shalt  }
0x4e: {  	_ =	shalt  }
0x4f: {  	_ =	shalt  }
0x50: {  	_ =	shalt  }
0x51: {  	_ =	shalt  }
0x52: {  	_ =	shalt  }
0x53: {  	_ =	shalt  }
0x54: {  	_ =	shalt  }
0x55: {  	_ =	shalt  }
0x56: {  	_ =	shalt  }
0x57: {  	_ =	shalt  }
0x58: {  	_ =	shalt  }
0x59: {  	_ =	shalt  }
0x5a: {  	_ =	shalt  }
0x5b: {  	_ =	shalt  }
0x5c: {  	_ =	shalt  }
0x5d: {  	_ =	shalt  }
0x5e: {  	_ =	shalt  }
0x5f: {  	_ =	shalt  }
0x60: {  	_ =	shalt  }
0x61: {  	_ =	shalt  }
0x62: {  	_ =	shalt  }
0x63: {  	_ =	shalt  }
0x64: {  	_ =	shalt  }
0x65: {  	_ =	shalt  }
0x66: {  	_ =	shalt  }
0x67: {  	_ =	shalt  }
0x68: {  	_ =	shalt  }
0x69: {  	_ =	shalt  }
0x6a: {  	_ =	shalt  }
0x6b: {  	_ =	shalt  }
0x6c: {  	_ =	shalt  }
0x6d: {  	_ =	shalt  }
0x6e: {  	_ =	shalt  }
0x6f: {  	_ =	shalt  }
0x70: {  	_ =	shalt  }
0x71: {  	_ =	shalt  }
0x72: {  	_ =	shalt  }
0x73: {  	_ =	shalt  }
0x74: {  	_ =	shalt  }
0x75: {  	_ =	shalt  }
0x76: {  	_ =	shalt  }
0x77: {  	_ =	shalt  }
0x78: {  	_ =	shalt  }
0x79: {  	_ =	shalt  }
0x7a: {  	_ =	shalt  }
0x7b: {  	_ =	shalt  }
0x7c: {  	_ =	shalt  }
0x7d: {  	_ =	shalt  }
0x7e: {  	_ =	shalt  }
0x7f: {  	_ =	shalt  }
0x80: {  	_ =	shalt  }
0x81: {  	_ =	shalt  }
0x82: {  	_ =	shalt  }
0x83: {  	_ =	shalt  }
0x84: {  	_ =	shalt  }
0x85: {  	_ =	shalt  }
0x86: {  	_ =	shalt  }
0x87: {  	_ =	shalt  }
.Lfunc_end0:
.L_simem_size_0:
called_computation_lowered:
.L_overlay_start_0:
0x88: {  	s2 =	sld [smem:$0x3FD9]  }
0x89: {  	s3 =	sld [smem:$0x3FFE];
	_ =	sdelay $0x1  }
0x8a: {  	s1 =	srdreg.scid  }
0x8b: {  	s0 =	sand.u32 $0x1, s1  }
0x8c: {  	s17 =	sshll.u32 s0, $0xA;
	s2 =	sadd.s32 s3, s2  }
0x8d: {  	s2 =	sadd.s32 s2, s17  }
0x8e: {  	[smem:$0x3FBF] =	sst s2  }
0x8f: {  	_ = 	snop  }
0x90: {  	s2 =	sld [smem:$0x3FD0];
	(tm) =	ssettm $0x1  }
0x91: {  	s18 =	sld [smem:$0x3FFB];
	_ =	sdelay $0x3  }
0x92: {  	_ =	strace s18  }
0x93: {  	s3 =	sld [smem:$0x3FFC];
	_ =	sdelay $0x3  }
0x94: {  	_ =	strace s3  }
0x95: {  	s3 =	sld [smem:$0x3FFD];
	_ =	sdelay $0x3  }
0x96: {  	_ =	strace s3  }
0x97: {  	_ =	strace $0x8FFFFFFF  }
0x98: {  	s19 =	sld [smem:$0x3FDB];
	_ =	sdelay $0x1  }
0x99: {  	s4 =	simm.s32 $_scs_section_size  }
0x9a: {  	s5 =	simm.s32 $_size__tile_overlayer_lowered;
	s6 =	simm.s32 $_tile_overlayer_lowered  }
0x9b: {  	s22 =	simm.s32 $0x1BFF;
	s21 =	sshll.u32 s6, $0x1;
	s3 =	sadd.s32 s4, s19  }
0x9c: {  	s7 =	simm.s32 $0x0;
	s20 =	sshll.u32 s5, $0x1;
	s5 =	sadd.s32 s21, s3  }
0x9d: {  	[timem:s7], [sflag:s22] =	dma.local [hbm:s5], s20  }
0x9e: {  	_ =	swait.ge [sflag:s22], s20  }
0x9f: {  	s4 =	ssub.s32 $0x0, s20;
	[sflag:s22] =	ssyncset.done $0x0  }
0xa0: {  	[sflag:s22] =	ssyncadd.s32 s4;
	_ =	sdelay $0x1  }
0xa1: {  	s23 =	simm.s32 $0x1B8B  }
0xa2: {  	_ =	swait.ge [sflag:s23], $0x1  }
0xa3: {  	[sflag:s23] =	ssyncset.done $0x0  }
0xa4: {  	s25 =	simm.s32 $0x1B8E;
	s24 =	sld [smem:$0x3FFE];
	[sflag:s23] =	ssyncadd.s32 $0xFFFFFFFF  }
0xa5: {  	s26 =	simm.s32 $execute0_lowered;
	[smem:$0x3FD2] =	sst s25  }
0xa6: {  	s5 =	sshll.u32 s26, $0x1;
	_ =	strace $0x80000046;
	[dreg:$0x1] =	wrdreg $0xFFFFFFFF  }
0xa7: {  	s28 =	simm.s32 $_size_execute0_lowered;
	s3 =	sadd.s32 s3, s5;
	[dreg:$0x0] =	wrdreg $0x0  }
0xa8: {  	s5 =	sshll.u32 s28, $0x1;
	[dreg:$0x2] =	wrdreg s3  }
0xa9: {  	[dreg:$0x3] =	wrdreg s5  }
0xaa: {  	[dreg:$0x4] =	wrdreg $0xC0  }
0xab: {  	_ =	task [dreg:s7], $0x5FFFF  }
0xac: {  	[dreg:$0x1] =	wrdreg $0xFFFFFFFF  }
0xad: {  	[dreg:$0x0] =	wrdreg $0x60  }
0xae: {  	[dreg:$0x2] =	wrdreg s24  }
0xaf: {  	[dreg:$0x3] =	wrdreg s2  }
0xb0: {  	[dreg:$0x4] =	wrdreg $0x9  }
0xb1: {  	_ =	task.clear_ibuf [dreg:s7], $0x5FFFF;
	_ =	strace $0x90000046  }
0xb2: {  	s29 =	simm.s32 $0x9;
	_ =	strace $0x80000048  }
0xb3: {  	_ =	swait.ge [sflag:s29], $0x1  }
0xb4: {  	[sflag:s29] =	ssyncadd.s32 $0xFFFFFFFF  }
0xb5: {  	_ =	strace $0x90000048  }
0xb6: {  	_ =	sfence  }
0xb7: {  	s30 =	sld [smem:$0x0];
	_ =	sdelay $0x2  }
0xb8: {  	s31 =	sshll.u32 s1, $0xD;
	s1 =	sshrl.u32 s1, $0x2  }
0xb9: {  	s3 =	sand.u32 $0x4000, s31;
	s1 =	sadd.s32 s1, s30  }
0xba: {  	s0 =	sor.u32 s3, s0;
	s1 =	sshll.u32 s1, $0x11  }
0xbb: {  	s0 =	sor.u32 s1, s0  }
0xbc: {  	s0 =	sadd.s32 $0x8F2B, s0  }
0xbd: {  	[sflag:s0] =	ssyncadd.remote.s32 $0x1  }
0xbe: {  	_ =	sfence.sel $0xFFFF  }
0xbf: {  	[dreg:$0x0] =	wrdreg $0xFFFFFFFF;
	(pc) =	sbr.abs _section_cstart, $3  }
0xc0: {  	[dreg:$0x1] =	wrdreg $0xFFFFFFFF  }
0xc1: {  	_ =	task.clear_ibuf [dreg:s7], $0x2FFFF;
	_ =	strace $0x9FFFFFFF  }
0xc2: {  	(tm) =	ssettm $0x7FFFFFFF  }
0xc3: {  	_ =	shalt  }
tec
execute0_lowered:
.L_overlay_start_1:
0x0: {  	(tag) =	ssettag $0x1  }
0x1: {  	s4 =	rddreg [dreg:$0x0]  }
0x2: {  	s5 =	rddreg [dreg:$0x1]  }
0x3: {  	s0 =	rddreg [dreg:$0x2];
	s2 =	simm.s32 $0x0;
	s3 =	srdreg.scid  }
0x4: {  	s1 =	stileid.u32;
	s11 =	simm.s32 $0x500;
	s13 =	simm.s32 $0x480  }
0x5: {  	s12 =	simm.s32 $0x1;
	s31 =	simm.s32 $0x1500;
	s14 =	simm.s32 $0x0  }
0x6: {  	[smem:$0x7FF] =	sst s2;
	s7 =	sand.u32 $0x1, s3;
	s28 =	sshll.u32 s1, $0x1  }
0x7: {  	v2 =	vlaneseq.u32;
	s3 =	sadd.s32 $0x1600, s4;
	s30 =	sshll.u32 s1, $0x9;
	_ =	strace $0x80000047  }
0x8: {  	vm0 =	vmmov $0xff;
	vm1 =	vmmov $0x1;
	vm2 =	vmmov $0x3;
	s6 =	sor.u32 s7, s28;
	s9 =	ssub.s32 $0x2, s7;
	[dreg:$0x4] =	wrdreg s13  }
0x9: {  	vm3 =	vmmov $0x7;
	vm4 =	vmmov $0xf;
	vm5 =	vmmov $0x1f;
	s7 =	sshll.u32 s7, $0x8;
	[dreg:$0x3] =	wrdreg s31;
	s13 =	simm.s32 $0x2500  }
0xa: {  	vm6 =	vmmov $0x3f;
	vm7 =	vmmov $0x7f;
	vm8 =	vmmov $0x1ff;
	s8 =	sshll.u32 s6, $0x7;
	s29 =	sshrl.u32 s9, $0x1;
	s6 =	sshll.u32 s6, $0x8  }
0xb: {  	vm9 =	vmmov $0x3ff;
	vm10 =	vmmov $0x7ff;
	vm11 =	vmmov $0xfff;
	s7 =	sor.u32 s7, s30;
	s10 =	sadd.s32 s8, s4;
	s9 =	ssub.s32 s9, s29  }
0xc: {  	vm12 =	vmmov $0x1fff;
	vm13 =	vmmov $0x3fff;
	v0 =	vand.u32 $0x7, v2;
	s4 =	sadd.s32 s5, s8;
	s8 =	simm.s32 $0x2;
	s5 =	sadd.s32 $0x101600, s10  }
0xd: {  	vm14 =	vmmov $0x7fff;
	v2 =	vor.u32 $0x8, v2;
	v1 =	vor.u32 s6, v0;
	s6 =	smax.u32 s9, $0x1;
	s9 =	simm.s32 $0x20;
	s10 =	simm.s32 $0x400  }
.LBB2_1:
0xe: {  	[tilespmem:s2], [sflag:$0x2] =	stream.linear.gather [hbm4b:s4+s2], $0x400, $0x38;
	[tilespmem:$0x2900] =	vst v63  }
0xf: {  	_ =	swait.ge [sflag:s8], $0x400  }
0x10: {  	[sflag:s8] =	ssyncset.done $0x0  }
0x11: {  	[sflag:s8] =	ssyncadd.s32 $0xFFFFFC00  }
0x12: {  	v3 =	vld [tilespmem:$0x0]  }
0x13: {  	v4 =	vld [tilespmem:$0x80]  }
0x14: {  	v5 =	vld [tilespmem:$0x100]  }
0x15: {  	v6 =	vld [tilespmem:$0x180];
	_ =	sdelay $0x3  }
0x16: {  	v3 =	vperm.xlane v3, v0;
	v4 =	vperm.xlane v4, v0  }
0x17: {  	v5 =	vperm.xlane v5, v0;
	v6 =	vperm.xlane v6, v0  }
0x18: {  	v3 =	vsel vm0, v3, v4  }
0x19: {  	v63 =	vsel vm0, v5, v6;
	v3 =	vshll.u32 v3, $0x6  }
0x1a: {  	v4 =	vshll.u32 v63, $0x6;
	v3 =	vand.u32 $0xE000, v3  }
0x1b: {  	v4 =	vand.u32 $0xE000, v4;
	v3 =	vor.u32 v1, v3  }
0x1c: {  	[tilespmem:$0x400] =	vst v3;
	v3 =	vor.u32 v1, v4  }
0x1d: {  	s15 =	simm.s32 $0x40;
	s16 =	simm.s32 $0x0;
	s17 =	simm.s32 $0x0;
	[tilespmem:$0x410] =	vst v3  }
0x1e: {  	[tilespmem:s11], [sflag:$0x1] =	stream.indirect.gather [hbm4b:s3+s9], $0x80, s10, s9, $0xb8;
	[tilespmem:$0x2900] =	vst v63  }
.LBB2_2:
0x1f: {  	s18 =	sadd.s32 $0xFFFFFFC0, s15  }
0x20: {  	s20 =	sand.u32 $0xFFFFFE00, s16;
	s19 =	sand.u32 $0x70, s17;
	s18 =	sand.u32 $0x200, s18  }
0x21: {  	s25 =	sadd.s32 s20, s17;
	s19 =	sor.u32 s19, s18  }
0x22: {  	s20 =	sor.u32 $0x80, s25;
	v6 =	vld [tilespmem:s19+$0x0]  }
0x23: {  	v5 =	vld [tilespmem:s20+$0x0]  }
0x24: {  	s18 =	sor.u32 $0x180, s25;
	v4 =	vld [tilespmem:s19+$0x100]  }
0x25: {  	v3 =	vld [tilespmem:s18+$0x0];
	_ =	swait.ge [sflag:s12], $0x1000  }
0x26: {  	[sflag:s12] =	ssyncset.done $0x0  }
0x27: {  	[sflag:s12] =	ssyncadd.s32 $0xFFFFF000  }
0x28: {  	v7 =	vld [tilespmem:s19+$0x0]  }
0x29: {  	v8 =	vld [tilespmem:s19+$0x80];
	_ =	sdelay $0x4  }
0x2a: {  	v7 =	vperm.xlane v7, v2;
	v8 =	vperm.xlane v8, v2;
	_ =	sdelay $0x1  }
0x2b: {  	s21 =	sadd.s32 s17, s7;
	v7 =	vsel vm0, v7, v8  }
0x2c: {  	s21 =	sadd.s32 $0x8, s21;
	(v2sf) =	vpush v6, $0x0;
	v7 =	vshll.u32 v7, $0x6  }
0x2d: {  	v54 =	vor.u32 s21, v0;
	(v2sf) =	vpush v5, $0x0;
	v7 =	vand.u32 $0xE000, v7  }
0x2e: {  	v7 =	vadd.s32 v54, v7  }
0x2f: {  	(v2sf) =	vpush v4, $0x0;
	[tilespmem:$0x480] =	vst v7  }
0x30: {  	(v2sf) =	vpush v3, $0x0;
	v7 =	vld [tilespmem:s19+$0x100]  }
0x31: {  	(v2sf) =	vpush v6, $0x1;
	v9 =	vld [tilespmem:s19+$0x180]  }
0x32: {  	(v2sf) =	vpush v5, $0x1  }
0x33: {  	(v2sf) =	vpush v4, $0x1  }
0x34: {  	(v2sf) =	vpush v3, $0x1  }
0x35: {  	(v2sf) =	vpush v6, $0x2  }
0x36: {  	(v2sf) =	vpush v5, $0x2;
	v7 =	vperm.xlane v7, v2;
	v9 =	vperm.xlane v9, v2  }
0x37: {  	(v2sf) =	vpush v4, $0x2  }
0x38: {  	(v2sf) =	vpush v3, $0x2;
	v7 =	vsel vm0, v7, v9  }
0x39: {  	(v2sf) =	vpush v6, $0x3;
	v7 =	vshll.u32 v7, $0x6  }
0x3a: {  	(v2sf) =	vpush v5, $0x3;
	v7 =	vand.u32 $0xE000, v7  }
0x3b: {  	s26 =	rddreg [dreg:$0x3];
	(v2sf) =	vpush v4, $0x3;
	s28 =	spop (v2sf);
	v7 =	vadd.s32 v54, v7  }
0x3c: {  	s22 =	rddreg [dreg:$0x4];
	(v2sf) =	vpush v3, $0x3;
	s21 =	sand.u32 $0x70, s28;
	s29 =	spop (v2sf);
	[tilespmem:$0x490] =	vst v7  }
0x3d: {  	(v2sf) =	vpush v6, $0x4;
	[tilespmem:s26], [sflag:$0x1] =	stream.indirect.gather [hbm4b:s3+s9], $0x80, s22, s9, $0xb8;
	[tilespmem:$0x2900] =	vst v63  }
0x3e: {  	s30 =	sand.u32 $0x70, s29;
	s31 =	spop (v2sf);
	(v2sf) =	vpush v5, $0x4;
	v7 =	vld [tilespmem:s21+$0x500]  }
0x3f: {  	s23 =	sand.u32 $0x70, s31;
	s24 =	spop (v2sf);
	(v2sf) =	vpush v4, $0x4;
	v55 =	vld [tilespmem:s30+$0x900]  }
0x40: {  	s25 =	sand.u32 $0x70, s24;
	s26 =	spop (v2sf);
	(v2sf) =	vpush v3, $0x4;
	v56 =	vld [tilespmem:s23+$0xD00]  }
0x41: {  	v10 =	vld [tilespmem:s25+$0x1100];
	s28 =	sand.u32 $0x70, s26;
	s29 =	spop (v2sf);
	(v2sf) =	vpush v6, $0x5  }
0x42: {  	v11 =	vld [tilespmem:s28+$0x580];
	s30 =	sand.u32 $0x70, s29;
	s31 =	spop (v2sf);
	(v2sf) =	vpush v5, $0x5  }
0x43: {  	v12 =	vld [tilespmem:s30+$0x980];
	s23 =	sand.u32 $0x70, s31;
	s24 =	spop (v2sf);
	(v2sf) =	vpush v4, $0x5  }
0x44: {  	v13 =	vld [tilespmem:s23+$0xD80];
	s25 =	sand.u32 $0x70, s24;
	s26 =	spop (v2sf);
	(v2sf) =	vpush v3, $0x5  }
0x45: {  	v14 =	vld [tilespmem:s25+$0x1180];
	s28 =	sand.u32 $0x70, s26;
	s29 =	spop (v2sf);
	(v2sf) =	vpush v6, $0x6  }
0x46: {  	v15 =	vld [tilespmem:s28+$0x600];
	s30 =	sand.u32 $0x70, s29;
	s31 =	spop (v2sf);
	(v2sf) =	vpush v5, $0x6  }
0x47: {  	v16 =	vld [tilespmem:s30+$0xA00];
	s23 =	sand.u32 $0x70, s31;
	s24 =	spop (v2sf);
	(v2sf) =	vpush v4, $0x6  }
0x48: {  	v17 =	vld [tilespmem:s23+$0xE00];
	s25 =	sand.u32 $0x70, s24;
	s26 =	spop (v2sf);
	(v2sf) =	vpush v3, $0x6  }
0x49: {  	v18 =	vld [tilespmem:s25+$0x1200];
	s28 =	sand.u32 $0x70, s26;
	s29 =	spop (v2sf);
	(v2sf) =	vpush v6, $0x7  }
0x4a: {  	v19 =	vld [tilespmem:s28+$0x680];
	s30 =	sand.u32 $0x70, s29;
	s31 =	spop (v2sf);
	(v2sf) =	vpush v5, $0x7  }
0x4b: {  	v20 =	vld [tilespmem:s30+$0xA80];
	s23 =	sand.u32 $0x70, s31;
	s24 =	spop (v2sf);
	(v2sf) =	vpush v4, $0x7  }
0x4c: {  	v21 =	vld [tilespmem:s23+$0xE80];
	s25 =	sand.u32 $0x70, s24;
	s26 =	spop (v2sf);
	(v2sf) =	vpush v3, $0x7  }
0x4d: {  	v22 =	vld [tilespmem:s25+$0x1280];
	s28 =	sand.u32 $0x70, s26;
	s29 =	spop (v2sf)  }
0x4e: {  	v29 =	vbroadcast v6, $0x0;
	v23 =	vld [tilespmem:s28+$0x700];
	s30 =	sand.u32 $0x70, s29;
	s31 =	spop (v2sf)  }
0x4f: {  	v31 =	vbroadcast v5, $0x0;
	v57 =	vbroadcast v4, $0x0;
	v24 =	vld [tilespmem:s30+$0xB00];
	s23 =	sand.u32 $0x70, s31;
	s24 =	spop (v2sf)  }
0x50: {  	v58 =	vbroadcast v3, $0x0;
	v35 =	vbroadcast v6, $0x1;
	v25 =	vld [tilespmem:s23+$0xF00];
	s25 =	sand.u32 $0x70, s24;
	s26 =	spop (v2sf)  }
0x51: {  	v59 =	vbroadcast v5, $0x1;
	v60 =	vbroadcast v4, $0x1;
	v26 =	vld [tilespmem:s25+$0x1300];
	s28 =	sand.u32 $0x70, s26;
	s29 =	spop (v2sf)  }
0x52: {  	v39 =	vbroadcast v3, $0x1;
	v40 =	vbroadcast v6, $0x2;
	v27 =	vld [tilespmem:s28+$0x780];
	s30 =	sand.u32 $0x70, s29;
	s31 =	spop (v2sf)  }
0x53: {  	v41 =	vbroadcast v5, $0x2;
	v61 =	vbroadcast v4, $0x2;
	v28 =	vld [tilespmem:s30+$0xB80];
	s23 =	sand.u32 $0x70, s31;
	s24 =	spop (v2sf)  }
0x54: {  	v62 =	vbroadcast v3, $0x2;
	v63 =	vbroadcast v6, $0x3;
	v30 =	vld [tilespmem:s23+$0xF80];
	s25 =	sand.u32 $0x70, s24;
	s26 =	spop (v2sf)  }
0x55: {  	v43 =	vbroadcast v5, $0x3;
	v44 =	vbroadcast v4, $0x3;
	v32 =	vld [tilespmem:s25+$0x1380];
	s28 =	sand.u32 $0x70, s26;
	s29 =	spop (v2sf)  }
0x56: {  	v45 =	vbroadcast v3, $0x3;
	v47 =	vbroadcast v6, $0x4;
	v33 =	vld [tilespmem:s28+$0x800];
	s30 =	sand.u32 $0x70, s29;
	s31 =	spop (v2sf)  }
0x57: {  	v48 =	vbroadcast v5, $0x4;
	v51 =	vbroadcast v4, $0x4;
	v34 =	vld [tilespmem:s30+$0xC00];
	s23 =	sand.u32 $0x70, s31;
	s24 =	spop (v2sf)  }
0x58: {  	v53 =	vbroadcast v3, $0x4;
	v54 =	vbroadcast v6, $0x5;
	v36 =	vld [tilespmem:s23+$0x1000];
	s25 =	sand.u32 $0x70, s24;
	s26 =	spop (v2sf)  }
0x59: {  	v29 =	vperm.xlane v7, v29;
	v31 =	vperm.xlane v55, v31;
	v9 =	vld [tilespmem:s25+$0x1400];
	s28 =	sand.u32 $0x70, s26;
	s29 =	spop (v2sf)  }
0x5a: {  	v37 =	vperm.xlane v56, v57;
	v38 =	vperm.xlane v10, v58;
	v10 =	vld [tilespmem:s28+$0x880];
	s30 =	sand.u32 $0x70, s29;
	s31 =	spop (v2sf)  }
0x5b: {  	v55 =	vbroadcast v5, $0x5;
	v11 =	vperm.xlane v11, v35;
	v35 =	vld [tilespmem:s30+$0xC80];
	s22 =	sand.u32 $0x70, s31;
	s23 =	spop (v2sf)  }
0x5c: {  	p0 =	seq.s32 s17, $0xF0;
	v56 =	vbroadcast v4, $0x5;
	v12 =	vperm.xlane v12, v59;
	v8 =	vld [tilespmem:s22+$0x1080];
	s24 =	sand.u32 $0x70, s23  }
0x5d: {  	vm15 =	vmmov @!p0 $0xff;
	s21 =	sadd.s32 @!p0 $0x10, s17;
	v59 =	vbroadcast v3, $0x5;
	v13 =	vperm.xlane v13, v60;
	v7 =	vld [tilespmem:s24+$0x1480];
	_ =	swait.ge [sflag:s12], $0x1000  }
0x5e: {  	v11 =	vsel vm1, v29, v11;
	v29 =	vbroadcast v3, $0x7;
	v14 =	vperm.xlane v14, v39;
	s22 =	sand.u32 @!p0 $0x70, s21;
	s23 =	sand.u32 @!p0 $0x600, s15;
	[sflag:s12] =	ssyncset.done $0x0  }
0x5f: {  	v12 =	vsel vm1, v31, v12;
	v15 =	vperm.xlane v15, v40;
	v13 =	vsel vm1, v37, v13;
	s22 =	sor.u32 @!p0 s22, s23;
	[sflag:s12] =	ssyncadd.s32 $0xFFFFF000  }
0x60: {  	v16 =	vperm.xlane v16, v41;
	v14 =	vsel vm1, v38, v14;
	v40 =	vperm.xlane v17, v61;
	v17 =	vld @!p0 [tilespmem:s22+$0x0]  }
0x61: {  	v11 =	vsel vm2, v11, v15;
	v41 =	vperm.xlane v18, v62;
	v42 =	vperm.xlane v19, v63;
	v19 =	vld @!p0 [tilespmem:s22+$0x80]  }
0x62: {  	v61 =	vbroadcast v6, $0x6;
	v12 =	vsel vm2, v12, v16;
	v62 =	vbroadcast v5, $0x6  }
0x63: {  	v13 =	vsel vm2, v13, v40;
	v40 =	vbroadcast v3, $0x8;
	v14 =	vsel vm2, v14, v41  }
0x64: {  	v15 =	vperm.xlane v20, v43;
	v20 =	vlaneseq.u32 @!p0;
	v41 =	vbroadcast v6, $0x9  }
0x65: {  	v43 =	vbroadcast v5, $0x9;
	v46 =	vperm.xlane v21, v44;
	v20 =	vand.u32 @!p0 $0x7, v20  }
0x66: {  	v12 =	vsel vm3, v12, v15;
	v15 =	vperm.xlane @!p0 v17, v20;
	v17 =	vperm.xlane @!p0 v19, v20  }
0x67: {  	v11 =	vsel vm3, v11, v42;
	v16 =	vperm.xlane v22, v45;
	v13 =	vsel vm3, v13, v46  }
0x68: {  	v49 =	vperm.xlane v23, v47;
	(v2sf) =	vpush v6, $0x8;
	v15 =	vsel @!p0 vm15, v15, v17  }
0x69: {  	v14 =	vsel vm3, v14, v16;
	s21 =	sadd.s32 @!p0 s7, s21;
	(v2sf) =	vpush v5, $0x8;
	v15 =	vshll.u32 @!p0 v15, $0x6  }
0x6a: {  	v16 =	vor.u32 @!p0 s21, v20;
	(v2sf) =	vpush v4, $0x8;
	v15 =	vand.u32 @!p0 $0xE000, v15  }
0x6b: {  	v23 =	vbroadcast v3, $0x6;
	v46 =	vbroadcast v4, $0x9;
	v15 =	vadd.s32 @!p0 v16, v15  }
0x6c: {  	v50 =	vperm.xlane v24, v48;
	v24 =	vbroadcast v6, $0x7;
	(v2sf) =	vpush v3, $0x8;
	[tilespmem:$0x400] =	vst @!p0 v15  }
0x6d: {  	v48 =	vbroadcast v3, $0x9;
	v11 =	vsel vm4, v11, v49;
	(v2sf) =	vpush v6, $0x9;
	v22 =	vld @!p0 [tilespmem:s22+$0x100]  }
0x6e: {  	v52 =	vperm.xlane v25, v51;
	v25 =	vbroadcast v5, $0x7;
	v12 =	vsel vm4, v12, v50;
	v19 =	vld @!p0 [tilespmem:s22+$0x180]  }
0x6f: {  	v57 =	vperm.xlane v26, v53;
	v26 =	vbroadcast v4, $0x7;
	(v2sf) =	vpush v5, $0x9  }
0x70: {  	v13 =	vsel vm4, v13, v52;
	v58 =	vperm.xlane v27, v54;
	(v2sf) =	vpush v4, $0x9  }
0x71: {  	v52 =	vbroadcast v6, $0xA;
	v54 =	vbroadcast v5, $0xA;
	(v2sf) =	vpush v3, $0x9  }
0x72: {  	v14 =	vsel vm4, v14, v57;
	v57 =	vbroadcast v3, $0xA;
	(v2sf) =	vpush v6, $0xA  }
0x73: {  	(v2sf) =	vpush v5, $0xA;
	v17 =	vperm.xlane @!p0 v22, v20;
	v18 =	vperm.xlane @!p0 v19, v20  }
0x74: {  	v21 =	vperm.xlane v30, v56;
	v11 =	vsel vm5, v11, v58;
	(v2sf) =	vpush v4, $0xA  }
0x75: {  	v30 =	vbroadcast v6, $0x8;
	(v2sf) =	vpush v3, $0xA;
	v17 =	vsel @!p0 vm15, v17, v18  }
0x76: {  	v60 =	vperm.xlane v32, v59;
	(v2sf) =	vpush v6, $0xB;
	v17 =	vshll.u32 @!p0 v17, $0x6  }
0x77: {  	v32 =	vbroadcast v5, $0x8;
	(v2sf) =	vpush v5, $0xB;
	s25 =	spop (v2sf);
	v17 =	vand.u32 @!p0 $0xE000, v17  }
0x78: {  	v13 =	vsel vm5, v13, v21;
	s21 =	simm.s32 @!p0 $0x20;
	(v2sf) =	vpush v4, $0xB;
	s26 =	spop (v2sf);
	v16 =	vadd.s32 @!p0 v16, v17  }
0x79: {  	v63 =	vperm.xlane v33, v61;
	v21 =	vbroadcast v4, $0x6;
	s23 =	simm.s32 @!p0 $0x500;
	s22 =	simm.s32 @!p0 $0x400;
	(v2sf) =	vpush v3, $0xB;
	s29 =	spop (v2sf);
	[tilespmem:$0x410] =	vst @!p0 v16  }
0x7a: {  	v9 =	vperm.xlane v9, v23;
	v10 =	vperm.xlane v10, v24;
	(v2sf) =	vpush v6, $0xC;
	[tilespmem:s23], [sflag:$0x1] =	stream.indirect.gather @!p0 [hbm4b:s3+s21], $0x80, s22, s21, $0xb8;
	[tilespmem:$0x2900] =	vst v63  }
0x7b: {  	v14 =	vsel vm5, v14, v60;
	v11 =	vsel vm6, v11, v63;
	(v2sf) =	vpush v5, $0xC;
	s30 =	spop (v2sf);
	s21 =	sand.u32 $0x70, s25  }
0x7c: {  	v24 =	vbroadcast v5, $0xB;
	v9 =	vsel vm6, v14, v9;
	v10 =	vsel vm7, v11, v10;
	s28 =	sand.u32 $0x70, s26;
	s31 =	spop (v2sf);
	v27 =	vld [tilespmem:s21+$0x1500]  }
0x7d: {  	v8 =	vperm.xlane v8, v26;
	v15 =	vperm.xlane v28, v55;
	(v2sf) =	vpush v4, $0xC;
	s22 =	sand.u32 $0x70, s31;
	v28 =	vld [tilespmem:s28+$0x1900]  }
0x7e: {  	v7 =	vperm.xlane v7, v29;
	v22 =	vperm.xlane v36, v21;
	(v2sf) =	vpush v3, $0xC;
	s23 =	spop (v2sf);
	s21 =	sand.u32 $0x70, s29;
	v36 =	vld [tilespmem:s22+$0x1580]  }
0x7f: {  	v12 =	vsel vm5, v12, v15;
	v15 =	vperm.xlane v34, v62;
	(v2sf) =	vpush v6, $0xD;
	s24 =	sand.u32 $0x70, s23;
	s25 =	spop (v2sf);
	v31 =	vld [tilespmem:s21+$0x1D00]  }
0x80: {  	v7 =	vsel vm7, v9, v7;
	v55 =	vbroadcast v4, $0xA;
	(v2sf) =	vpush v5, $0xD;
	s21 =	sand.u32 $0x70, s30;
	v38 =	vld [tilespmem:s24+$0x1980];
	s26 =	spop (v2sf)  }
0x81: {  	v62 =	vbroadcast v6, $0xB;
	v12 =	vsel vm6, v12, v15;
	(v2sf) =	vpush v4, $0xD;
	s22 =	sand.u32 $0x70, s25;
	v34 =	vld [tilespmem:s21+$0x2100];
	s28 =	spop (v2sf)  }
0x82: {  	v15 =	vperm.xlane v35, v25;
	v35 =	vbroadcast v4, $0x8;
	(v2sf) =	vpush v3, $0xD;
	v42 =	vld [tilespmem:s22+$0x1D80];
	s21 =	sand.u32 $0x70, s26;
	s29 =	spop (v2sf)  }
0x83: {  	v25 =	vbroadcast v4, $0xB;
	v13 =	vsel vm6, v13, v22;
	(v2sf) =	vpush v6, $0xE;
	v44 =	vld [tilespmem:s21+$0x2180];
	s30 =	sand.u32 $0x70, s28;
	s31 =	spop (v2sf)  }
0x84: {  	v12 =	vsel vm7, v12, v15;
	v8 =	vsel vm7, v13, v8;
	(v2sf) =	vpush v5, $0xE;
	v45 =	vld [tilespmem:s30+$0x1600];
	s24 =	sand.u32 $0x70, s29;
	s25 =	spop (v2sf)  }
0x85: {  	v33 =	vperm.xlane v27, v30;
	v11 =	vperm.xlane v28, v32;
	(v2sf) =	vpush v4, $0xE;
	v47 =	vld [tilespmem:s24+$0x1A00];
	s26 =	sand.u32 $0x70, s31;
	s28 =	spop (v2sf)  }
0x86: {  	v14 =	vperm.xlane v36, v41;
	v28 =	vbroadcast v3, $0xB;
	(v2sf) =	vpush v3, $0xE;
	v49 =	vld [tilespmem:s26+$0x1E00];
	s29 =	sand.u32 $0x70, s25;
	s30 =	spop (v2sf)  }
0x87: {  	v36 =	vbroadcast v4, $0xC;
	v39 =	vperm.xlane v31, v35;
	(v2sf) =	vpush v6, $0xF;
	v51 =	vld [tilespmem:s29+$0x2200];
	s31 =	sand.u32 $0x70, s28;
	s24 =	spop (v2sf)  }
0x88: {  	v35 =	vbroadcast v5, $0xC;
	v37 =	vsel vm0, v10, v33;
	v53 =	vld [tilespmem:s31+$0x1680];
	s22 =	sand.u32 $0x70, s30;
	(v2sf) =	vpush v5, $0xF;
	s23 =	spop (v2sf)  }
0x89: {  	v13 =	vperm.xlane v34, v40;
	v10 =	vperm.xlane v38, v43;
	v56 =	vld [tilespmem:s22+$0x1A80];
	s24 =	sand.u32 $0x70, s24;
	s25 =	spop (v2sf);
	(v2sf) =	vpush v4, $0xF  }
0x8a: {  	v50 =	vperm.xlane v42, v46;
	v33 =	vbroadcast v6, $0xC;
	v58 =	vld [tilespmem:s24+$0x1E80];
	s26 =	sand.u32 $0x70, s23;
	s28 =	spop (v2sf);
	(v2sf) =	vpush v3, $0xF  }
0x8b: {  	v38 =	vbroadcast v3, $0xC;
	v42 =	vbroadcast v6, $0xD;
	v9 =	vsel vm8, v37, v14;
	v61 =	vld [tilespmem:s26+$0x2280];
	s30 =	sand.u32 $0x70, s25  }
0x8c: {  	v7 =	vsel vm0, v7, v13;
	v13 =	vperm.xlane v44, v48;
	v14 =	vperm.xlane v45, v52;
	s29 =	spop (v2sf);
	v63 =	vld [tilespmem:s30+$0x1700];
	s25 =	sand.u32 $0x70, s28  }
0x8d: {  	v11 =	vsel vm0, v12, v11;
	v44 =	vbroadcast v5, $0xD;
	v45 =	vbroadcast v4, $0xD;
	s31 =	spop (v2sf);
	v26 =	vld [tilespmem:s25+$0x1B00];
	s28 =	sand.u32 $0x70, s29  }
0x8e: {  	v8 =	vsel vm0, v8, v39;
	v48 =	vbroadcast v3, $0xD;
	v52 =	vbroadcast v6, $0xE;
	s26 =	spop (v2sf);
	v29 =	vld [tilespmem:s28+$0x1F00];
	s30 =	sand.u32 $0x70, s31  }
0x8f: {  	v10 =	vsel vm8, v11, v10;
	v6 =	vbroadcast v6, $0xF;
	v59 =	vperm.xlane v47, v54;
	s29 =	spop (v2sf);
	v31 =	vld [tilespmem:s30+$0x2300];
	s25 =	sand.u32 $0x70, s26  }
0x90: {  	v8 =	vsel vm8, v8, v50;
	v54 =	vbroadcast v5, $0xE;
	v5 =	vbroadcast v5, $0xF;
	s31 =	spop (v2sf);
	v34 =	vld [tilespmem:s25+$0x1780];
	s28 =	sand.u32 $0x70, s29  }
0x91: {  	v60 =	vperm.xlane v49, v55;
	v7 =	vsel vm8, v7, v13;
	v55 =	vbroadcast v4, $0xE;
	s26 =	spop (v2sf);
	v37 =	vld [tilespmem:s28+$0x1B80];
	s30 =	sand.u32 $0x70, s31  }
0x92: {  	v9 =	vsel vm9, v9, v14;
	v4 =	vbroadcast v4, $0xF;
	v12 =	vperm.xlane v51, v57;
	s29 =	spop (v2sf);
	v39 =	vld [tilespmem:s30+$0x1F80];
	s25 =	sand.u32 $0x70, s26  }
0x93: {  	v10 =	vsel vm9, v10, v59;
	v27 =	vperm.xlane v53, v62;
	v8 =	vsel vm9, v8, v60;
	s31 =	spop (v2sf);
	v40 =	vld [tilespmem:s25+$0x2380];
	s28 =	sand.u32 $0x70, s29  }
0x94: {  	v14 =	vperm.xlane v56, v24;
	v7 =	vsel vm9, v7, v12;
	v30 =	vperm.xlane v58, v25;
	s26 =	spop (v2sf);
	v43 =	vld [tilespmem:s28+$0x1800];
	s30 =	sand.u32 $0x70, s31  }
0x95: {  	v9 =	vsel vm10, v9, v27;
	v32 =	vperm.xlane v61, v28;
	v61 =	vbroadcast v3, $0xE;
	s29 =	spop (v2sf);
	v46 =	vld [tilespmem:s30+$0x1C00];
	s22 =	sand.u32 $0x70, s26  }
0x96: {  	v10 =	vsel vm10, v10, v14;
	v3 =	vbroadcast v3, $0xF;
	v13 =	vperm.xlane v63, v33;
	s31 =	spop (v2sf);
	v49 =	vld [tilespmem:s22+$0x2000];
	s28 =	sand.u32 $0x70, s29  }
0x97: {  	v8 =	vsel vm10, v8, v30;
	v11 =	vperm.xlane v26, v35;
	v7 =	vsel vm10, v7, v32;
	s25 =	sand.u32 $0x70, s31;
	s26 =	spop (v2sf);
	v53 =	vld [tilespmem:s28+$0x2400]  }
0x98: {  	v16 =	vperm.xlane v29, v36;
	v9 =	vsel vm11, v9, v13;
	v41 =	vperm.xlane v31, v38;
	v50 =	vld [tilespmem:s25+$0x1880];
	s22 =	sand.u32 $0x70, s26;
	s29 =	spop (v2sf)  }
0x99: {  	v10 =	vsel vm11, v10, v11;
	v47 =	vperm.xlane v34, v42;
	v13 =	vperm.xlane v37, v44;
	v56 =	vld [tilespmem:s22+$0x1C80];
	s21 =	sand.u32 $0x70, s29;
	s30 =	spop (v2sf)  }
0x9a: {  	v8 =	vsel vm11, v8, v16;
	v7 =	vsel vm11, v7, v41;
	v15 =	vperm.xlane v39, v45;
	v58 =	vld [tilespmem:s21+$0x2080];
	s31 =	sand.u32 $0x70, s30  }
0x9b: {  	v9 =	vsel vm12, v9, v47;
	v51 =	vperm.xlane v40, v48;
	v10 =	vsel vm12, v10, v13;
	v60 =	vld [tilespmem:s31+$0x2480]  }
0x9c: {  	v57 =	vperm.xlane v43, v52;
	v8 =	vsel vm12, v8, v15;
	v11 =	vperm.xlane v46, v54  }
0x9d: {  	s17 =	sadd.s32 $0x10, s17;
	v7 =	vsel vm12, v7, v51;
	v59 =	vperm.xlane v49, v55;
	v6 =	vperm.xlane v50, v6  }
0x9e: {  	p0 =	sne.s32 s17, $0x100;
	v9 =	vsel vm13, v9, v57;
	v10 =	vsel vm13, v10, v11;
	v5 =	vperm.xlane v56, v5  }
.Ltmp0:
0x9f: {  	v62 =	vperm.xlane v53, v61;
	v6 =	vsel vm14, v9, v6;
	v4 =	vperm.xlane v58, v4;
	(pc) =	sbr.rel @p0 .LBB2_2-.Ltmp0, $4  }
0xa0: {  	v8 =	vsel vm13, v8, v59;
	v5 =	vsel vm14, v10, v5;
	[tilespmem:s19+$0x2500] =	vst v6;
	v3 =	vperm.xlane v60, v3  }
0xa1: {  	v63 =	vsel vm13, v7, v62;
	s19 =	sor.u32 $0x100, s19;
	[tilespmem:s20+$0x2500] =	vst v5;
	v4 =	vsel vm14, v8, v4  }
0xa2: {  	v3 =	vsel vm14, v63, v3;
	[tilespmem:s19+$0x2500] =	vst v4  }
0xa3: {  	s16 =	sadd.s32 $0x40, s16;
	s15 =	sadd.s32 $0x40, s15;
	[tilespmem:s18+$0x2500] =	vst v3  }
0xa4: {  	s14 =	sadd.s32 $0x1, s14  }
0xa5: {  	p0 =	sne.s32 s14, s6  }
.Ltmp1:
0xa6: {  	_ = 	snop;
	(pc) =	sbr.rel @p0 .LBB2_1-.Ltmp1, $4  }
0xa7: {  	[hbm4b:s5+s2] =	stream.linear.scatter [tilespmem:s13], [sflag:$0x2], $0x400, $0x38;
	[tilespmem:$0x2900] =	vst v63  }
0xa8: {  	_ =	swait.ge [sflag:s8], $0x400  }
0xa9: {  	[sflag:s8] =	ssyncset.done $0x0  }
0xaa: {  	[sflag:s8] =	ssyncadd.s32 $0xFFFFFC00  }
0xab: {  	_ =	sfence.sel $0x180000  }
0xac: {  	[bflag:$0x0] =	sbarrier.arrive $0xFFFF  }
0xad: {  	p0 =	sne.s32 s1, $0x0;
	_ =	strace $0x90000047  }
0xae: {  	s0 =	sadd.s32 @!p0 $0x100000, s0;
	[bflag:$0x2] =	sbarrier.arrive $0xFFFF  }
0xaf: {  	[sflag:s0] =	ssyncadd.tile.s32 @!p0 $0x1;
	_ =	shalt  }
.Lfunc_end2:
_tile_overlayer_lowered:
.L_overlay_start_2:
0xb0: {  	(tag) =	ssettag $0x2  }
0xb1: {  	s0 =	rddreg [dreg:$0x0];
	s2 =	stileid.u32  }
0xb2: {  	s1 =	rddreg [dreg:$0x1];
	p0 =	sne.s32 s2, $0x0  }
0xb3: {  	s3 =	rddreg [dreg:$0x2];
	[bflag:$0x3] =	sbarrier.arrive $0xFFFF;
	s2 =	simm.s32 @!p0 $0x1C02  }
0xb4: {  	[timem:s3], [sflag:s2] =	dma.local @!p0 [hbm:s0], s1  }
0xb5: {  	s0 =	simm.s32 @!p0 $0x2  }
0xb6: {  	_ =	swait.ge @!p0 [sflag:s0], s1  }
0xb7: {  	s1 =	ssub.s32 @!p0 $0x0, s1;
	[sflag:s0] =	ssyncset.done @!p0 $0x0  }
0xb8: {  	[sflag:s0] =	ssyncadd.s32 @!p0 s1  }
0xb9: {  	[bflag:$0x3] =	sbarrier.arrive $0xFFFF  }
0xba: {  	_ =	shalt  }

</sc_bundles>
